<compile_context>
chip_gen: v7x
topology: tpu7x:2x2x1
jax: 0.10.2.dev20260603
libtpu: 0.0.44.dev20260713+nightly
codegen_flags: <defaults>
</compile_context>

<pallas_src>
import jax
import jax.numpy as jnp
from jax import lax
from jax.experimental import pallas as pl
from jax.experimental.pallas import tpu as pltpu
from jax.experimental.pallas import tpu_sc as plsc

NUM_CORES = 2
NUM_SUBCORES = 16
LANES = 16

B = 16384
F = 26
V = 100000
BH = B // NUM_CORES
ROWS = BH // 128
OROWS = ROWS // 8
NH = 4
HROWS = ROWS // NH
HB = BH // NH


def _lookup_body(xt_hbm, tab_hbm, zer_hbm, out_hbm,
                 sub_v, idx_v, part_v, iota_v,
                 accum, sem_tab):
    c = lax.axis_index("c")
    s = lax.axis_index("s")

    for h in range(NH):
        iota_v[h, pl.ds(0, LANES)] = (
            lax.iota(jnp.int32, LANES) + h * HROWS)

    @pl.when(s >= 8)
    def _():
        pltpu.sync_copy(
            zer_hbm.at[pl.ds(pl.multiple_of((s - 8) * OROWS, 8), OROWS), :],
            accum.at[pl.ds(pl.multiple_of((s - 8) * OROWS, 8), OROWS), :])

    pltpu.async_copy(tab_hbm.at[pl.ds(pl.multiple_of(s * V, 8), V)],
                     sub_v, sem_tab)

    plsc.subcore_barrier()

    def do_feature(f, first):
        if first:
            pltpu.make_async_copy(
                tab_hbm.at[pl.ds(pl.multiple_of(f * V, 8), V)],
                sub_v, sem_tab).wait()
        else:
            pltpu.sync_copy(tab_hbm.at[pl.ds(pl.multiple_of(f * V, 8), V)],
                            sub_v)

        for h in range(NH):
            pltpu.sync_copy(
                xt_hbm.at[pl.ds(pl.multiple_of(f * B + c * BH + h * HB, 8),
                                HB)],
                idx_v)

            def gather_row(r, _):
                for l in range(128 // LANES):
                    iv = idx_v[pl.ds(r * 128 + l * LANES, LANES)]
                    iv = jnp.minimum(jnp.maximum(iv, 0), V - 1)
                    part_v[r, pl.ds(l * LANES, LANES)] = (
                        plsc.load_gather(sub_v, [iv]))
                return 0
            lax.fori_loop(0, HROWS, gather_row, 0)

            pltpu.sync_copy(part_v, accum.at[iota_v.at[h]], add=True)

    do_feature(s, True)

    @pl.when(s < F - NUM_SUBCORES)
    def _():
        do_feature(s + NUM_SUBCORES, False)

    plsc.subcore_barrier()

    @pl.when(s < ROWS // OROWS)
    def _():
        row0 = pl.multiple_of(c * ROWS + s * OROWS, 8)
        pltpu.sync_copy(
            accum.at[pl.ds(pl.multiple_of(s * OROWS, 8), OROWS), :],
            out_hbm.at[pl.ds(row0, OROWS), :])


@jax.jit
def _run(xt, tab, zer):
    mesh = plsc.VectorSubcoreMesh(
        core_axis_name="c", subcore_axis_name="s",
        num_cores=NUM_CORES, num_subcores=NUM_SUBCORES)
    return pl.kernel(
        _lookup_body,
        out_type=jax.ShapeDtypeStruct((B // 128, 128), jnp.float32),
        mesh=mesh,
        compiler_params=pltpu.CompilerParams(needs_layout_passes=False),
        scratch_types=[
            pltpu.VMEM((V,), jnp.float32),
            pltpu.VMEM((HB,), jnp.int32),
            pltpu.VMEM((HROWS, 128), jnp.float32),
            pltpu.VMEM((NH, LANES), jnp.int32),
            pltpu.VMEM_SHARED((ROWS, 128), jnp.float32),
            pltpu.SemaphoreType.DMA,
        ],
    )(xt, tab, zer)


def kernel(x, weights_embed, bias):
    xt = x.T.reshape(-1)
    tab = weights_embed.reshape(-1)
    zer = jnp.broadcast_to(bias, (ROWS, 128))
    out = _run(xt, tab, zer)
    return out.reshape(B, 1)

# --- scband reference (transcript-rebuilt; emitter-appended) ---
"""Pipeline reference for scband-linear-layer-27573690040703 (READ-ONLY COPY).

The authoritative reference and input builder live on the scoring server;
editing this copy changes nothing except your own understanding.
"""

import jax, jax.numpy as jnp
import numpy as np

NUM_FEATURES = [100000] * 26
OUTPUT_DIM = 1
TOTAL_ROWS = sum(NUM_FEATURES) + 1

def setup_inputs(seed: int = 0) -> dict:
    key = jax.random.key(seed)
    k1, k2, k3 = jax.random.split(key, 3)
    x = jax.random.randint(k1, (16384, 26), 0, 100000, dtype=jnp.int32)
    weights_embed = jax.random.normal(k2, (TOTAL_ROWS, OUTPUT_DIM), dtype=jnp.float32) * 0.01
    bias = jnp.zeros((OUTPUT_DIM,), dtype=jnp.float32)
    return {"x": x, "weights_embed": weights_embed, "bias": bias}

def reference(x, weights_embed, bias):
    offsets = jnp.asarray(np.concatenate([[0], np.cumsum(NUM_FEATURES)[:-1]]), dtype=jnp.int32)
    idx = x + offsets  # [B, F]
    emb = jnp.take(weights_embed, idx, axis=0)  # [B, F, D]
    return jnp.sum(emb, axis=1) + bias  # [B, D]

if __name__ == "__main__":
    import jax
    _d = setup_inputs()
    print(jax.jit(kernel)(*tuple(_d.values())))

</pallas_src>

<mosaic_0001>
#map = affine_map<(d0, d1) -> (0)>
#map1 = affine_map<(d0, d1) -> (0, 0)>
module attributes {stable_mosaic.version = 14 : i64} {
  func.func @_lookup_body(%arg0: i32, %arg1: i32, %arg2: memref<425984xi32, #tpu.memory_space<hbm>>, %arg3: memref<2600001xf32, #tpu.memory_space<hbm>>, %arg4: memref<64x128xf32, #tpu.memory_space<hbm>>, %arg5: memref<128x128xf32, #tpu.memory_space<hbm>>, %arg6: memref<100000xf32, #tpu.memory_space<vmem>>, %arg7: memref<2048xi32, #tpu.memory_space<vmem>>, %arg8: memref<16x128xf32, #tpu.memory_space<vmem>>, %arg9: memref<4x16xi32, #tpu.memory_space<vmem>>, %arg10: memref<64x128xf32, #tpu.memory_space<vmem_shared>>, %arg11: memref<!tpu.dma_semaphore, #tpu.memory_space<semaphore_mem>>) attributes {dimension_semantics = [#tpu.dimension_semantics<core_parallel>, #tpu.dimension_semantics<subcore_parallel>], iteration_bounds = array<i64: 2, 16>, scalar_prefetch = 0 : i64, scratch_operands = 6 : i64, tpu.core_type = #tpu.core_type<sc_vector_subcore>, window_params = [{transform_indices = #map}, {transform_indices = #map}, {transform_indices = #map1}, {transform_indices = #map1}]} {
    %iota3A = tpu.iota {dimensions = array<i32: 0>} : vector<16xi32>
    %add3A = arith.constant 0 : i32
    %add3A_0 = vector.broadcast %add3A : i32 to vector<16xi32>
    %add3A_1 = arith.addi %iota3A, %add3A_0 : vector<16xi32>
    %swap3A = arith.constant 0 : i32
    %swap3A_2 = arith.index_cast %swap3A : i32 to index
    %swap3A_3 = arith.constant 0 : index
    %swap3A_4 = tpu.vector_load %arg9[%swap3A_2, %swap3A_3] {strides = array<i32>} : memref<4x16xi32, #tpu.memory_space<vmem>>, vector<16xi32>,
    tpu.vector_store %arg9[%swap3A_2, %swap3A_3], %add3A_1 {strides = array<i32>} : memref<4x16xi32, #tpu.memory_space<vmem>>, vector<16xi32>,
    %iota3A_5 = tpu.iota {dimensions = array<i32: 0>} : vector<16xi32>
    %add3A_6 = arith.constant 16 : i32
    %add3A_7 = vector.broadcast %add3A_6 : i32 to vector<16xi32>
    %add3A_8 = arith.addi %iota3A_5, %add3A_7 : vector<16xi32>
    %swap3A_9 = arith.constant 1 : i32
    %swap3A_10 = arith.index_cast %swap3A_9 : i32 to index
    %swap3A_11 = arith.constant 0 : index
    %swap3A_12 = tpu.vector_load %arg9[%swap3A_10, %swap3A_11] {strides = array<i32>} : memref<4x16xi32, #tpu.memory_space<vmem>>, vector<16xi32>,
    tpu.vector_store %arg9[%swap3A_10, %swap3A_11], %add3A_8 {strides = array<i32>} : memref<4x16xi32, #tpu.memory_space<vmem>>, vector<16xi32>,
    %iota3A_13 = tpu.iota {dimensions = array<i32: 0>} : vector<16xi32>
    %add3A_14 = arith.constant 32 : i32
    %add3A_15 = vector.broadcast %add3A_14 : i32 to vector<16xi32>
    %add3A_16 = arith.addi %iota3A_13, %add3A_15 : vector<16xi32>
    %swap3A_17 = arith.constant 2 : i32
    %swap3A_18 = arith.index_cast %swap3A_17 : i32 to index
    %swap3A_19 = arith.constant 0 : index
    %swap3A_20 = tpu.vector_load %arg9[%swap3A_18, %swap3A_19] {strides = array<i32>} : memref<4x16xi32, #tpu.memory_space<vmem>>, vector<16xi32>,
    tpu.vector_store %arg9[%swap3A_18, %swap3A_19], %add3A_16 {strides = array<i32>} : memref<4x16xi32, #tpu.memory_space<vmem>>, vector<16xi32>,
    %iota3A_21 = tpu.iota {dimensions = array<i32: 0>} : vector<16xi32>
    %add3A_22 = arith.constant 48 : i32
    %add3A_23 = vector.broadcast %add3A_22 : i32 to vector<16xi32>
    %add3A_24 = arith.addi %iota3A_21, %add3A_23 : vector<16xi32>
    %swap3A_25 = arith.constant 3 : i32
    %swap3A_26 = arith.index_cast %swap3A_25 : i32 to index
    %swap3A_27 = arith.constant 0 : index
    %swap3A_28 = tpu.vector_load %arg9[%swap3A_26, %swap3A_27] {strides = array<i32>} : memref<4x16xi32, #tpu.memory_space<vmem>>, vector<16xi32>,
    tpu.vector_store %arg9[%swap3A_26, %swap3A_27], %add3A_24 {strides = array<i32>} : memref<4x16xi32, #tpu.memory_space<vmem>>, vector<16xi32>,
    %ge3A = arith.constant 8 : i32
    %ge3A_29 = arith.cmpi sge, %arg1, %ge3A : i32
    %convert_element_type3A = arith.extui %ge3A_29 : i1 to i32
    %cond3A = arith.constant 0 : i32
    %cond3A_30 = arith.cmpi ne, %convert_element_type3A, %cond3A : i32
    scf.if %cond3A_30 {
      %sub3A = arith.constant 8 : i32
      %sub3A_109 = arith.subi %arg1, %sub3A : i32
      %mul3A_110 = arith.constant 8 : i32
      %mul3A_111 = arith.muli %sub3A_109, %mul3A_110 : i32
      %multiple_of3A_112 = tpu.assume_multiple %mul3A_111, 8 : i32
      %sub3A_113 = arith.constant 8 : i32
      %sub3A_114 = arith.subi %arg1, %sub3A_113 : i32
      %mul3A_115 = arith.constant 8 : i32
      %mul3A_116 = arith.muli %sub3A_114, %mul3A_115 : i32
      %multiple_of3A_117 = tpu.assume_multiple %mul3A_116, 8 : i32
      "tpu.region"() ({
        %run_scoped3A_118 = tpu.sem_alloc : memref<!tpu.dma_semaphore, #tpu.memory_space<semaphore_mem>>
        %dma_start3A_119 = arith.constant 0 : i32
        %dma_start3A_120 = tpu.memref_slice %arg10[%multiple_of3A_117, %dma_start3A_119] : memref<64x128xf32, #tpu.memory_space<vmem_shared>> -> memref<8x128xf32, #tpu.memory_space<vmem_shared>>
        %dma_start3A_121 = arith.constant 0 : i32
        %dma_start3A_122 = tpu.memref_slice %arg4[%multiple_of3A_112, %dma_start3A_121] : memref<64x128xf32, #tpu.memory_space<hbm>> -> memref<8x128xf32, #tpu.memory_space<hbm>>
        tpu.enqueue_dma source(%dma_start3A_122 : memref<8x128xf32, #tpu.memory_space<hbm>>) target(%dma_start3A_120 : memref<8x128xf32, #tpu.memory_space<vmem_shared>>) target_semaphore(%run_scoped3A_118 : memref<!tpu.dma_semaphore, #tpu.memory_space<semaphore_mem>>)
        %dma_wait3A_123 = arith.constant 0 : i32
        %dma_wait3A_124 = tpu.memref_slice %arg10[%multiple_of3A_117, %dma_wait3A_123] : memref<64x128xf32, #tpu.memory_space<vmem_shared>> -> memref<8x128xf32, #tpu.memory_space<vmem_shared>>
        %dma_wait3A_125 = arith.constant 0 : i32
        %dma_wait3A_126 = tpu.memref_slice %arg4[%multiple_of3A_112, %dma_wait3A_125] : memref<64x128xf32, #tpu.memory_space<hbm>> -> memref<8x128xf32, #tpu.memory_space<hbm>>
        tpu.wait_dma2 semaphore(%run_scoped3A_118 : memref<!tpu.dma_semaphore, #tpu.memory_space<semaphore_mem>>) src(%dma_wait3A_126 : memref<8x128xf32, #tpu.memory_space<hbm>>) dst(%dma_wait3A_124 : memref<8x128xf32, #tpu.memory_space<vmem_shared>>)
        tpu.yield
      }) : () -> ()
    } else {
    }
    %mul3A = arith.constant 100000 : i32
    %mul3A_31 = arith.muli %arg1, %mul3A : i32
    %multiple_of3A = tpu.assume_multiple %mul3A_31, 8 : i32
    %dma_start3A = tpu.memref_slice %arg3[%multiple_of3A] : memref<2600001xf32, #tpu.memory_space<hbm>> -> memref<100000xf32, #tpu.memory_space<hbm>>
    %dma_start3A_32 = tpu.memref_slice %arg3[%multiple_of3A] : memref<2600001xf32, #tpu.memory_space<hbm>> -> memref<100000xf32, #tpu.memory_space<hbm>>
    tpu.enqueue_dma source(%dma_start3A_32 : memref<100000xf32, #tpu.memory_space<hbm>>) target(%arg6 : memref<100000xf32, #tpu.memory_space<vmem>>) target_semaphore(%arg11 : memref<!tpu.dma_semaphore, #tpu.memory_space<semaphore_mem>>)
    %barrier3A = arith.constant 0 : index
    tpu.barrier barrier_id(%barrier3A)
    %mul3A_33 = arith.constant 100000 : i32
    %mul3A_34 = arith.muli %arg1, %mul3A_33 : i32
    %multiple_of3A_35 = tpu.assume_multiple %mul3A_34, 8 : i32
    %dma_wait3A = tpu.memref_slice %arg3[%multiple_of3A_35] : memref<2600001xf32, #tpu.memory_space<hbm>> -> memref<100000xf32, #tpu.memory_space<hbm>>
    %dma_wait3A_36 = tpu.memref_slice %arg3[%multiple_of3A_35] : memref<2600001xf32, #tpu.memory_space<hbm>> -> memref<100000xf32, #tpu.memory_space<hbm>>
    tpu.wait_dma2 semaphore(%arg11 : memref<!tpu.dma_semaphore, #tpu.memory_space<semaphore_mem>>) src(%dma_wait3A_36 : memref<100000xf32, #tpu.memory_space<hbm>>) dst(%arg6 : memref<100000xf32, #tpu.memory_space<vmem>>)
    %mul3A_37 = arith.constant 16384 : i32
    %mul3A_38 = arith.muli %arg1, %mul3A_37 : i32
    %mul3A_39 = arith.constant 8192 : i32
    %mul3A_40 = arith.muli %arg0, %mul3A_39 : i32
    %add3A_41 = arith.addi %mul3A_38, %mul3A_40 : i32
    %add3A_42 = arith.constant 0 : i32
    %add3A_43 = arith.addi %add3A_41, %add3A_42 : i32
    %multiple_of3A_44 = tpu.assume_multiple %add3A_43, 8 : i32
    "tpu.region"() ({
      %run_scoped3A_109 = tpu.sem_alloc : memref<!tpu.dma_semaphore, #tpu.memory_space<semaphore_mem>>
      %dma_start3A_110 = tpu.memref_slice %arg2[%multiple_of3A_44] : memref<425984xi32, #tpu.memory_space<hbm>> -> memref<2048xi32, #tpu.memory_space<hbm>>
      %dma_start3A_111 = tpu.memref_slice %arg2[%multiple_of3A_44] : memref<425984xi32, #tpu.memory_space<hbm>> -> memref<2048xi32, #tpu.memory_space<hbm>>
      tpu.enqueue_dma source(%dma_start3A_111 : memref<2048xi32, #tpu.memory_space<hbm>>) target(%arg7 : memref<2048xi32, #tpu.memory_space<vmem>>) target_semaphore(%run_scoped3A_109 : memref<!tpu.dma_semaphore, #tpu.memory_space<semaphore_mem>>)
      %dma_wait3A_112 = tpu.memref_slice %arg2[%multiple_of3A_44] : memref<425984xi32, #tpu.memory_space<hbm>> -> memref<2048xi32, #tpu.memory_space<hbm>>
      %dma_wait3A_113 = tpu.memref_slice %arg2[%multiple_of3A_44] : memref<425984xi32, #tpu.memory_space<hbm>> -> memref<2048xi32, #tpu.memory_space<hbm>>
      tpu.wait_dma2 semaphore(%run_scoped3A_109 : memref<!tpu.dma_semaphore, #tpu.memory_space<semaphore_mem>>) src(%dma_wait3A_113 : memref<2048xi32, #tpu.memory_space<hbm>>) dst(%arg7 : memref<2048xi32, #tpu.memory_space<vmem>>)
      tpu.yield
    }) : () -> ()
    %scan3A = arith.constant 0 : i32
    %scan3A_45 = arith.constant 0 : i32
    %scan3A_46 = arith.constant 16 : i32
    %scan3A_47 = arith.addi %scan3A_45, %scan3A_46 : i32
    %scan3A_48 = arith.constant 1 : i32
    %scan3A_49 = scf.for %scan3A_109 = %scan3A_45 to %scan3A_47 step %scan3A_48 iter_args(%scan3A_110 = %scan3A) -> (i32)  : i32 {
      %mul3A_111 = arith.constant 128 : i32
      %mul3A_112 = arith.muli %scan3A_109, %mul3A_111 : i32
      %add3A_113 = arith.constant 0 : i32
      %add3A_114 = arith.addi %mul3A_112, %add3A_113 : i32
      %get3A = arith.index_cast %add3A_114 : i32 to index
      %get3A_115 = tpu.vector_load %arg7[%get3A] {strides = array<i32>} : memref<2048xi32, #tpu.memory_space<vmem>>, vector<16xi32>,
      %max3A = arith.constant 0 : i32
      %max3A_116 = vector.broadcast %max3A : i32 to vector<16xi32>
      %max3A_117 = arith.maxsi %get3A_115, %max3A_116 : vector<16xi32>
      %min3A = arith.constant 99999 : i32
      %min3A_118 = vector.broadcast %min3A : i32 to vector<16xi32>
      %min3A_119 = arith.minsi %max3A_117, %min3A_118 : vector<16xi32>
      %gather3A = tpu.vector_load_idx %arg6[%min3A_119] : memref<100000xf32, #tpu.memory_space<vmem>>[vector<16xi32>], vector<16xf32>,
      %swap3A_120 = arith.index_cast %scan3A_109 : i32 to index
      %swap3A_121 = arith.constant 0 : index
      %swap3A_122 = tpu.vector_load %arg8[%swap3A_120, %swap3A_121] {strides = array<i32>} : memref<16x128xf32, #tpu.memory_space<vmem>>, vector<16xf32>,
      tpu.vector_store %arg8[%swap3A_120, %swap3A_121], %gather3A {strides = array<i32>} : memref<16x128xf32, #tpu.memory_space<vmem>>, vector<16xf32>,
      %mul3A_123 = arith.constant 128 : i32
      %mul3A_124 = arith.muli %scan3A_109, %mul3A_123 : i32
      %add3A_125 = arith.constant 16 : i32
      %add3A_126 = arith.addi %mul3A_124, %add3A_125 : i32
      %get3A_127 = arith.index_cast %add3A_126 : i32 to index
      %get3A_128 = tpu.vector_load %arg7[%get3A_127] {strides = array<i32>} : memref<2048xi32, #tpu.memory_space<vmem>>, vector<16xi32>,
      %max3A_129 = arith.constant 0 : i32
      %max3A_130 = vector.broadcast %max3A_129 : i32 to vector<16xi32>
      %max3A_131 = arith.maxsi %get3A_128, %max3A_130 : vector<16xi32>
      %min3A_132 = arith.constant 99999 : i32
      %min3A_133 = vector.broadcast %min3A_132 : i32 to vector<16xi32>
      %min3A_134 = arith.minsi %max3A_131, %min3A_133 : vector<16xi32>
      %gather3A_135 = tpu.vector_load_idx %arg6[%min3A_134] : memref<100000xf32, #tpu.memory_space<vmem>>[vector<16xi32>], vector<16xf32>,
      %swap3A_136 = arith.index_cast %scan3A_109 : i32 to index
      %swap3A_137 = arith.constant 16 : index
      %swap3A_138 = tpu.vector_load %arg8[%swap3A_136, %swap3A_137] {strides = array<i32>} : memref<16x128xf32, #tpu.memory_space<vmem>>, vector<16xf32>,
      tpu.vector_store %arg8[%swap3A_136, %swap3A_137], %gather3A_135 {strides = array<i32>} : memref<16x128xf32, #tpu.memory_space<vmem>>, vector<16xf32>,
      %mul3A_139 = arith.constant 128 : i32
      %mul3A_140 = arith.muli %scan3A_109, %mul3A_139 : i32
      %add3A_141 = arith.constant 32 : i32
      %add3A_142 = arith.addi %mul3A_140, %add3A_141 : i32
      %get3A_143 = arith.index_cast %add3A_142 : i32 to index
      %get3A_144 = tpu.vector_load %arg7[%get3A_143] {strides = array<i32>} : memref<2048xi32, #tpu.memory_space<vmem>>, vector<16xi32>,
      %max3A_145 = arith.constant 0 : i32
      %max3A_146 = vector.broadcast %max3A_145 : i32 to vector<16xi32>
      %max3A_147 = arith.maxsi %get3A_144, %max3A_146 : vector<16xi32>
      %min3A_148 = arith.constant 99999 : i32
      %min3A_149 = vector.broadcast %min3A_148 : i32 to vector<16xi32>
      %min3A_150 = arith.minsi %max3A_147, %min3A_149 : vector<16xi32>
      %gather3A_151 = tpu.vector_load_idx %arg6[%min3A_150] : memref<100000xf32, #tpu.memory_space<vmem>>[vector<16xi32>], vector<16xf32>,
      %swap3A_152 = arith.index_cast %scan3A_109 : i32 to index
      %swap3A_153 = arith.constant 32 : index
      %swap3A_154 = tpu.vector_load %arg8[%swap3A_152, %swap3A_153] {strides = array<i32>} : memref<16x128xf32, #tpu.memory_space<vmem>>, vector<16xf32>,
      tpu.vector_store %arg8[%swap3A_152, %swap3A_153], %gather3A_151 {strides = array<i32>} : memref<16x128xf32, #tpu.memory_space<vmem>>, vector<16xf32>,
      %mul3A_155 = arith.constant 128 : i32
      %mul3A_156 = arith.muli %scan3A_109, %mul3A_155 : i32
      %add3A_157 = arith.constant 48 : i32
      %add3A_158 = arith.addi %mul3A_156, %add3A_157 : i32
      %get3A_159 = arith.index_cast %add3A_158 : i32 to index
      %get3A_160 = tpu.vector_load %arg7[%get3A_159] {strides = array<i32>} : memref<2048xi32, #tpu.memory_space<vmem>>, vector<16xi32>,
      %max3A_161 = arith.constant 0 : i32
      %max3A_162 = vector.broadcast %max3A_161 : i32 to vector<16xi32>
      %max3A_163 = arith.maxsi %get3A_160, %max3A_162 : vector<16xi32>
      %min3A_164 = arith.constant 99999 : i32
      %min3A_165 = vector.broadcast %min3A_164 : i32 to vector<16xi32>
      %min3A_166 = arith.minsi %max3A_163, %min3A_165 : vector<16xi32>
      %gather3A_167 = tpu.vector_load_idx %arg6[%min3A_166] : memref<100000xf32, #tpu.memory_space<vmem>>[vector<16xi32>], vector<16xf32>,
      %swap3A_168 = arith.index_cast %scan3A_109 : i32 to index
      %swap3A_169 = arith.constant 48 : index
      %swap3A_170 = tpu.vector_load %arg8[%swap3A_168, %swap3A_169] {strides = array<i32>} : memref<16x128xf32, #tpu.memory_space<vmem>>, vector<16xf32>,
      tpu.vector_store %arg8[%swap3A_168, %swap3A_169], %gather3A_167 {strides = array<i32>} : memref<16x128xf32, #tpu.memory_space<vmem>>, vector<16xf32>,
      %mul3A_171 = arith.constant 128 : i32
      %mul3A_172 = arith.muli %scan3A_109, %mul3A_171 : i32
      %add3A_173 = arith.constant 64 : i32
      %add3A_174 = arith.addi %mul3A_172, %add3A_173 : i32
      %get3A_175 = arith.index_cast %add3A_174 : i32 to index
      %get3A_176 = tpu.vector_load %arg7[%get3A_175] {strides = array<i32>} : memref<2048xi32, #tpu.memory_space<vmem>>, vector<16xi32>,
      %max3A_177 = arith.constant 0 : i32
      %max3A_178 = vector.broadcast %max3A_177 : i32 to vector<16xi32>
      %max3A_179 = arith.maxsi %get3A_176, %max3A_178 : vector<16xi32>
      %min3A_180 = arith.constant 99999 : i32
      %min3A_181 = vector.broadcast %min3A_180 : i32 to vector<16xi32>
      %min3A_182 = arith.minsi %max3A_179, %min3A_181 : vector<16xi32>
      %gather3A_183 = tpu.vector_load_idx %arg6[%min3A_182] : memref<100000xf32, #tpu.memory_space<vmem>>[vector<16xi32>], vector<16xf32>,
      %swap3A_184 = arith.index_cast %scan3A_109 : i32 to index
      %swap3A_185 = arith.constant 64 : index
      %swap3A_186 = tpu.vector_load %arg8[%swap3A_184, %swap3A_185] {strides = array<i32>} : memref<16x128xf32, #tpu.memory_space<vmem>>, vector<16xf32>,
      tpu.vector_store %arg8[%swap3A_184, %swap3A_185], %gather3A_183 {strides = array<i32>} : memref<16x128xf32, #tpu.memory_space<vmem>>, vector<16xf32>,
      %mul3A_187 = arith.constant 128 : i32
      %mul3A_188 = arith.muli %scan3A_109, %mul3A_187 : i32
      %add3A_189 = arith.constant 80 : i32
      %add3A_190 = arith.addi %mul3A_188, %add3A_189 : i32
      %get3A_191 = arith.index_cast %add3A_190 : i32 to index
      %get3A_192 = tpu.vector_load %arg7[%get3A_191] {strides = array<i32>} : memref<2048xi32, #tpu.memory_space<vmem>>, vector<16xi32>,
      %max3A_193 = arith.constant 0 : i32
      %max3A_194 = vector.broadcast %max3A_193 : i32 to vector<16xi32>
      %max3A_195 = arith.maxsi %get3A_192, %max3A_194 : vector<16xi32>
      %min3A_196 = arith.constant 99999 : i32
      %min3A_197 = vector.broadcast %min3A_196 : i32 to vector<16xi32>
      %min3A_198 = arith.minsi %max3A_195, %min3A_197 : vector<16xi32>
      %gather3A_199 = tpu.vector_load_idx %arg6[%min3A_198] : memref<100000xf32, #tpu.memory_space<vmem>>[vector<16xi32>], vector<16xf32>,
      %swap3A_200 = arith.index_cast %scan3A_109 : i32 to index
      %swap3A_201 = arith.constant 80 : index
      %swap3A_202 = tpu.vector_load %arg8[%swap3A_200, %swap3A_201] {strides = array<i32>} : memref<16x128xf32, #tpu.memory_space<vmem>>, vector<16xf32>,
      tpu.vector_store %arg8[%swap3A_200, %swap3A_201], %gather3A_199 {strides = array<i32>} : memref<16x128xf32, #tpu.memory_space<vmem>>, vector<16xf32>,
      %mul3A_203 = arith.constant 128 : i32
      %mul3A_204 = arith.muli %scan3A_109, %mul3A_203 : i32
      %add3A_205 = arith.constant 96 : i32
      %add3A_206 = arith.addi %mul3A_204, %add3A_205 : i32
      %get3A_207 = arith.index_cast %add3A_206 : i32 to index
      %get3A_208 = tpu.vector_load %arg7[%get3A_207] {strides = array<i32>} : memref<2048xi32, #tpu.memory_space<vmem>>, vector<16xi32>,
      %max3A_209 = arith.constant 0 : i32
      %max3A_210 = vector.broadcast %max3A_209 : i32 to vector<16xi32>
      %max3A_211 = arith.maxsi %get3A_208, %max3A_210 : vector<16xi32>
      %min3A_212 = arith.constant 99999 : i32
      %min3A_213 = vector.broadcast %min3A_212 : i32 to vector<16xi32>
      %min3A_214 = arith.minsi %max3A_211, %min3A_213 : vector<16xi32>
      %gather3A_215 = tpu.vector_load_idx %arg6[%min3A_214] : memref<100000xf32, #tpu.memory_space<vmem>>[vector<16xi32>], vector<16xf32>,
      %swap3A_216 = arith.index_cast %scan3A_109 : i32 to index
      %swap3A_217 = arith.constant 96 : index
      %swap3A_218 = tpu.vector_load %arg8[%swap3A_216, %swap3A_217] {strides = array<i32>} : memref<16x128xf32, #tpu.memory_space<vmem>>, vector<16xf32>,
      tpu.vector_store %arg8[%swap3A_216, %swap3A_217], %gather3A_215 {strides = array<i32>} : memref<16x128xf32, #tpu.memory_space<vmem>>, vector<16xf32>,
      %mul3A_219 = arith.constant 128 : i32
      %mul3A_220 = arith.muli %scan3A_109, %mul3A_219 : i32
      %add3A_221 = arith.constant 112 : i32
      %add3A_222 = arith.addi %mul3A_220, %add3A_221 : i32
      %get3A_223 = arith.index_cast %add3A_222 : i32 to index
      %get3A_224 = tpu.vector_load %arg7[%get3A_223] {strides = array<i32>} : memref<2048xi32, #tpu.memory_space<vmem>>, vector<16xi32>,
      %max3A_225 = arith.constant 0 : i32
      %max3A_226 = vector.broadcast %max3A_225 : i32 to vector<16xi32>
      %max3A_227 = arith.maxsi %get3A_224, %max3A_226 : vector<16xi32>
      %min3A_228 = arith.constant 99999 : i32
      %min3A_229 = vector.broadcast %min3A_228 : i32 to vector<16xi32>
      %min3A_230 = arith.minsi %max3A_227, %min3A_229 : vector<16xi32>
      %gather3A_231 = tpu.vector_load_idx %arg6[%min3A_230] : memref<100000xf32, #tpu.memory_space<vmem>>[vector<16xi32>], vector<16xf32>,
      %swap3A_232 = arith.index_cast %scan3A_109 : i32 to index
      %swap3A_233 = arith.constant 112 : index
      %swap3A_234 = tpu.vector_load %arg8[%swap3A_232, %swap3A_233] {strides = array<i32>} : memref<16x128xf32, #tpu.memory_space<vmem>>, vector<16xf32>,
      tpu.vector_store %arg8[%swap3A_232, %swap3A_233], %gather3A_231 {strides = array<i32>} : memref<16x128xf32, #tpu.memory_space<vmem>>, vector<16xf32>,
      %scan3A_235 = arith.constant 0 : i32
      scf.yield %scan3A_235 : i32
    }
    %scan3A_50 = arith.constant 16 : i32
    %run_scoped3A = arith.constant 0 : i32
    "tpu.region"() ({
      %run_scoped3A_109 = tpu.sem_alloc : memref<!tpu.dma_semaphore, #tpu.memory_space<semaphore_mem>>
      %dma_start3A_110 = arith.constant 0 : i32
      %dma_start3A_111 = tpu.memref_slice %arg9[%run_scoped3A, %dma_start3A_110] : memref<4x16xi32, #tpu.memory_space<vmem>> -> memref<1x16xi32, #tpu.memory_space<vmem>>
      %dma_start3A_112 = tpu.memref_squeeze %dma_start3A_111 : memref<1x16xi32, #tpu.memory_space<vmem>> -> memref<16xi32, #tpu.memory_space<vmem>>
      %dma_start3A_113 = arith.constant 0 : i32
      %dma_start3A_114 = arith.constant 0 : i32
      %dma_start3A_115 = tpu.memref_slice %arg10[%dma_start3A_113, %dma_start3A_114] : memref<64x128xf32, #tpu.memory_space<vmem_shared>> -> memref<64x128xf32, #tpu.memory_space<vmem_shared>>
      tpu.enqueue_indirect_dma source(%arg8 : memref<16x128xf32, #tpu.memory_space<vmem>>) target(%dma_start3A_115 : memref<64x128xf32, #tpu.memory_space<vmem_shared>>) offsets(%dma_start3A_112 : memref<16xi32, #tpu.memory_space<vmem>>) semaphore(%run_scoped3A_109 : memref<!tpu.dma_semaphore, #tpu.memory_space<semaphore_mem>>) {add = true}
      %dma_wait3A_116 = arith.constant 0 : i32
      %dma_wait3A_117 = tpu.memref_slice %arg9[%run_scoped3A, %dma_wait3A_116] : memref<4x16xi32, #tpu.memory_space<vmem>> -> memref<1x16xi32, #tpu.memory_space<vmem>>
      %dma_wait3A_118 = tpu.memref_squeeze %dma_wait3A_117 : memref<1x16xi32, #tpu.memory_space<vmem>> -> memref<16xi32, #tpu.memory_space<vmem>>
      %dma_wait3A_119 = arith.constant 0 : i32
      %dma_wait3A_120 = arith.constant 0 : i32
      %dma_wait3A_121 = tpu.memref_slice %arg10[%dma_wait3A_119, %dma_wait3A_120] : memref<64x128xf32, #tpu.memory_space<vmem_shared>> -> memref<64x128xf32, #tpu.memory_space<vmem_shared>>
      tpu.wait_indirect_dma semaphore(%run_scoped3A_109 : memref<!tpu.dma_semaphore, #tpu.memory_space<semaphore_mem>>) src(%arg8 : memref<16x128xf32, #tpu.memory_space<vmem>>) dst(%dma_wait3A_121 : memref<64x128xf32, #tpu.memory_space<vmem_shared>>)
      tpu.yield
    }) : () -> ()
    %mul3A_51 = arith.constant 16384 : i32
    %mul3A_52 = arith.muli %arg1, %mul3A_51 : i32
    %mul3A_53 = arith.constant 8192 : i32
    %mul3A_54 = arith.muli %arg0, %mul3A_53 : i32
    %add3A_55 = arith.addi %mul3A_52, %mul3A_54 : i32
    %add3A_56 = arith.constant 2048 : i32
    %add3A_57 = arith.addi %add3A_55, %add3A_56 : i32
    %multiple_of3A_58 = tpu.assume_multiple %add3A_57, 8 : i32
    "tpu.region"() ({
      %run_scoped3A_109 = tpu.sem_alloc : memref<!tpu.dma_semaphore, #tpu.memory_space<semaphore_mem>>
      %dma_start3A_110 = tpu.memref_slice %arg2[%multiple_of3A_58] : memref<425984xi32, #tpu.memory_space<hbm>> -> memref<2048xi32, #tpu.memory_space<hbm>>
      %dma_start3A_111 = tpu.memref_slice %arg2[%multiple_of3A_58] : memref<425984xi32, #tpu.memory_space<hbm>> -> memref<2048xi32, #tpu.memory_space<hbm>>
      tpu.enqueue_dma source(%dma_start3A_111 : memref<2048xi32, #tpu.memory_space<hbm>>) target(%arg7 : memref<2048xi32, #tpu.memory_space<vmem>>) target_semaphore(%run_scoped3A_109 : memref<!tpu.dma_semaphore, #tpu.memory_space<semaphore_mem>>)
      %dma_wait3A_112 = tpu.memref_slice %arg2[%multiple_of3A_58] : memref<425984xi32, #tpu.memory_space<hbm>> -> memref<2048xi32, #tpu.memory_space<hbm>>
      %dma_wait3A_113 = tpu.memref_slice %arg2[%multiple_of3A_58] : memref<425984xi32, #tpu.memory_space<hbm>> -> memref<2048xi32, #tpu.memory_space<hbm>>
      tpu.wait_dma2 semaphore(%run_scoped3A_109 : memref<!tpu.dma_semaphore, #tpu.memory_space<semaphore_mem>>) src(%dma_wait3A_113 : memref<2048xi32, #tpu.memory_space<hbm>>) dst(%arg7 : memref<2048xi32, #tpu.memory_space<vmem>>)
      tpu.yield
    }) : () -> ()
    %scan3A_59 = arith.constant 0 : i32
    %scan3A_60 = arith.constant 0 : i32
    %scan3A_61 = arith.constant 16 : i32
    %scan3A_62 = arith.addi %scan3A_60, %scan3A_61 : i32
    %scan3A_63 = arith.constant 1 : i32
    %scan3A_64 = scf.for %scan3A_109 = %scan3A_60 to %scan3A_62 step %scan3A_63 iter_args(%scan3A_110 = %scan3A_59) -> (i32)  : i32 {
      %mul3A_111 = arith.constant 128 : i32
      %mul3A_112 = arith.muli %scan3A_109, %mul3A_111 : i32
      %add3A_113 = arith.constant 0 : i32
      %add3A_114 = arith.addi %mul3A_112, %add3A_113 : i32
      %get3A = arith.index_cast %add3A_114 : i32 to index
      %get3A_115 = tpu.vector_load %arg7[%get3A] {strides = array<i32>} : memref<2048xi32, #tpu.memory_space<vmem>>, vector<16xi32>,
      %max3A = arith.constant 0 : i32
      %max3A_116 = vector.broadcast %max3A : i32 to vector<16xi32>
      %max3A_117 = arith.maxsi %get3A_115, %max3A_116 : vector<16xi32>
      %min3A = arith.constant 99999 : i32
      %min3A_118 = vector.broadcast %min3A : i32 to vector<16xi32>
      %min3A_119 = arith.minsi %max3A_117, %min3A_118 : vector<16xi32>
      %gather3A = tpu.vector_load_idx %arg6[%min3A_119] : memref<100000xf32, #tpu.memory_space<vmem>>[vector<16xi32>], vector<16xf32>,
      %swap3A_120 = arith.index_cast %scan3A_109 : i32 to index
      %swap3A_121 = arith.constant 0 : index
      %swap3A_122 = tpu.vector_load %arg8[%swap3A_120, %swap3A_121] {strides = array<i32>} : memref<16x128xf32, #tpu.memory_space<vmem>>, vector<16xf32>,
      tpu.vector_store %arg8[%swap3A_120, %swap3A_121], %gather3A {strides = array<i32>} : memref<16x128xf32, #tpu.memory_space<vmem>>, vector<16xf32>,
      %mul3A_123 = arith.constant 128 : i32
      %mul3A_124 = arith.muli %scan3A_109, %mul3A_123 : i32
      %add3A_125 = arith.constant 16 : i32
      %add3A_126 = arith.addi %mul3A_124, %add3A_125 : i32
      %get3A_127 = arith.index_cast %add3A_126 : i32 to index
      %get3A_128 = tpu.vector_load %arg7[%get3A_127] {strides = array<i32>} : memref<2048xi32, #tpu.memory_space<vmem>>, vector<16xi32>,
      %max3A_129 = arith.constant 0 : i32
      %max3A_130 = vector.broadcast %max3A_129 : i32 to vector<16xi32>
      %max3A_131 = arith.maxsi %get3A_128, %max3A_130 : vector<16xi32>
      %min3A_132 = arith.constant 99999 : i32
      %min3A_133 = vector.broadcast %min3A_132 : i32 to vector<16xi32>
      %min3A_134 = arith.minsi %max3A_131, %min3A_133 : vector<16xi32>
      %gather3A_135 = tpu.vector_load_idx %arg6[%min3A_134] : memref<100000xf32, #tpu.memory_space<vmem>>[vector<16xi32>], vector<16xf32>,
      %swap3A_136 = arith.index_cast %scan3A_109 : i32 to index
      %swap3A_137 = arith.constant 16 : index
      %swap3A_138 = tpu.vector_load %arg8[%swap3A_136, %swap3A_137] {strides = array<i32>} : memref<16x128xf32, #tpu.memory_space<vmem>>, vector<16xf32>,
      tpu.vector_store %arg8[%swap3A_136, %swap3A_137], %gather3A_135 {strides = array<i32>} : memref<16x128xf32, #tpu.memory_space<vmem>>, vector<16xf32>,
      %mul3A_139 = arith.constant 128 : i32
      %mul3A_140 = arith.muli %scan3A_109, %mul3A_139 : i32
      %add3A_141 = arith.constant 32 : i32
      %add3A_142 = arith.addi %mul3A_140, %add3A_141 : i32
      %get3A_143 = arith.index_cast %add3A_142 : i32 to index
      %get3A_144 = tpu.vector_load %arg7[%get3A_143] {strides = array<i32>} : memref<2048xi32, #tpu.memory_space<vmem>>, vector<16xi32>,
      %max3A_145 = arith.constant 0 : i32
      %max3A_146 = vector.broadcast %max3A_145 : i32 to vector<16xi32>
      %max3A_147 = arith.maxsi %get3A_144, %max3A_146 : vector<16xi32>
      %min3A_148 = arith.constant 99999 : i32
      %min3A_149 = vector.broadcast %min3A_148 : i32 to vector<16xi32>
      %min3A_150 = arith.minsi %max3A_147, %min3A_149 : vector<16xi32>
      %gather3A_151 = tpu.vector_load_idx %arg6[%min3A_150] : memref<100000xf32, #tpu.memory_space<vmem>>[vector<16xi32>], vector<16xf32>,
      %swap3A_152 = arith.index_cast %scan3A_109 : i32 to index
      %swap3A_153 = arith.constant 32 : index
      %swap3A_154 = tpu.vector_load %arg8[%swap3A_152, %swap3A_153] {strides = array<i32>} : memref<16x128xf32, #tpu.memory_space<vmem>>, vector<16xf32>,
      tpu.vector_store %arg8[%swap3A_152, %swap3A_153], %gather3A_151 {strides = array<i32>} : memref<16x128xf32, #tpu.memory_space<vmem>>, vector<16xf32>,
      %mul3A_155 = arith.constant 128 : i32
      %mul3A_156 = arith.muli %scan3A_109, %mul3A_155 : i32
      %add3A_157 = arith.constant 48 : i32
      %add3A_158 = arith.addi %mul3A_156, %add3A_157 : i32
      %get3A_159 = arith.index_cast %add3A_158 : i32 to index
      %get3A_160 = tpu.vector_load %arg7[%get3A_159] {strides = array<i32>} : memref<2048xi32, #tpu.memory_space<vmem>>, vector<16xi32>,
      %max3A_161 = arith.constant 0 : i32
      %max3A_162 = vector.broadcast %max3A_161 : i32 to vector<16xi32>
      %max3A_163 = arith.maxsi %get3A_160, %max3A_162 : vector<16xi32>
      %min3A_164 = arith.constant 99999 : i32
      %min3A_165 = vector.broadcast %min3A_164 : i32 to vector<16xi32>
      %min3A_166 = arith.minsi %max3A_163, %min3A_165 : vector<16xi32>
      %gather3A_167 = tpu.vector_load_idx %arg6[%min3A_166] : memref<100000xf32, #tpu.memory_space<vmem>>[vector<16xi32>], vector<16xf32>,
      %swap3A_168 = arith.index_cast %scan3A_109 : i32 to index
      %swap3A_169 = arith.constant 48 : index
      %swap3A_170 = tpu.vector_load %arg8[%swap3A_168, %swap3A_169] {strides = array<i32>} : memref<16x128xf32, #tpu.memory_space<vmem>>, vector<16xf32>,
      tpu.vector_store %arg8[%swap3A_168, %swap3A_169], %gather3A_167 {strides = array<i32>} : memref<16x128xf32, #tpu.memory_space<vmem>>, vector<16xf32>,
      %mul3A_171 = arith.constant 128 : i32
      %mul3A_172 = arith.muli %scan3A_109, %mul3A_171 : i32
      %add3A_173 = arith.constant 64 : i32
      %add3A_174 = arith.addi %mul3A_172, %add3A_173 : i32
      %get3A_175 = arith.index_cast %add3A_174 : i32 to index
      %get3A_176 = tpu.vector_load %arg7[%get3A_175] {strides = array<i32>} : memref<2048xi32, #tpu.memory_space<vmem>>, vector<16xi32>,
      %max3A_177 = arith.constant 0 : i32
      %max3A_178 = vector.broadcast %max3A_177 : i32 to vector<16xi32>
      %max3A_179 = arith.maxsi %get3A_176, %max3A_178 : vector<16xi32>
      %min3A_180 = arith.constant 99999 : i32
      %min3A_181 = vector.broadcast %min3A_180 : i32 to vector<16xi32>
      %min3A_182 = arith.minsi %max3A_179, %min3A_181 : vector<16xi32>
      %gather3A_183 = tpu.vector_load_idx %arg6[%min3A_182] : memref<100000xf32, #tpu.memory_space<vmem>>[vector<16xi32>], vector<16xf32>,
      %swap3A_184 = arith.index_cast %scan3A_109 : i32 to index
      %swap3A_185 = arith.constant 64 : index
      %swap3A_186 = tpu.vector_load %arg8[%swap3A_184, %swap3A_185] {strides = array<i32>} : memref<16x128xf32, #tpu.memory_space<vmem>>, vector<16xf32>,
      tpu.vector_store %arg8[%swap3A_184, %swap3A_185], %gather3A_183 {strides = array<i32>} : memref<16x128xf32, #tpu.memory_space<vmem>>, vector<16xf32>,
      %mul3A_187 = arith.constant 128 : i32
      %mul3A_188 = arith.muli %scan3A_109, %mul3A_187 : i32
      %add3A_189 = arith.constant 80 : i32
      %add3A_190 = arith.addi %mul3A_188, %add3A_189 : i32
      %get3A_191 = arith.index_cast %add3A_190 : i32 to index
      %get3A_192 = tpu.vector_load %arg7[%get3A_191] {strides = array<i32>} : memref<2048xi32, #tpu.memory_space<vmem>>, vector<16xi32>,
      %max3A_193 = arith.constant 0 : i32
      %max3A_194 = vector.broadcast %max3A_193 : i32 to vector<16xi32>
      %max3A_195 = arith.maxsi %get3A_192, %max3A_194 : vector<16xi32>
      %min3A_196 = arith.constant 99999 : i32
      %min3A_197 = vector.broadcast %min3A_196 : i32 to vector<16xi32>
      %min3A_198 = arith.minsi %max3A_195, %min3A_197 : vector<16xi32>
      %gather3A_199 = tpu.vector_load_idx %arg6[%min3A_198] : memref<100000xf32, #tpu.memory_space<vmem>>[vector<16xi32>], vector<16xf32>,
      %swap3A_200 = arith.index_cast %scan3A_109 : i32 to index
      %swap3A_201 = arith.constant 80 : index
      %swap3A_202 = tpu.vector_load %arg8[%swap3A_200, %swap3A_201] {strides = array<i32>} : memref<16x128xf32, #tpu.memory_space<vmem>>, vector<16xf32>,
      tpu.vector_store %arg8[%swap3A_200, %swap3A_201], %gather3A_199 {strides = array<i32>} : memref<16x128xf32, #tpu.memory_space<vmem>>, vector<16xf32>,
      %mul3A_203 = arith.constant 128 : i32
      %mul3A_204 = arith.muli %scan3A_109, %mul3A_203 : i32
      %add3A_205 = arith.constant 96 : i32
      %add3A_206 = arith.addi %mul3A_204, %add3A_205 : i32
      %get3A_207 = arith.index_cast %add3A_206 : i32 to index
      %get3A_208 = tpu.vector_load %arg7[%get3A_207] {strides = array<i32>} : memref<2048xi32, #tpu.memory_space<vmem>>, vector<16xi32>,
      %max3A_209 = arith.constant 0 : i32
      %max3A_210 = vector.broadcast %max3A_209 : i32 to vector<16xi32>
      %max3A_211 = arith.maxsi %get3A_208, %max3A_210 : vector<16xi32>
      %min3A_212 = arith.constant 99999 : i32
      %min3A_213 = vector.broadcast %min3A_212 : i32 to vector<16xi32>
      %min3A_214 = arith.minsi %max3A_211, %min3A_213 : vector<16xi32>
      %gather3A_215 = tpu.vector_load_idx %arg6[%min3A_214] : memref<100000xf32, #tpu.memory_space<vmem>>[vector<16xi32>], vector<16xf32>,
      %swap3A_216 = arith.index_cast %scan3A_109 : i32 to index
      %swap3A_217 = arith.constant 96 : index
      %swap3A_218 = tpu.vector_load %arg8[%swap3A_216, %swap3A_217] {strides = array<i32>} : memref<16x128xf32, #tpu.memory_space<vmem>>, vector<16xf32>,
      tpu.vector_store %arg8[%swap3A_216, %swap3A_217], %gather3A_215 {strides = array<i32>} : memref<16x128xf32, #tpu.memory_space<vmem>>, vector<16xf32>,
      %mul3A_219 = arith.constant 128 : i32
      %mul3A_220 = arith.muli %scan3A_109, %mul3A_219 : i32
      %add3A_221 = arith.constant 112 : i32
      %add3A_222 = arith.addi %mul3A_220, %add3A_221 : i32
      %get3A_223 = arith.index_cast %add3A_222 : i32 to index
      %get3A_224 = tpu.vector_load %arg7[%get3A_223] {strides = array<i32>} : memref<2048xi32, #tpu.memory_space<vmem>>, vector<16xi32>,
      %max3A_225 = arith.constant 0 : i32
      %max3A_226 = vector.broadcast %max3A_225 : i32 to vector<16xi32>
      %max3A_227 = arith.maxsi %get3A_224, %max3A_226 : vector<16xi32>
      %min3A_228 = arith.constant 99999 : i32
      %min3A_229 = vector.broadcast %min3A_228 : i32 to vector<16xi32>
      %min3A_230 = arith.minsi %max3A_227, %min3A_229 : vector<16xi32>
      %gather3A_231 = tpu.vector_load_idx %arg6[%min3A_230] : memref<100000xf32, #tpu.memory_space<vmem>>[vector<16xi32>], vector<16xf32>,
      %swap3A_232 = arith.index_cast %scan3A_109 : i32 to index
      %swap3A_233 = arith.constant 112 : index
      %swap3A_234 = tpu.vector_load %arg8[%swap3A_232, %swap3A_233] {strides = array<i32>} : memref<16x128xf32, #tpu.memory_space<vmem>>, vector<16xf32>,
      tpu.vector_store %arg8[%swap3A_232, %swap3A_233], %gather3A_231 {strides = array<i32>} : memref<16x128xf32, #tpu.memory_space<vmem>>, vector<16xf32>,
      %scan3A_235 = arith.constant 0 : i32
      scf.yield %scan3A_235 : i32
    }
    %scan3A_65 = arith.constant 16 : i32
    %run_scoped3A_66 = arith.constant 1 : i32
    "tpu.region"() ({
      %run_scoped3A_109 = tpu.sem_alloc : memref<!tpu.dma_semaphore, #tpu.memory_space<semaphore_mem>>
      %dma_start3A_110 = arith.constant 0 : i32
      %dma_start3A_111 = tpu.memref_slice %arg9[%run_scoped3A_66, %dma_start3A_110] : memref<4x16xi32, #tpu.memory_space<vmem>> -> memref<1x16xi32, #tpu.memory_space<vmem>>
      %dma_start3A_112 = tpu.memref_squeeze %dma_start3A_111 : memref<1x16xi32, #tpu.memory_space<vmem>> -> memref<16xi32, #tpu.memory_space<vmem>>
      %dma_start3A_113 = arith.constant 0 : i32
      %dma_start3A_114 = arith.constant 0 : i32
      %dma_start3A_115 = tpu.memref_slice %arg10[%dma_start3A_113, %dma_start3A_114] : memref<64x128xf32, #tpu.memory_space<vmem_shared>> -> memref<64x128xf32, #tpu.memory_space<vmem_shared>>
      tpu.enqueue_indirect_dma source(%arg8 : memref<16x128xf32, #tpu.memory_space<vmem>>) target(%dma_start3A_115 : memref<64x128xf32, #tpu.memory_space<vmem_shared>>) offsets(%dma_start3A_112 : memref<16xi32, #tpu.memory_space<vmem>>) semaphore(%run_scoped3A_109 : memref<!tpu.dma_semaphore, #tpu.memory_space<semaphore_mem>>) {add = true}
      %dma_wait3A_116 = arith.constant 0 : i32
      %dma_wait3A_117 = tpu.memref_slice %arg9[%run_scoped3A_66, %dma_wait3A_116] : memref<4x16xi32, #tpu.memory_space<vmem>> -> memref<1x16xi32, #tpu.memory_space<vmem>>
      %dma_wait3A_118 = tpu.memref_squeeze %dma_wait3A_117 : memref<1x16xi32, #tpu.memory_space<vmem>> -> memref<16xi32, #tpu.memory_space<vmem>>
      %dma_wait3A_119 = arith.constant 0 : i32
      %dma_wait3A_120 = arith.constant 0 : i32
      %dma_wait3A_121 = tpu.memref_slice %arg10[%dma_wait3A_119, %dma_wait3A_120] : memref<64x128xf32, #tpu.memory_space<vmem_shared>> -> memref<64x128xf32, #tpu.memory_space<vmem_shared>>
      tpu.wait_indirect_dma semaphore(%run_scoped3A_109 : memref<!tpu.dma_semaphore, #tpu.memory_space<semaphore_mem>>) src(%arg8 : memref<16x128xf32, #tpu.memory_space<vmem>>) dst(%dma_wait3A_121 : memref<64x128xf32, #tpu.memory_space<vmem_shared>>)
      tpu.yield
    }) : () -> ()
    %mul3A_67 = arith.constant 16384 : i32
    %mul3A_68 = arith.muli %arg1, %mul3A_67 : i32
    %mul3A_69 = arith.constant 8192 : i32
    %mul3A_70 = arith.muli %arg0, %mul3A_69 : i32
    %add3A_71 = arith.addi %mul3A_68, %mul3A_70 : i32
    %add3A_72 = arith.constant 4096 : i32
    %add3A_73 = arith.addi %add3A_71, %add3A_72 : i32
    %multiple_of3A_74 = tpu.assume_multiple %add3A_73, 8 : i32
    "tpu.region"() ({
      %run_scoped3A_109 = tpu.sem_alloc : memref<!tpu.dma_semaphore, #tpu.memory_space<semaphore_mem>>
      %dma_start3A_110 = tpu.memref_slice %arg2[%multiple_of3A_74] : memref<425984xi32, #tpu.memory_space<hbm>> -> memref<2048xi32, #tpu.memory_space<hbm>>
      %dma_start3A_111 = tpu.memref_slice %arg2[%multiple_of3A_74] : memref<425984xi32, #tpu.memory_space<hbm>> -> memref<2048xi32, #tpu.memory_space<hbm>>
      tpu.enqueue_dma source(%dma_start3A_111 : memref<2048xi32, #tpu.memory_space<hbm>>) target(%arg7 : memref<2048xi32, #tpu.memory_space<vmem>>) target_semaphore(%run_scoped3A_109 : memref<!tpu.dma_semaphore, #tpu.memory_space<semaphore_mem>>)
      %dma_wait3A_112 = tpu.memref_slice %arg2[%multiple_of3A_74] : memref<425984xi32, #tpu.memory_space<hbm>> -> memref<2048xi32, #tpu.memory_space<hbm>>
      %dma_wait3A_113 = tpu.memref_slice %arg2[%multiple_of3A_74] : memref<425984xi32, #tpu.memory_space<hbm>> -> memref<2048xi32, #tpu.memory_space<hbm>>
      tpu.wait_dma2 semaphore(%run_scoped3A_109 : memref<!tpu.dma_semaphore, #tpu.memory_space<semaphore_mem>>) src(%dma_wait3A_113 : memref<2048xi32, #tpu.memory_space<hbm>>) dst(%arg7 : memref<2048xi32, #tpu.memory_space<vmem>>)
      tpu.yield
    }) : () -> ()
    %scan3A_75 = arith.constant 0 : i32
    %scan3A_76 = arith.constant 0 : i32
    %scan3A_77 = arith.constant 16 : i32
    %scan3A_78 = arith.addi %scan3A_76, %scan3A_77 : i32
    %scan3A_79 = arith.constant 1 : i32
    %scan3A_80 = scf.for %scan3A_109 = %scan3A_76 to %scan3A_78 step %scan3A_79 iter_args(%scan3A_110 = %scan3A_75) -> (i32)  : i32 {
      %mul3A_111 = arith.constant 128 : i32
      %mul3A_112 = arith.muli %scan3A_109, %mul3A_111 : i32
      %add3A_113 = arith.constant 0 : i32
      %add3A_114 = arith.addi %mul3A_112, %add3A_113 : i32
      %get3A = arith.index_cast %add3A_114 : i32 to index
      %get3A_115 = tpu.vector_load %arg7[%get3A] {strides = array<i32>} : memref<2048xi32, #tpu.memory_space<vmem>>, vector<16xi32>,
      %max3A = arith.constant 0 : i32
      %max3A_116 = vector.broadcast %max3A : i32 to vector<16xi32>
      %max3A_117 = arith.maxsi %get3A_115, %max3A_116 : vector<16xi32>
      %min3A = arith.constant 99999 : i32
      %min3A_118 = vector.broadcast %min3A : i32 to vector<16xi32>
      %min3A_119 = arith.minsi %max3A_117, %min3A_118 : vector<16xi32>
      %gather3A = tpu.vector_load_idx %arg6[%min3A_119] : memref<100000xf32, #tpu.memory_space<vmem>>[vector<16xi32>], vector<16xf32>,
      %swap3A_120 = arith.index_cast %scan3A_109 : i32 to index
      %swap3A_121 = arith.constant 0 : index
      %swap3A_122 = tpu.vector_load %arg8[%swap3A_120, %swap3A_121] {strides = array<i32>} : memref<16x128xf32, #tpu.memory_space<vmem>>, vector<16xf32>,
      tpu.vector_store %arg8[%swap3A_120, %swap3A_121], %gather3A {strides = array<i32>} : memref<16x128xf32, #tpu.memory_space<vmem>>, vector<16xf32>,
      %mul3A_123 = arith.constant 128 : i32
      %mul3A_124 = arith.muli %scan3A_109, %mul3A_123 : i32
      %add3A_125 = arith.constant 16 : i32
      %add3A_126 = arith.addi %mul3A_124, %add3A_125 : i32
      %get3A_127 = arith.index_cast %add3A_126 : i32 to index
      %get3A_128 = tpu.vector_load %arg7[%get3A_127] {strides = array<i32>} : memref<2048xi32, #tpu.memory_space<vmem>>, vector<16xi32>,
      %max3A_129 = arith.constant 0 : i32
      %max3A_130 = vector.broadcast %max3A_129 : i32 to vector<16xi32>
      %max3A_131 = arith.maxsi %get3A_128, %max3A_130 : vector<16xi32>
      %min3A_132 = arith.constant 99999 : i32
      %min3A_133 = vector.broadcast %min3A_132 : i32 to vector<16xi32>
      %min3A_134 = arith.minsi %max3A_131, %min3A_133 : vector<16xi32>
      %gather3A_135 = tpu.vector_load_idx %arg6[%min3A_134] : memref<100000xf32, #tpu.memory_space<vmem>>[vector<16xi32>], vector<16xf32>,
      %swap3A_136 = arith.index_cast %scan3A_109 : i32 to index
      %swap3A_137 = arith.constant 16 : index
      %swap3A_138 = tpu.vector_load %arg8[%swap3A_136, %swap3A_137] {strides = array<i32>} : memref<16x128xf32, #tpu.memory_space<vmem>>, vector<16xf32>,
      tpu.vector_store %arg8[%swap3A_136, %swap3A_137], %gather3A_135 {strides = array<i32>} : memref<16x128xf32, #tpu.memory_space<vmem>>, vector<16xf32>,
      %mul3A_139 = arith.constant 128 : i32
      %mul3A_140 = arith.muli %scan3A_109, %mul3A_139 : i32
      %add3A_141 = arith.constant 32 : i32
      %add3A_142 = arith.addi %mul3A_140, %add3A_141 : i32
      %get3A_143 = arith.index_cast %add3A_142 : i32 to index
      %get3A_144 = tpu.vector_load %arg7[%get3A_143] {strides = array<i32>} : memref<2048xi32, #tpu.memory_space<vmem>>, vector<16xi32>,
      %max3A_145 = arith.constant 0 : i32
      %max3A_146 = vector.broadcast %max3A_145 : i32 to vector<16xi32>
      %max3A_147 = arith.maxsi %get3A_144, %max3A_146 : vector<16xi32>
      %min3A_148 = arith.constant 99999 : i32
      %min3A_149 = vector.broadcast %min3A_148 : i32 to vector<16xi32>
      %min3A_150 = arith.minsi %max3A_147, %min3A_149 : vector<16xi32>
      %gather3A_151 = tpu.vector_load_idx %arg6[%min3A_150] : memref<100000xf32, #tpu.memory_space<vmem>>[vector<16xi32>], vector<16xf32>,
      %swap3A_152 = arith.index_cast %scan3A_109 : i32 to index
      %swap3A_153 = arith.constant 32 : index
      %swap3A_154 = tpu.vector_load %arg8[%swap3A_152, %swap3A_153] {strides = array<i32>} : memref<16x128xf32, #tpu.memory_space<vmem>>, vector<16xf32>,
      tpu.vector_store %arg8[%swap3A_152, %swap3A_153], %gather3A_151 {strides = array<i32>} : memref<16x128xf32, #tpu.memory_space<vmem>>, vector<16xf32>,
      %mul3A_155 = arith.constant 128 : i32
      %mul3A_156 = arith.muli %scan3A_109, %mul3A_155 : i32
      %add3A_157 = arith.constant 48 : i32
      %add3A_158 = arith.addi %mul3A_156, %add3A_157 : i32
      %get3A_159 = arith.index_cast %add3A_158 : i32 to index
      %get3A_160 = tpu.vector_load %arg7[%get3A_159] {strides = array<i32>} : memref<2048xi32, #tpu.memory_space<vmem>>, vector<16xi32>,
      %max3A_161 = arith.constant 0 : i32
      %max3A_162 = vector.broadcast %max3A_161 : i32 to vector<16xi32>
      %max3A_163 = arith.maxsi %get3A_160, %max3A_162 : vector<16xi32>
      %min3A_164 = arith.constant 99999 : i32
      %min3A_165 = vector.broadcast %min3A_164 : i32 to vector<16xi32>
      %min3A_166 = arith.minsi %max3A_163, %min3A_165 : vector<16xi32>
      %gather3A_167 = tpu.vector_load_idx %arg6[%min3A_166] : memref<100000xf32, #tpu.memory_space<vmem>>[vector<16xi32>], vector<16xf32>,
      %swap3A_168 = arith.index_cast %scan3A_109 : i32 to index
      %swap3A_169 = arith.constant 48 : index
      %swap3A_170 = tpu.vector_load %arg8[%swap3A_168, %swap3A_169] {strides = array<i32>} : memref<16x128xf32, #tpu.memory_space<vmem>>, vector<16xf32>,
      tpu.vector_store %arg8[%swap3A_168, %swap3A_169], %gather3A_167 {strides = array<i32>} : memref<16x128xf32, #tpu.memory_space<vmem>>, vector<16xf32>,
      %mul3A_171 = arith.constant 128 : i32
      %mul3A_172 = arith.muli %scan3A_109, %mul3A_171 : i32
      %add3A_173 = arith.constant 64 : i32
      %add3A_174 = arith.addi %mul3A_172, %add3A_173 : i32
      %get3A_175 = arith.index_cast %add3A_174 : i32 to index
      %get3A_176 = tpu.vector_load %arg7[%get3A_175] {strides = array<i32>} : memref<2048xi32, #tpu.memory_space<vmem>>, vector<16xi32>,
      %max3A_177 = arith.constant 0 : i32
      %max3A_178 = vector.broadcast %max3A_177 : i32 to vector<16xi32>
      %max3A_179 = arith.maxsi %get3A_176, %max3A_178 : vector<16xi32>
      %min3A_180 = arith.constant 99999 : i32
      %min3A_181 = vector.broadcast %min3A_180 : i32 to vector<16xi32>
      %min3A_182 = arith.minsi %max3A_179, %min3A_181 : vector<16xi32>
      %gather3A_183 = tpu.vector_load_idx %arg6[%min3A_182] : memref<100000xf32, #tpu.memory_space<vmem>>[vector<16xi32>], vector<16xf32>,
      %swap3A_184 = arith.index_cast %scan3A_109 : i32 to index
      %swap3A_185 = arith.constant 64 : index
      %swap3A_186 = tpu.vector_load %arg8[%swap3A_184, %swap3A_185] {strides = array<i32>} : memref<16x128xf32, #tpu.memory_space<vmem>>, vector<16xf32>,
      tpu.vector_store %arg8[%swap3A_184, %swap3A_185], %gather3A_183 {strides = array<i32>} : memref<16x128xf32, #tpu.memory_space<vmem>>, vector<16xf32>,
      %mul3A_187 = arith.constant 128 : i32
      %mul3A_188 = arith.muli %scan3A_109, %mul3A_187 : i32
      %add3A_189 = arith.constant 80 : i32
      %add3A_190 = arith.addi %mul3A_188, %add3A_189 : i32
      %get3A_191 = arith.index_cast %add3A_190 : i32 to index
      %get3A_192 = tpu.vector_load %arg7[%get3A_191] {strides = array<i32>} : memref<2048xi32, #tpu.memory_space<vmem>>, vector<16xi32>,
      %max3A_193 = arith.constant 0 : i32
      %max3A_194 = vector.broadcast %max3A_193 : i32 to vector<16xi32>
      %max3A_195 = arith.maxsi %get3A_192, %max3A_194 : vector<16xi32>
      %min3A_196 = arith.constant 99999 : i32
      %min3A_197 = vector.broadcast %min3A_196 : i32 to vector<16xi32>
      %min3A_198 = arith.minsi %max3A_195, %min3A_197 : vector<16xi32>
      %gather3A_199 = tpu.vector_load_idx %arg6[%min3A_198] : memref<100000xf32, #tpu.memory_space<vmem>>[vector<16xi32>], vector<16xf32>,
      %swap3A_200 = arith.index_cast %scan3A_109 : i32 to index
      %swap3A_201 = arith.constant 80 : index
      %swap3A_202 = tpu.vector_load %arg8[%swap3A_200, %swap3A_201] {strides = array<i32>} : memref<16x128xf32, #tpu.memory_space<vmem>>, vector<16xf32>,
      tpu.vector_store %arg8[%swap3A_200, %swap3A_201], %gather3A_199 {strides = array<i32>} : memref<16x128xf32, #tpu.memory_space<vmem>>, vector<16xf32>,
      %mul3A_203 = arith.constant 128 : i32
      %mul3A_204 = arith.muli %scan3A_109, %mul3A_203 : i32
      %add3A_205 = arith.constant 96 : i32
      %add3A_206 = arith.addi %mul3A_204, %add3A_205 : i32
      %get3A_207 = arith.index_cast %add3A_206 : i32 to index
      %get3A_208 = tpu.vector_load %arg7[%get3A_207] {strides = array<i32>} : memref<2048xi32, #tpu.memory_space<vmem>>, vector<16xi32>,
      %max3A_209 = arith.constant 0 : i32
      %max3A_210 = vector.broadcast %max3A_209 : i32 to vector<16xi32>
      %max3A_211 = arith.maxsi %get3A_208, %max3A_210 : vector<16xi32>
      %min3A_212 = arith.constant 99999 : i32
      %min3A_213 = vector.broadcast %min3A_212 : i32 to vector<16xi32>
      %min3A_214 = arith.minsi %max3A_211, %min3A_213 : vector<16xi32>
      %gather3A_215 = tpu.vector_load_idx %arg6[%min3A_214] : memref<100000xf32, #tpu.memory_space<vmem>>[vector<16xi32>], vector<16xf32>,
      %swap3A_216 = arith.index_cast %scan3A_109 : i32 to index
      %swap3A_217 = arith.constant 96 : index
      %swap3A_218 = tpu.vector_load %arg8[%swap3A_216, %swap3A_217] {strides = array<i32>} : memref<16x128xf32, #tpu.memory_space<vmem>>, vector<16xf32>,
      tpu.vector_store %arg8[%swap3A_216, %swap3A_217], %gather3A_215 {strides = array<i32>} : memref<16x128xf32, #tpu.memory_space<vmem>>, vector<16xf32>,
      %mul3A_219 = arith.constant 128 : i32
      %mul3A_220 = arith.muli %scan3A_109, %mul3A_219 : i32
      %add3A_221 = arith.constant 112 : i32
      %add3A_222 = arith.addi %mul3A_220, %add3A_221 : i32
      %get3A_223 = arith.index_cast %add3A_222 : i32 to index
      %get3A_224 = tpu.vector_load %arg7[%get3A_223] {strides = array<i32>} : memref<2048xi32, #tpu.memory_space<vmem>>, vector<16xi32>,
      %max3A_225 = arith.constant 0 : i32
      %max3A_226 = vector.broadcast %max3A_225 : i32 to vector<16xi32>
      %max3A_227 = arith.maxsi %get3A_224, %max3A_226 : vector<16xi32>
      %min3A_228 = arith.constant 99999 : i32
      %min3A_229 = vector.broadcast %min3A_228 : i32 to vector<16xi32>
      %min3A_230 = arith.minsi %max3A_227, %min3A_229 : vector<16xi32>
      %gather3A_231 = tpu.vector_load_idx %arg6[%min3A_230] : memref<100000xf32, #tpu.memory_space<vmem>>[vector<16xi32>], vector<16xf32>,
      %swap3A_232 = arith.index_cast %scan3A_109 : i32 to index
      %swap3A_233 = arith.constant 112 : index
      %swap3A_234 = tpu.vector_load %arg8[%swap3A_232, %swap3A_233] {strides = array<i32>} : memref<16x128xf32, #tpu.memory_space<vmem>>, vector<16xf32>,
      tpu.vector_store %arg8[%swap3A_232, %swap3A_233], %gather3A_231 {strides = array<i32>} : memref<16x128xf32, #tpu.memory_space<vmem>>, vector<16xf32>,
      %scan3A_235 = arith.constant 0 : i32
      scf.yield %scan3A_235 : i32
    }
    %scan3A_81 = arith.constant 16 : i32
    %run_scoped3A_82 = arith.constant 2 : i32
    "tpu.region"() ({
      %run_scoped3A_109 = tpu.sem_alloc : memref<!tpu.dma_semaphore, #tpu.memory_space<semaphore_mem>>
      %dma_start3A_110 = arith.constant 0 : i32
      %dma_start3A_111 = tpu.memref_slice %arg9[%run_scoped3A_82, %dma_start3A_110] : memref<4x16xi32, #tpu.memory_space<vmem>> -> memref<1x16xi32, #tpu.memory_space<vmem>>
      %dma_start3A_112 = tpu.memref_squeeze %dma_start3A_111 : memref<1x16xi32, #tpu.memory_space<vmem>> -> memref<16xi32, #tpu.memory_space<vmem>>
      %dma_start3A_113 = arith.constant 0 : i32
      %dma_start3A_114 = arith.constant 0 : i32
      %dma_start3A_115 = tpu.memref_slice %arg10[%dma_start3A_113, %dma_start3A_114] : memref<64x128xf32, #tpu.memory_space<vmem_shared>> -> memref<64x128xf32, #tpu.memory_space<vmem_shared>>
      tpu.enqueue_indirect_dma source(%arg8 : memref<16x128xf32, #tpu.memory_space<vmem>>) target(%dma_start3A_115 : memref<64x128xf32, #tpu.memory_space<vmem_shared>>) offsets(%dma_start3A_112 : memref<16xi32, #tpu.memory_space<vmem>>) semaphore(%run_scoped3A_109 : memref<!tpu.dma_semaphore, #tpu.memory_space<semaphore_mem>>) {add = true}
      %dma_wait3A_116 = arith.constant 0 : i32
      %dma_wait3A_117 = tpu.memref_slice %arg9[%run_scoped3A_82, %dma_wait3A_116] : memref<4x16xi32, #tpu.memory_space<vmem>> -> memref<1x16xi32, #tpu.memory_space<vmem>>
      %dma_wait3A_118 = tpu.memref_squeeze %dma_wait3A_117 : memref<1x16xi32, #tpu.memory_space<vmem>> -> memref<16xi32, #tpu.memory_space<vmem>>
      %dma_wait3A_119 = arith.constant 0 : i32
      %dma_wait3A_120 = arith.constant 0 : i32
      %dma_wait3A_121 = tpu.memref_slice %arg10[%dma_wait3A_119, %dma_wait3A_120] : memref<64x128xf32, #tpu.memory_space<vmem_shared>> -> memref<64x128xf32, #tpu.memory_space<vmem_shared>>
      tpu.wait_indirect_dma semaphore(%run_scoped3A_109 : memref<!tpu.dma_semaphore, #tpu.memory_space<semaphore_mem>>) src(%arg8 : memref<16x128xf32, #tpu.memory_space<vmem>>) dst(%dma_wait3A_121 : memref<64x128xf32, #tpu.memory_space<vmem_shared>>)
      tpu.yield
    }) : () -> ()
    %mul3A_83 = arith.constant 16384 : i32
    %mul3A_84 = arith.muli %arg1, %mul3A_83 : i32
    %mul3A_85 = arith.constant 8192 : i32
    %mul3A_86 = arith.muli %arg0, %mul3A_85 : i32
    %add3A_87 = arith.addi %mul3A_84, %mul3A_86 : i32
    %add3A_88 = arith.constant 6144 : i32
    %add3A_89 = arith.addi %add3A_87, %add3A_88 : i32
    %multiple_of3A_90 = tpu.assume_multiple %add3A_89, 8 : i32
    "tpu.region"() ({
      %run_scoped3A_109 = tpu.sem_alloc : memref<!tpu.dma_semaphore, #tpu.memory_space<semaphore_mem>>
      %dma_start3A_110 = tpu.memref_slice %arg2[%multiple_of3A_90] : memref<425984xi32, #tpu.memory_space<hbm>> -> memref<2048xi32, #tpu.memory_space<hbm>>
      %dma_start3A_111 = tpu.memref_slice %arg2[%multiple_of3A_90] : memref<425984xi32, #tpu.memory_space<hbm>> -> memref<2048xi32, #tpu.memory_space<hbm>>
      tpu.enqueue_dma source(%dma_start3A_111 : memref<2048xi32, #tpu.memory_space<hbm>>) target(%arg7 : memref<2048xi32, #tpu.memory_space<vmem>>) target_semaphore(%run_scoped3A_109 : memref<!tpu.dma_semaphore, #tpu.memory_space<semaphore_mem>>)
      %dma_wait3A_112 = tpu.memref_slice %arg2[%multiple_of3A_90] : memref<425984xi32, #tpu.memory_space<hbm>> -> memref<2048xi32, #tpu.memory_space<hbm>>
      %dma_wait3A_113 = tpu.memref_slice %arg2[%multiple_of3A_90] : memref<425984xi32, #tpu.memory_space<hbm>> -> memref<2048xi32, #tpu.memory_space<hbm>>
      tpu.wait_dma2 semaphore(%run_scoped3A_109 : memref<!tpu.dma_semaphore, #tpu.memory_space<semaphore_mem>>) src(%dma_wait3A_113 : memref<2048xi32, #tpu.memory_space<hbm>>) dst(%arg7 : memref<2048xi32, #tpu.memory_space<vmem>>)
      tpu.yield
    }) : () -> ()
    %scan3A_91 = arith.constant 0 : i32
    %scan3A_92 = arith.constant 0 : i32
    %scan3A_93 = arith.constant 16 : i32
    %scan3A_94 = arith.addi %scan3A_92, %scan3A_93 : i32
    %scan3A_95 = arith.constant 1 : i32
    %scan3A_96 = scf.for %scan3A_109 = %scan3A_92 to %scan3A_94 step %scan3A_95 iter_args(%scan3A_110 = %scan3A_91) -> (i32)  : i32 {
      %mul3A_111 = arith.constant 128 : i32
      %mul3A_112 = arith.muli %scan3A_109, %mul3A_111 : i32
      %add3A_113 = arith.constant 0 : i32
      %add3A_114 = arith.addi %mul3A_112, %add3A_113 : i32
      %get3A = arith.index_cast %add3A_114 : i32 to index
      %get3A_115 = tpu.vector_load %arg7[%get3A] {strides = array<i32>} : memref<2048xi32, #tpu.memory_space<vmem>>, vector<16xi32>,
      %max3A = arith.constant 0 : i32
      %max3A_116 = vector.broadcast %max3A : i32 to vector<16xi32>
      %max3A_117 = arith.maxsi %get3A_115, %max3A_116 : vector<16xi32>
      %min3A = arith.constant 99999 : i32
      %min3A_118 = vector.broadcast %min3A : i32 to vector<16xi32>
      %min3A_119 = arith.minsi %max3A_117, %min3A_118 : vector<16xi32>
      %gather3A = tpu.vector_load_idx %arg6[%min3A_119] : memref<100000xf32, #tpu.memory_space<vmem>>[vector<16xi32>], vector<16xf32>,
      %swap3A_120 = arith.index_cast %scan3A_109 : i32 to index
      %swap3A_121 = arith.constant 0 : index
      %swap3A_122 = tpu.vector_load %arg8[%swap3A_120, %swap3A_121] {strides = array<i32>} : memref<16x128xf32, #tpu.memory_space<vmem>>, vector<16xf32>,
      tpu.vector_store %arg8[%swap3A_120, %swap3A_121], %gather3A {strides = array<i32>} : memref<16x128xf32, #tpu.memory_space<vmem>>, vector<16xf32>,
      %mul3A_123 = arith.constant 128 : i32
      %mul3A_124 = arith.muli %scan3A_109, %mul3A_123 : i32
      %add3A_125 = arith.constant 16 : i32
      %add3A_126 = arith.addi %mul3A_124, %add3A_125 : i32
      %get3A_127 = arith.index_cast %add3A_126 : i32 to index
      %get3A_128 = tpu.vector_load %arg7[%get3A_127] {strides = array<i32>} : memref<2048xi32, #tpu.memory_space<vmem>>, vector<16xi32>,
      %max3A_129 = arith.constant 0 : i32
      %max3A_130 = vector.broadcast %max3A_129 : i32 to vector<16xi32>
      %max3A_131 = arith.maxsi %get3A_128, %max3A_130 : vector<16xi32>
      %min3A_132 = arith.constant 99999 : i32
      %min3A_133 = vector.broadcast %min3A_132 : i32 to vector<16xi32>
      %min3A_134 = arith.minsi %max3A_131, %min3A_133 : vector<16xi32>
      %gather3A_135 = tpu.vector_load_idx %arg6[%min3A_134] : memref<100000xf32, #tpu.memory_space<vmem>>[vector<16xi32>], vector<16xf32>,
      %swap3A_136 = arith.index_cast %scan3A_109 : i32 to index
      %swap3A_137 = arith.constant 16 : index
      %swap3A_138 = tpu.vector_load %arg8[%swap3A_136, %swap3A_137] {strides = array<i32>} : memref<16x128xf32, #tpu.memory_space<vmem>>, vector<16xf32>,
      tpu.vector_store %arg8[%swap3A_136, %swap3A_137], %gather3A_135 {strides = array<i32>} : memref<16x128xf32, #tpu.memory_space<vmem>>, vector<16xf32>,
      %mul3A_139 = arith.constant 128 : i32
      %mul3A_140 = arith.muli %scan3A_109, %mul3A_139 : i32
      %add3A_141 = arith.constant 32 : i32
      %add3A_142 = arith.addi %mul3A_140, %add3A_141 : i32
      %get3A_143 = arith.index_cast %add3A_142 : i32 to index
      %get3A_144 = tpu.vector_load %arg7[%get3A_143] {strides = array<i32>} : memref<2048xi32, #tpu.memory_space<vmem>>, vector<16xi32>,
      %max3A_145 = arith.constant 0 : i32
      %max3A_146 = vector.broadcast %max3A_145 : i32 to vector<16xi32>
      %max3A_147 = arith.maxsi %get3A_144, %max3A_146 : vector<16xi32>
      %min3A_148 = arith.constant 99999 : i32
      %min3A_149 = vector.broadcast %min3A_148 : i32 to vector<16xi32>
      %min3A_150 = arith.minsi %max3A_147, %min3A_149 : vector<16xi32>
      %gather3A_151 = tpu.vector_load_idx %arg6[%min3A_150] : memref<100000xf32, #tpu.memory_space<vmem>>[vector<16xi32>], vector<16xf32>,
      %swap3A_152 = arith.index_cast %scan3A_109 : i32 to index
      %swap3A_153 = arith.constant 32 : index
      %swap3A_154 = tpu.vector_load %arg8[%swap3A_152, %swap3A_153] {strides = array<i32>} : memref<16x128xf32, #tpu.memory_space<vmem>>, vector<16xf32>,
      tpu.vector_store %arg8[%swap3A_152, %swap3A_153], %gather3A_151 {strides = array<i32>} : memref<16x128xf32, #tpu.memory_space<vmem>>, vector<16xf32>,
      %mul3A_155 = arith.constant 128 : i32
      %mul3A_156 = arith.muli %scan3A_109, %mul3A_155 : i32
      %add3A_157 = arith.constant 48 : i32
      %add3A_158 = arith.addi %mul3A_156, %add3A_157 : i32
      %get3A_159 = arith.index_cast %add3A_158 : i32 to index
      %get3A_160 = tpu.vector_load %arg7[%get3A_159] {strides = array<i32>} : memref<2048xi32, #tpu.memory_space<vmem>>, vector<16xi32>,
      %max3A_161 = arith.constant 0 : i32
      %max3A_162 = vector.broadcast %max3A_161 : i32 to vector<16xi32>
      %max3A_163 = arith.maxsi %get3A_160, %max3A_162 : vector<16xi32>
      %min3A_164 = arith.constant 99999 : i32
      %min3A_165 = vector.broadcast %min3A_164 : i32 to vector<16xi32>
      %min3A_166 = arith.minsi %max3A_163, %min3A_165 : vector<16xi32>
      %gather3A_167 = tpu.vector_load_idx %arg6[%min3A_166] : memref<100000xf32, #tpu.memory_space<vmem>>[vector<16xi32>], vector<16xf32>,
      %swap3A_168 = arith.index_cast %scan3A_109 : i32 to index
      %swap3A_169 = arith.constant 48 : index
      %swap3A_170 = tpu.vector_load %arg8[%swap3A_168, %swap3A_169] {strides = array<i32>} : memref<16x128xf32, #tpu.memory_space<vmem>>, vector<16xf32>,
      tpu.vector_store %arg8[%swap3A_168, %swap3A_169], %gather3A_167 {strides = array<i32>} : memref<16x128xf32, #tpu.memory_space<vmem>>, vector<16xf32>,
      %mul3A_171 = arith.constant 128 : i32
      %mul3A_172 = arith.muli %scan3A_109, %mul3A_171 : i32
      %add3A_173 = arith.constant 64 : i32
      %add3A_174 = arith.addi %mul3A_172, %add3A_173 : i32
      %get3A_175 = arith.index_cast %add3A_174 : i32 to index
      %get3A_176 = tpu.vector_load %arg7[%get3A_175] {strides = array<i32>} : memref<2048xi32, #tpu.memory_space<vmem>>, vector<16xi32>,
      %max3A_177 = arith.constant 0 : i32
      %max3A_178 = vector.broadcast %max3A_177 : i32 to vector<16xi32>
      %max3A_179 = arith.maxsi %get3A_176, %max3A_178 : vector<16xi32>
      %min3A_180 = arith.constant 99999 : i32
      %min3A_181 = vector.broadcast %min3A_180 : i32 to vector<16xi32>
      %min3A_182 = arith.minsi %max3A_179, %min3A_181 : vector<16xi32>
      %gather3A_183 = tpu.vector_load_idx %arg6[%min3A_182] : memref<100000xf32, #tpu.memory_space<vmem>>[vector<16xi32>], vector<16xf32>,
      %swap3A_184 = arith.index_cast %scan3A_109 : i32 to index
      %swap3A_185 = arith.constant 64 : index
      %swap3A_186 = tpu.vector_load %arg8[%swap3A_184, %swap3A_185] {strides = array<i32>} : memref<16x128xf32, #tpu.memory_space<vmem>>, vector<16xf32>,
      tpu.vector_store %arg8[%swap3A_184, %swap3A_185], %gather3A_183 {strides = array<i32>} : memref<16x128xf32, #tpu.memory_space<vmem>>, vector<16xf32>,
      %mul3A_187 = arith.constant 128 : i32
      %mul3A_188 = arith.muli %scan3A_109, %mul3A_187 : i32
      %add3A_189 = arith.constant 80 : i32
      %add3A_190 = arith.addi %mul3A_188, %add3A_189 : i32
      %get3A_191 = arith.index_cast %add3A_190 : i32 to index
      %get3A_192 = tpu.vector_load %arg7[%get3A_191] {strides = array<i32>} : memref<2048xi32, #tpu.memory_space<vmem>>, vector<16xi32>,
      %max3A_193 = arith.constant 0 : i32
      %max3A_194 = vector.broadcast %max3A_193 : i32 to vector<16xi32>
      %max3A_195 = arith.maxsi %get3A_192, %max3A_194 : vector<16xi32>
      %min3A_196 = arith.constant 99999 : i32
      %min3A_197 = vector.broadcast %min3A_196 : i32 to vector<16xi32>
      %min3A_198 = arith.minsi %max3A_195, %min3A_197 : vector<16xi32>
      %gather3A_199 = tpu.vector_load_idx %arg6[%min3A_198] : memref<100000xf32, #tpu.memory_space<vmem>>[vector<16xi32>], vector<16xf32>,
      %swap3A_200 = arith.index_cast %scan3A_109 : i32 to index
      %swap3A_201 = arith.constant 80 : index
      %swap3A_202 = tpu.vector_load %arg8[%swap3A_200, %swap3A_201] {strides = array<i32>} : memref<16x128xf32, #tpu.memory_space<vmem>>, vector<16xf32>,
      tpu.vector_store %arg8[%swap3A_200, %swap3A_201], %gather3A_199 {strides = array<i32>} : memref<16x128xf32, #tpu.memory_space<vmem>>, vector<16xf32>,
      %mul3A_203 = arith.constant 128 : i32
      %mul3A_204 = arith.muli %scan3A_109, %mul3A_203 : i32
      %add3A_205 = arith.constant 96 : i32
      %add3A_206 = arith.addi %mul3A_204, %add3A_205 : i32
      %get3A_207 = arith.index_cast %add3A_206 : i32 to index
      %get3A_208 = tpu.vector_load %arg7[%get3A_207] {strides = array<i32>} : memref<2048xi32, #tpu.memory_space<vmem>>, vector<16xi32>,
      %max3A_209 = arith.constant 0 : i32
      %max3A_210 = vector.broadcast %max3A_209 : i32 to vector<16xi32>
      %max3A_211 = arith.maxsi %get3A_208, %max3A_210 : vector<16xi32>
      %min3A_212 = arith.constant 99999 : i32
      %min3A_213 = vector.broadcast %min3A_212 : i32 to vector<16xi32>
      %min3A_214 = arith.minsi %max3A_211, %min3A_213 : vector<16xi32>
      %gather3A_215 = tpu.vector_load_idx %arg6[%min3A_214] : memref<100000xf32, #tpu.memory_space<vmem>>[vector<16xi32>], vector<16xf32>,
      %swap3A_216 = arith.index_cast %scan3A_109 : i32 to index
      %swap3A_217 = arith.constant 96 : index
      %swap3A_218 = tpu.vector_load %arg8[%swap3A_216, %swap3A_217] {strides = array<i32>} : memref<16x128xf32, #tpu.memory_space<vmem>>, vector<16xf32>,
      tpu.vector_store %arg8[%swap3A_216, %swap3A_217], %gather3A_215 {strides = array<i32>} : memref<16x128xf32, #tpu.memory_space<vmem>>, vector<16xf32>,
      %mul3A_219 = arith.constant 128 : i32
      %mul3A_220 = arith.muli %scan3A_109, %mul3A_219 : i32
      %add3A_221 = arith.constant 112 : i32
      %add3A_222 = arith.addi %mul3A_220, %add3A_221 : i32
      %get3A_223 = arith.index_cast %add3A_222 : i32 to index
      %get3A_224 = tpu.vector_load %arg7[%get3A_223] {strides = array<i32>} : memref<2048xi32, #tpu.memory_space<vmem>>, vector<16xi32>,
      %max3A_225 = arith.constant 0 : i32
      %max3A_226 = vector.broadcast %max3A_225 : i32 to vector<16xi32>
      %max3A_227 = arith.maxsi %get3A_224, %max3A_226 : vector<16xi32>
      %min3A_228 = arith.constant 99999 : i32
      %min3A_229 = vector.broadcast %min3A_228 : i32 to vector<16xi32>
      %min3A_230 = arith.minsi %max3A_227, %min3A_229 : vector<16xi32>
      %gather3A_231 = tpu.vector_load_idx %arg6[%min3A_230] : memref<100000xf32, #tpu.memory_space<vmem>>[vector<16xi32>], vector<16xf32>,
      %swap3A_232 = arith.index_cast %scan3A_109 : i32 to index
      %swap3A_233 = arith.constant 112 : index
      %swap3A_234 = tpu.vector_load %arg8[%swap3A_232, %swap3A_233] {strides = array<i32>} : memref<16x128xf32, #tpu.memory_space<vmem>>, vector<16xf32>,
      tpu.vector_store %arg8[%swap3A_232, %swap3A_233], %gather3A_231 {strides = array<i32>} : memref<16x128xf32, #tpu.memory_space<vmem>>, vector<16xf32>,
      %scan3A_235 = arith.constant 0 : i32
      scf.yield %scan3A_235 : i32
    }
    %scan3A_97 = arith.constant 16 : i32
    %run_scoped3A_98 = arith.constant 3 : i32
    "tpu.region"() ({
      %run_scoped3A_109 = tpu.sem_alloc : memref<!tpu.dma_semaphore, #tpu.memory_space<semaphore_mem>>
      %dma_start3A_110 = arith.constant 0 : i32
      %dma_start3A_111 = tpu.memref_slice %arg9[%run_scoped3A_98, %dma_start3A_110] : memref<4x16xi32, #tpu.memory_space<vmem>> -> memref<1x16xi32, #tpu.memory_space<vmem>>
      %dma_start3A_112 = tpu.memref_squeeze %dma_start3A_111 : memref<1x16xi32, #tpu.memory_space<vmem>> -> memref<16xi32, #tpu.memory_space<vmem>>
      %dma_start3A_113 = arith.constant 0 : i32
      %dma_start3A_114 = arith.constant 0 : i32
      %dma_start3A_115 = tpu.memref_slice %arg10[%dma_start3A_113, %dma_start3A_114] : memref<64x128xf32, #tpu.memory_space<vmem_shared>> -> memref<64x128xf32, #tpu.memory_space<vmem_shared>>
      tpu.enqueue_indirect_dma source(%arg8 : memref<16x128xf32, #tpu.memory_space<vmem>>) target(%dma_start3A_115 : memref<64x128xf32, #tpu.memory_space<vmem_shared>>) offsets(%dma_start3A_112 : memref<16xi32, #tpu.memory_space<vmem>>) semaphore(%run_scoped3A_109 : memref<!tpu.dma_semaphore, #tpu.memory_space<semaphore_mem>>) {add = true}
      %dma_wait3A_116 = arith.constant 0 : i32
      %dma_wait3A_117 = tpu.memref_slice %arg9[%run_scoped3A_98, %dma_wait3A_116] : memref<4x16xi32, #tpu.memory_space<vmem>> -> memref<1x16xi32, #tpu.memory_space<vmem>>
      %dma_wait3A_118 = tpu.memref_squeeze %dma_wait3A_117 : memref<1x16xi32, #tpu.memory_space<vmem>> -> memref<16xi32, #tpu.memory_space<vmem>>
      %dma_wait3A_119 = arith.constant 0 : i32
      %dma_wait3A_120 = arith.constant 0 : i32
      %dma_wait3A_121 = tpu.memref_slice %arg10[%dma_wait3A_119, %dma_wait3A_120] : memref<64x128xf32, #tpu.memory_space<vmem_shared>> -> memref<64x128xf32, #tpu.memory_space<vmem_shared>>
      tpu.wait_indirect_dma semaphore(%run_scoped3A_109 : memref<!tpu.dma_semaphore, #tpu.memory_space<semaphore_mem>>) src(%arg8 : memref<16x128xf32, #tpu.memory_space<vmem>>) dst(%dma_wait3A_121 : memref<64x128xf32, #tpu.memory_space<vmem_shared>>)
      tpu.yield
    }) : () -> ()
    %lt3A = arith.constant 10 : i32
    %lt3A_99 = arith.cmpi slt, %arg1, %lt3A : i32
    %convert_element_type3A_100 = arith.extui %lt3A_99 : i1 to i32
    %cond3A_101 = arith.constant 0 : i32
    %cond3A_102 = arith.cmpi ne, %convert_element_type3A_100, %cond3A_101 : i32
    scf.if %cond3A_102 {
      %add3A_109 = arith.constant 16 : i32
      %add3A_110 = arith.addi %arg1, %add3A_109 : i32
      %mul3A_111 = arith.constant 100000 : i32
      %mul3A_112 = arith.muli %add3A_110, %mul3A_111 : i32
      %multiple_of3A_113 = tpu.assume_multiple %mul3A_112, 8 : i32
      "tpu.region"() ({
        %run_scoped3A_178 = tpu.sem_alloc : memref<!tpu.dma_semaphore, #tpu.memory_space<semaphore_mem>>
        %dma_start3A_179 = tpu.memref_slice %arg3[%multiple_of3A_113] : memref<2600001xf32, #tpu.memory_space<hbm>> -> memref<100000xf32, #tpu.memory_space<hbm>>
        %dma_start3A_180 = tpu.memref_slice %arg3[%multiple_of3A_113] : memref<2600001xf32, #tpu.memory_space<hbm>> -> memref<100000xf32, #tpu.memory_space<hbm>>
        tpu.enqueue_dma source(%dma_start3A_180 : memref<100000xf32, #tpu.memory_space<hbm>>) target(%arg6 : memref<100000xf32, #tpu.memory_space<vmem>>) target_semaphore(%run_scoped3A_178 : memref<!tpu.dma_semaphore, #tpu.memory_space<semaphore_mem>>)
        %dma_wait3A_181 = tpu.memref_slice %arg3[%multiple_of3A_113] : memref<2600001xf32, #tpu.memory_space<hbm>> -> memref<100000xf32, #tpu.memory_space<hbm>>
        %dma_wait3A_182 = tpu.memref_slice %arg3[%multiple_of3A_113] : memref<2600001xf32, #tpu.memory_space<hbm>> -> memref<100000xf32, #tpu.memory_space<hbm>>
        tpu.wait_dma2 semaphore(%run_scoped3A_178 : memref<!tpu.dma_semaphore, #tpu.memory_space<semaphore_mem>>) src(%dma_wait3A_182 : memref<100000xf32, #tpu.memory_space<hbm>>) dst(%arg6 : memref<100000xf32, #tpu.memory_space<vmem>>)
        tpu.yield
      }) : () -> ()
      %mul3A_114 = arith.constant 16384 : i32
      %mul3A_115 = arith.muli %add3A_110, %mul3A_114 : i32
      %mul3A_116 = arith.constant 8192 : i32
      %mul3A_117 = arith.muli %arg0, %mul3A_116 : i32
      %add3A_118 = arith.addi %mul3A_115, %mul3A_117 : i32
      %add3A_119 = arith.constant 0 : i32
      %add3A_120 = arith.addi %add3A_118, %add3A_119 : i32
      %multiple_of3A_121 = tpu.assume_multiple %add3A_120, 8 : i32
      "tpu.region"() ({
        %run_scoped3A_178 = tpu.sem_alloc : memref<!tpu.dma_semaphore, #tpu.memory_space<semaphore_mem>>
        %dma_start3A_179 = tpu.memref_slice %arg2[%multiple_of3A_121] : memref<425984xi32, #tpu.memory_space<hbm>> -> memref<2048xi32, #tpu.memory_space<hbm>>
        %dma_start3A_180 = tpu.memref_slice %arg2[%multiple_of3A_121] : memref<425984xi32, #tpu.memory_space<hbm>> -> memref<2048xi32, #tpu.memory_space<hbm>>
        tpu.enqueue_dma source(%dma_start3A_180 : memref<2048xi32, #tpu.memory_space<hbm>>) target(%arg7 : memref<2048xi32, #tpu.memory_space<vmem>>) target_semaphore(%run_scoped3A_178 : memref<!tpu.dma_semaphore, #tpu.memory_space<semaphore_mem>>)
        %dma_wait3A_181 = tpu.memref_slice %arg2[%multiple_of3A_121] : memref<425984xi32, #tpu.memory_space<hbm>> -> memref<2048xi32, #tpu.memory_space<hbm>>
        %dma_wait3A_182 = tpu.memref_slice %arg2[%multiple_of3A_121] : memref<425984xi32, #tpu.memory_space<hbm>> -> memref<2048xi32, #tpu.memory_space<hbm>>
        tpu.wait_dma2 semaphore(%run_scoped3A_178 : memref<!tpu.dma_semaphore, #tpu.memory_space<semaphore_mem>>) src(%dma_wait3A_182 : memref<2048xi32, #tpu.memory_space<hbm>>) dst(%arg7 : memref<2048xi32, #tpu.memory_space<vmem>>)
        tpu.yield
      }) : () -> ()
      %scan3A_122 = arith.constant 0 : i32
      %scan3A_123 = arith.constant 0 : i32
      %scan3A_124 = arith.constant 16 : i32
      %scan3A_125 = arith.addi %scan3A_123, %scan3A_124 : i32
      %scan3A_126 = arith.constant 1 : i32
      %scan3A_127 = scf.for %scan3A_178 = %scan3A_123 to %scan3A_125 step %scan3A_126 iter_args(%scan3A_179 = %scan3A_122) -> (i32)  : i32 {
        %mul3A_180 = arith.constant 128 : i32
        %mul3A_181 = arith.muli %scan3A_178, %mul3A_180 : i32
        %add3A_182 = arith.constant 0 : i32
        %add3A_183 = arith.addi %mul3A_181, %add3A_182 : i32
        %get3A = arith.index_cast %add3A_183 : i32 to index
        %get3A_184 = tpu.vector_load %arg7[%get3A] {strides = array<i32>} : memref<2048xi32, #tpu.memory_space<vmem>>, vector<16xi32>,
        %max3A = arith.constant 0 : i32
        %max3A_185 = vector.broadcast %max3A : i32 to vector<16xi32>
        %max3A_186 = arith.maxsi %get3A_184, %max3A_185 : vector<16xi32>
        %min3A = arith.constant 99999 : i32
        %min3A_187 = vector.broadcast %min3A : i32 to vector<16xi32>
        %min3A_188 = arith.minsi %max3A_186, %min3A_187 : vector<16xi32>
        %gather3A = tpu.vector_load_idx %arg6[%min3A_188] : memref<100000xf32, #tpu.memory_space<vmem>>[vector<16xi32>], vector<16xf32>,
        %swap3A_189 = arith.index_cast %scan3A_178 : i32 to index
        %swap3A_190 = arith.constant 0 : index
        %swap3A_191 = tpu.vector_load %arg8[%swap3A_189, %swap3A_190] {strides = array<i32>} : memref<16x128xf32, #tpu.memory_space<vmem>>, vector<16xf32>,
        tpu.vector_store %arg8[%swap3A_189, %swap3A_190], %gather3A {strides = array<i32>} : memref<16x128xf32, #tpu.memory_space<vmem>>, vector<16xf32>,
        %mul3A_192 = arith.constant 128 : i32
        %mul3A_193 = arith.muli %scan3A_178, %mul3A_192 : i32
        %add3A_194 = arith.constant 16 : i32
        %add3A_195 = arith.addi %mul3A_193, %add3A_194 : i32
        %get3A_196 = arith.index_cast %add3A_195 : i32 to index
        %get3A_197 = tpu.vector_load %arg7[%get3A_196] {strides = array<i32>} : memref<2048xi32, #tpu.memory_space<vmem>>, vector<16xi32>,
        %max3A_198 = arith.constant 0 : i32
        %max3A_199 = vector.broadcast %max3A_198 : i32 to vector<16xi32>
        %max3A_200 = arith.maxsi %get3A_197, %max3A_199 : vector<16xi32>
        %min3A_201 = arith.constant 99999 : i32
        %min3A_202 = vector.broadcast %min3A_201 : i32 to vector<16xi32>
        %min3A_203 = arith.minsi %max3A_200, %min3A_202 : vector<16xi32>
        %gather3A_204 = tpu.vector_load_idx %arg6[%min3A_203] : memref<100000xf32, #tpu.memory_space<vmem>>[vector<16xi32>], vector<16xf32>,
        %swap3A_205 = arith.index_cast %scan3A_178 : i32 to index
        %swap3A_206 = arith.constant 16 : index
        %swap3A_207 = tpu.vector_load %arg8[%swap3A_205, %swap3A_206] {strides = array<i32>} : memref<16x128xf32, #tpu.memory_space<vmem>>, vector<16xf32>,
        tpu.vector_store %arg8[%swap3A_205, %swap3A_206], %gather3A_204 {strides = array<i32>} : memref<16x128xf32, #tpu.memory_space<vmem>>, vector<16xf32>,
        %mul3A_208 = arith.constant 128 : i32
        %mul3A_209 = arith.muli %scan3A_178, %mul3A_208 : i32
        %add3A_210 = arith.constant 32 : i32
        %add3A_211 = arith.addi %mul3A_209, %add3A_210 : i32
        %get3A_212 = arith.index_cast %add3A_211 : i32 to index
        %get3A_213 = tpu.vector_load %arg7[%get3A_212] {strides = array<i32>} : memref<2048xi32, #tpu.memory_space<vmem>>, vector<16xi32>,
        %max3A_214 = arith.constant 0 : i32
        %max3A_215 = vector.broadcast %max3A_214 : i32 to vector<16xi32>
        %max3A_216 = arith.maxsi %get3A_213, %max3A_215 : vector<16xi32>
        %min3A_217 = arith.constant 99999 : i32
        %min3A_218 = vector.broadcast %min3A_217 : i32 to vector<16xi32>
        %min3A_219 = arith.minsi %max3A_216, %min3A_218 : vector<16xi32>
        %gather3A_220 = tpu.vector_load_idx %arg6[%min3A_219] : memref<100000xf32, #tpu.memory_space<vmem>>[vector<16xi32>], vector<16xf32>,
        %swap3A_221 = arith.index_cast %scan3A_178 : i32 to index
        %swap3A_222 = arith.constant 32 : index
        %swap3A_223 = tpu.vector_load %arg8[%swap3A_221, %swap3A_222] {strides = array<i32>} : memref<16x128xf32, #tpu.memory_space<vmem>>, vector<16xf32>,
        tpu.vector_store %arg8[%swap3A_221, %swap3A_222], %gather3A_220 {strides = array<i32>} : memref<16x128xf32, #tpu.memory_space<vmem>>, vector<16xf32>,
        %mul3A_224 = arith.constant 128 : i32
        %mul3A_225 = arith.muli %scan3A_178, %mul3A_224 : i32
        %add3A_226 = arith.constant 48 : i32
        %add3A_227 = arith.addi %mul3A_225, %add3A_226 : i32
        %get3A_228 = arith.index_cast %add3A_227 : i32 to index
        %get3A_229 = tpu.vector_load %arg7[%get3A_228] {strides = array<i32>} : memref<2048xi32, #tpu.memory_space<vmem>>, vector<16xi32>,
        %max3A_230 = arith.constant 0 : i32
        %max3A_231 = vector.broadcast %max3A_230 : i32 to vector<16xi32>
        %max3A_232 = arith.maxsi %get3A_229, %max3A_231 : vector<16xi32>
        %min3A_233 = arith.constant 99999 : i32
        %min3A_234 = vector.broadcast %min3A_233 : i32 to vector<16xi32>
        %min3A_235 = arith.minsi %max3A_232, %min3A_234 : vector<16xi32>
        %gather3A_236 = tpu.vector_load_idx %arg6[%min3A_235] : memref<100000xf32, #tpu.memory_space<vmem>>[vector<16xi32>], vector<16xf32>,
        %swap3A_237 = arith.index_cast %scan3A_178 : i32 to index
        %swap3A_238 = arith.constant 48 : index
        %swap3A_239 = tpu.vector_load %arg8[%swap3A_237, %swap3A_238] {strides = array<i32>} : memref<16x128xf32, #tpu.memory_space<vmem>>, vector<16xf32>,
        tpu.vector_store %arg8[%swap3A_237, %swap3A_238], %gather3A_236 {strides = array<i32>} : memref<16x128xf32, #tpu.memory_space<vmem>>, vector<16xf32>,
        %mul3A_240 = arith.constant 128 : i32
        %mul3A_241 = arith.muli %scan3A_178, %mul3A_240 : i32
        %add3A_242 = arith.constant 64 : i32
        %add3A_243 = arith.addi %mul3A_241, %add3A_242 : i32
        %get3A_244 = arith.index_cast %add3A_243 : i32 to index
        %get3A_245 = tpu.vector_load %arg7[%get3A_244] {strides = array<i32>} : memref<2048xi32, #tpu.memory_space<vmem>>, vector<16xi32>,
        %max3A_246 = arith.constant 0 : i32
        %max3A_247 = vector.broadcast %max3A_246 : i32 to vector<16xi32>
        %max3A_248 = arith.maxsi %get3A_245, %max3A_247 : vector<16xi32>
        %min3A_249 = arith.constant 99999 : i32
        %min3A_250 = vector.broadcast %min3A_249 : i32 to vector<16xi32>
        %min3A_251 = arith.minsi %max3A_248, %min3A_250 : vector<16xi32>
        %gather3A_252 = tpu.vector_load_idx %arg6[%min3A_251] : memref<100000xf32, #tpu.memory_space<vmem>>[vector<16xi32>], vector<16xf32>,
        %swap3A_253 = arith.index_cast %scan3A_178 : i32 to index
        %swap3A_254 = arith.constant 64 : index
        %swap3A_255 = tpu.vector_load %arg8[%swap3A_253, %swap3A_254] {strides = array<i32>} : memref<16x128xf32, #tpu.memory_space<vmem>>, vector<16xf32>,
        tpu.vector_store %arg8[%swap3A_253, %swap3A_254], %gather3A_252 {strides = array<i32>} : memref<16x128xf32, #tpu.memory_space<vmem>>, vector<16xf32>,
        %mul3A_256 = arith.constant 128 : i32
        %mul3A_257 = arith.muli %scan3A_178, %mul3A_256 : i32
        %add3A_258 = arith.constant 80 : i32
        %add3A_259 = arith.addi %mul3A_257, %add3A_258 : i32
        %get3A_260 = arith.index_cast %add3A_259 : i32 to index
        %get3A_261 = tpu.vector_load %arg7[%get3A_260] {strides = array<i32>} : memref<2048xi32, #tpu.memory_space<vmem>>, vector<16xi32>,
        %max3A_262 = arith.constant 0 : i32
        %max3A_263 = vector.broadcast %max3A_262 : i32 to vector<16xi32>
        %max3A_264 = arith.maxsi %get3A_261, %max3A_263 : vector<16xi32>
        %min3A_265 = arith.constant 99999 : i32
        %min3A_266 = vector.broadcast %min3A_265 : i32 to vector<16xi32>
        %min3A_267 = arith.minsi %max3A_264, %min3A_266 : vector<16xi32>
        %gather3A_268 = tpu.vector_load_idx %arg6[%min3A_267] : memref<100000xf32, #tpu.memory_space<vmem>>[vector<16xi32>], vector<16xf32>,
        %swap3A_269 = arith.index_cast %scan3A_178 : i32 to index
        %swap3A_270 = arith.constant 80 : index
        %swap3A_271 = tpu.vector_load %arg8[%swap3A_269, %swap3A_270] {strides = array<i32>} : memref<16x128xf32, #tpu.memory_space<vmem>>, vector<16xf32>,
        tpu.vector_store %arg8[%swap3A_269, %swap3A_270], %gather3A_268 {strides = array<i32>} : memref<16x128xf32, #tpu.memory_space<vmem>>, vector<16xf32>,
        %mul3A_272 = arith.constant 128 : i32
        %mul3A_273 = arith.muli %scan3A_178, %mul3A_272 : i32
        %add3A_274 = arith.constant 96 : i32
        %add3A_275 = arith.addi %mul3A_273, %add3A_274 : i32
        %get3A_276 = arith.index_cast %add3A_275 : i32 to index
        %get3A_277 = tpu.vector_load %arg7[%get3A_276] {strides = array<i32>} : memref<2048xi32, #tpu.memory_space<vmem>>, vector<16xi32>,
        %max3A_278 = arith.constant 0 : i32
        %max3A_279 = vector.broadcast %max3A_278 : i32 to vector<16xi32>
        %max3A_280 = arith.maxsi %get3A_277, %max3A_279 : vector<16xi32>
        %min3A_281 = arith.constant 99999 : i32
        %min3A_282 = vector.broadcast %min3A_281 : i32 to vector<16xi32>
        %min3A_283 = arith.minsi %max3A_280, %min3A_282 : vector<16xi32>
        %gather3A_284 = tpu.vector_load_idx %arg6[%min3A_283] : memref<100000xf32, #tpu.memory_space<vmem>>[vector<16xi32>], vector<16xf32>,
        %swap3A_285 = arith.index_cast %scan3A_178 : i32 to index
        %swap3A_286 = arith.constant 96 : index
        %swap3A_287 = tpu.vector_load %arg8[%swap3A_285, %swap3A_286] {strides = array<i32>} : memref<16x128xf32, #tpu.memory_space<vmem>>, vector<16xf32>,
        tpu.vector_store %arg8[%swap3A_285, %swap3A_286], %gather3A_284 {strides = array<i32>} : memref<16x128xf32, #tpu.memory_space<vmem>>, vector<16xf32>,
        %mul3A_288 = arith.constant 128 : i32
        %mul3A_289 = arith.muli %scan3A_178, %mul3A_288 : i32
        %add3A_290 = arith.constant 112 : i32
        %add3A_291 = arith.addi %mul3A_289, %add3A_290 : i32
        %get3A_292 = arith.index_cast %add3A_291 : i32 to index
        %get3A_293 = tpu.vector_load %arg7[%get3A_292] {strides = array<i32>} : memref<2048xi32, #tpu.memory_space<vmem>>, vector<16xi32>,
        %max3A_294 = arith.constant 0 : i32
        %max3A_295 = vector.broadcast %max3A_294 : i32 to vector<16xi32>
        %max3A_296 = arith.maxsi %get3A_293, %max3A_295 : vector<16xi32>
        %min3A_297 = arith.constant 99999 : i32
        %min3A_298 = vector.broadcast %min3A_297 : i32 to vector<16xi32>
        %min3A_299 = arith.minsi %max3A_296, %min3A_298 : vector<16xi32>
        %gather3A_300 = tpu.vector_load_idx %arg6[%min3A_299] : memref<100000xf32, #tpu.memory_space<vmem>>[vector<16xi32>], vector<16xf32>,
        %swap3A_301 = arith.index_cast %scan3A_178 : i32 to index
        %swap3A_302 = arith.constant 112 : index
        %swap3A_303 = tpu.vector_load %arg8[%swap3A_301, %swap3A_302] {strides = array<i32>} : memref<16x128xf32, #tpu.memory_space<vmem>>, vector<16xf32>,
        tpu.vector_store %arg8[%swap3A_301, %swap3A_302], %gather3A_300 {strides = array<i32>} : memref<16x128xf32, #tpu.memory_space<vmem>>, vector<16xf32>,
        %scan3A_304 = arith.constant 0 : i32
        scf.yield %scan3A_304 : i32
      }
      %scan3A_128 = arith.constant 16 : i32
      %run_scoped3A_129 = arith.constant 0 : i32
      "tpu.region"() ({
        %run_scoped3A_178 = tpu.sem_alloc : memref<!tpu.dma_semaphore, #tpu.memory_space<semaphore_mem>>
        %dma_start3A_179 = arith.constant 0 : i32
        %dma_start3A_180 = tpu.memref_slice %arg9[%run_scoped3A_129, %dma_start3A_179] : memref<4x16xi32, #tpu.memory_space<vmem>> -> memref<1x16xi32, #tpu.memory_space<vmem>>
        %dma_start3A_181 = tpu.memref_squeeze %dma_start3A_180 : memref<1x16xi32, #tpu.memory_space<vmem>> -> memref<16xi32, #tpu.memory_space<vmem>>
        %dma_start3A_182 = arith.constant 0 : i32
        %dma_start3A_183 = arith.constant 0 : i32
        %dma_start3A_184 = tpu.memref_slice %arg10[%dma_start3A_182, %dma_start3A_183] : memref<64x128xf32, #tpu.memory_space<vmem_shared>> -> memref<64x128xf32, #tpu.memory_space<vmem_shared>>
        tpu.enqueue_indirect_dma source(%arg8 : memref<16x128xf32, #tpu.memory_space<vmem>>) target(%dma_start3A_184 : memref<64x128xf32, #tpu.memory_space<vmem_shared>>) offsets(%dma_start3A_181 : memref<16xi32, #tpu.memory_space<vmem>>) semaphore(%run_scoped3A_178 : memref<!tpu.dma_semaphore, #tpu.memory_space<semaphore_mem>>) {add = true}
        %dma_wait3A_185 = arith.constant 0 : i32
        %dma_wait3A_186 = tpu.memref_slice %arg9[%run_scoped3A_129, %dma_wait3A_185] : memref<4x16xi32, #tpu.memory_space<vmem>> -> memref<1x16xi32, #tpu.memory_space<vmem>>
        %dma_wait3A_187 = tpu.memref_squeeze %dma_wait3A_186 : memref<1x16xi32, #tpu.memory_space<vmem>> -> memref<16xi32, #tpu.memory_space<vmem>>
        %dma_wait3A_188 = arith.constant 0 : i32
        %dma_wait3A_189 = arith.constant 0 : i32
        %dma_wait3A_190 = tpu.memref_slice %arg10[%dma_wait3A_188, %dma_wait3A_189] : memref<64x128xf32, #tpu.memory_space<vmem_shared>> -> memref<64x128xf32, #tpu.memory_space<vmem_shared>>
        tpu.wait_indirect_dma semaphore(%run_scoped3A_178 : memref<!tpu.dma_semaphore, #tpu.memory_space<semaphore_mem>>) src(%arg8 : memref<16x128xf32, #tpu.memory_space<vmem>>) dst(%dma_wait3A_190 : memref<64x128xf32, #tpu.memory_space<vmem_shared>>)
        tpu.yield
      }) : () -> ()
      %mul3A_130 = arith.constant 16384 : i32
      %mul3A_131 = arith.muli %add3A_110, %mul3A_130 : i32
      %mul3A_132 = arith.constant 8192 : i32
      %mul3A_133 = arith.muli %arg0, %mul3A_132 : i32
      %add3A_134 = arith.addi %mul3A_131, %mul3A_133 : i32
      %add3A_135 = arith.constant 2048 : i32
      %add3A_136 = arith.addi %add3A_134, %add3A_135 : i32
      %multiple_of3A_137 = tpu.assume_multiple %add3A_136, 8 : i32
      "tpu.region"() ({
        %run_scoped3A_178 = tpu.sem_alloc : memref<!tpu.dma_semaphore, #tpu.memory_space<semaphore_mem>>
        %dma_start3A_179 = tpu.memref_slice %arg2[%multiple_of3A_137] : memref<425984xi32, #tpu.memory_space<hbm>> -> memref<2048xi32, #tpu.memory_space<hbm>>
        %dma_start3A_180 = tpu.memref_slice %arg2[%multiple_of3A_137] : memref<425984xi32, #tpu.memory_space<hbm>> -> memref<2048xi32, #tpu.memory_space<hbm>>
        tpu.enqueue_dma source(%dma_start3A_180 : memref<2048xi32, #tpu.memory_space<hbm>>) target(%arg7 : memref<2048xi32, #tpu.memory_space<vmem>>) target_semaphore(%run_scoped3A_178 : memref<!tpu.dma_semaphore, #tpu.memory_space<semaphore_mem>>)
        %dma_wait3A_181 = tpu.memref_slice %arg2[%multiple_of3A_137] : memref<425984xi32, #tpu.memory_space<hbm>> -> memref<2048xi32, #tpu.memory_space<hbm>>
        %dma_wait3A_182 = tpu.memref_slice %arg2[%multiple_of3A_137] : memref<425984xi32, #tpu.memory_space<hbm>> -> memref<2048xi32, #tpu.memory_space<hbm>>
        tpu.wait_dma2 semaphore(%run_scoped3A_178 : memref<!tpu.dma_semaphore, #tpu.memory_space<semaphore_mem>>) src(%dma_wait3A_182 : memref<2048xi32, #tpu.memory_space<hbm>>) dst(%arg7 : memref<2048xi32, #tpu.memory_space<vmem>>)
        tpu.yield
      }) : () -> ()
      %scan3A_138 = arith.constant 0 : i32
      %scan3A_139 = arith.constant 0 : i32
      %scan3A_140 = arith.constant 16 : i32
      %scan3A_141 = arith.addi %scan3A_139, %scan3A_140 : i32
      %scan3A_142 = arith.constant 1 : i32
      %scan3A_143 = scf.for %scan3A_178 = %scan3A_139 to %scan3A_141 step %scan3A_142 iter_args(%scan3A_179 = %scan3A_138) -> (i32)  : i32 {
        %mul3A_180 = arith.constant 128 : i32
        %mul3A_181 = arith.muli %scan3A_178, %mul3A_180 : i32
        %add3A_182 = arith.constant 0 : i32
        %add3A_183 = arith.addi %mul3A_181, %add3A_182 : i32
        %get3A = arith.index_cast %add3A_183 : i32 to index
        %get3A_184 = tpu.vector_load %arg7[%get3A] {strides = array<i32>} : memref<2048xi32, #tpu.memory_space<vmem>>, vector<16xi32>,
        %max3A = arith.constant 0 : i32
        %max3A_185 = vector.broadcast %max3A : i32 to vector<16xi32>
        %max3A_186 = arith.maxsi %get3A_184, %max3A_185 : vector<16xi32>
        %min3A = arith.constant 99999 : i32
        %min3A_187 = vector.broadcast %min3A : i32 to vector<16xi32>
        %min3A_188 = arith.minsi %max3A_186, %min3A_187 : vector<16xi32>
        %gather3A = tpu.vector_load_idx %arg6[%min3A_188] : memref<100000xf32, #tpu.memory_space<vmem>>[vector<16xi32>], vector<16xf32>,
        %swap3A_189 = arith.index_cast %scan3A_178 : i32 to index
        %swap3A_190 = arith.constant 0 : index
        %swap3A_191 = tpu.vector_load %arg8[%swap3A_189, %swap3A_190] {strides = array<i32>} : memref<16x128xf32, #tpu.memory_space<vmem>>, vector<16xf32>,
        tpu.vector_store %arg8[%swap3A_189, %swap3A_190], %gather3A {strides = array<i32>} : memref<16x128xf32, #tpu.memory_space<vmem>>, vector<16xf32>,
        %mul3A_192 = arith.constant 128 : i32
        %mul3A_193 = arith.muli %scan3A_178, %mul3A_192 : i32
        %add3A_194 = arith.constant 16 : i32
        %add3A_195 = arith.addi %mul3A_193, %add3A_194 : i32
        %get3A_196 = arith.index_cast %add3A_195 : i32 to index
        %get3A_197 = tpu.vector_load %arg7[%get3A_196] {strides = array<i32>} : memref<2048xi32, #tpu.memory_space<vmem>>, vector<16xi32>,
        %max3A_198 = arith.constant 0 : i32
        %max3A_199 = vector.broadcast %max3A_198 : i32 to vector<16xi32>
        %max3A_200 = arith.maxsi %get3A_197, %max3A_199 : vector<16xi32>
        %min3A_201 = arith.constant 99999 : i32
        %min3A_202 = vector.broadcast %min3A_201 : i32 to vector<16xi32>
        %min3A_203 = arith.minsi %max3A_200, %min3A_202 : vector<16xi32>
        %gather3A_204 = tpu.vector_load_idx %arg6[%min3A_203] : memref<100000xf32, #tpu.memory_space<vmem>>[vector<16xi32>], vector<16xf32>,
        %swap3A_205 = arith.index_cast %scan3A_178 : i32 to index
        %swap3A_206 = arith.constant 16 : index
        %swap3A_207 = tpu.vector_load %arg8[%swap3A_205, %swap3A_206] {strides = array<i32>} : memref<16x128xf32, #tpu.memory_space<vmem>>, vector<16xf32>,
        tpu.vector_store %arg8[%swap3A_205, %swap3A_206], %gather3A_204 {strides = array<i32>} : memref<16x128xf32, #tpu.memory_space<vmem>>, vector<16xf32>,
        %mul3A_208 = arith.constant 128 : i32
        %mul3A_209 = arith.muli %scan3A_178, %mul3A_208 : i32
        %add3A_210 = arith.constant 32 : i32
        %add3A_211 = arith.addi %mul3A_209, %add3A_210 : i32
        %get3A_212 = arith.index_cast %add3A_211 : i32 to index
        %get3A_213 = tpu.vector_load %arg7[%get3A_212] {strides = array<i32>} : memref<2048xi32, #tpu.memory_space<vmem>>, vector<16xi32>,
        %max3A_214 = arith.constant 0 : i32
        %max3A_215 = vector.broadcast %max3A_214 : i32 to vector<16xi32>
        %max3A_216 = arith.maxsi %get3A_213, %max3A_215 : vector<16xi32>
        %min3A_217 = arith.constant 99999 : i32
        %min3A_218 = vector.broadcast %min3A_217 : i32 to vector<16xi32>
        %min3A_219 = arith.minsi %max3A_216, %min3A_218 : vector<16xi32>
        %gather3A_220 = tpu.vector_load_idx %arg6[%min3A_219] : memref<100000xf32, #tpu.memory_space<vmem>>[vector<16xi32>], vector<16xf32>,
        %swap3A_221 = arith.index_cast %scan3A_178 : i32 to index
        %swap3A_222 = arith.constant 32 : index
        %swap3A_223 = tpu.vector_load %arg8[%swap3A_221, %swap3A_222] {strides = array<i32>} : memref<16x128xf32, #tpu.memory_space<vmem>>, vector<16xf32>,
        tpu.vector_store %arg8[%swap3A_221, %swap3A_222], %gather3A_220 {strides = array<i32>} : memref<16x128xf32, #tpu.memory_space<vmem>>, vector<16xf32>,
        %mul3A_224 = arith.constant 128 : i32
        %mul3A_225 = arith.muli %scan3A_178, %mul3A_224 : i32
        %add3A_226 = arith.constant 48 : i32
        %add3A_227 = arith.addi %mul3A_225, %add3A_226 : i32
        %get3A_228 = arith.index_cast %add3A_227 : i32 to index
        %get3A_229 = tpu.vector_load %arg7[%get3A_228] {strides = array<i32>} : memref<2048xi32, #tpu.memory_space<vmem>>, vector<16xi32>,
        %max3A_230 = arith.constant 0 : i32
        %max3A_231 = vector.broadcast %max3A_230 : i32 to vector<16xi32>
        %max3A_232 = arith.maxsi %get3A_229, %max3A_231 : vector<16xi32>
        %min3A_233 = arith.constant 99999 : i32
        %min3A_234 = vector.broadcast %min3A_233 : i32 to vector<16xi32>
        %min3A_235 = arith.minsi %max3A_232, %min3A_234 : vector<16xi32>
        %gather3A_236 = tpu.vector_load_idx %arg6[%min3A_235] : memref<100000xf32, #tpu.memory_space<vmem>>[vector<16xi32>], vector<16xf32>,
        %swap3A_237 = arith.index_cast %scan3A_178 : i32 to index
        %swap3A_238 = arith.constant 48 : index
        %swap3A_239 = tpu.vector_load %arg8[%swap3A_237, %swap3A_238] {strides = array<i32>} : memref<16x128xf32, #tpu.memory_space<vmem>>, vector<16xf32>,
        tpu.vector_store %arg8[%swap3A_237, %swap3A_238], %gather3A_236 {strides = array<i32>} : memref<16x128xf32, #tpu.memory_space<vmem>>, vector<16xf32>,
        %mul3A_240 = arith.constant 128 : i32
        %mul3A_241 = arith.muli %scan3A_178, %mul3A_240 : i32
        %add3A_242 = arith.constant 64 : i32
        %add3A_243 = arith.addi %mul3A_241, %add3A_242 : i32
        %get3A_244 = arith.index_cast %add3A_243 : i32 to index
        %get3A_245 = tpu.vector_load %arg7[%get3A_244] {strides = array<i32>} : memref<2048xi32, #tpu.memory_space<vmem>>, vector<16xi32>,
        %max3A_246 = arith.constant 0 : i32
        %max3A_247 = vector.broadcast %max3A_246 : i32 to vector<16xi32>
        %max3A_248 = arith.maxsi %get3A_245, %max3A_247 : vector<16xi32>
        %min3A_249 = arith.constant 99999 : i32
        %min3A_250 = vector.broadcast %min3A_249 : i32 to vector<16xi32>
        %min3A_251 = arith.minsi %max3A_248, %min3A_250 : vector<16xi32>
        %gather3A_252 = tpu.vector_load_idx %arg6[%min3A_251] : memref<100000xf32, #tpu.memory_space<vmem>>[vector<16xi32>], vector<16xf32>,
        %swap3A_253 = arith.index_cast %scan3A_178 : i32 to index
        %swap3A_254 = arith.constant 64 : index
        %swap3A_255 = tpu.vector_load %arg8[%swap3A_253, %swap3A_254] {strides = array<i32>} : memref<16x128xf32, #tpu.memory_space<vmem>>, vector<16xf32>,
        tpu.vector_store %arg8[%swap3A_253, %swap3A_254], %gather3A_252 {strides = array<i32>} : memref<16x128xf32, #tpu.memory_space<vmem>>, vector<16xf32>,
        %mul3A_256 = arith.constant 128 : i32
        %mul3A_257 = arith.muli %scan3A_178, %mul3A_256 : i32
        %add3A_258 = arith.constant 80 : i32
        %add3A_259 = arith.addi %mul3A_257, %add3A_258 : i32
        %get3A_260 = arith.index_cast %add3A_259 : i32 to index
        %get3A_261 = tpu.vector_load %arg7[%get3A_260] {strides = array<i32>} : memref<2048xi32, #tpu.memory_space<vmem>>, vector<16xi32>,
        %max3A_262 = arith.constant 0 : i32
        %max3A_263 = vector.broadcast %max3A_262 : i32 to vector<16xi32>
        %max3A_264 = arith.maxsi %get3A_261, %max3A_263 : vector<16xi32>
        %min3A_265 = arith.constant 99999 : i32
        %min3A_266 = vector.broadcast %min3A_265 : i32 to vector<16xi32>
        %min3A_267 = arith.minsi %max3A_264, %min3A_266 : vector<16xi32>
        %gather3A_268 = tpu.vector_load_idx %arg6[%min3A_267] : memref<100000xf32, #tpu.memory_space<vmem>>[vector<16xi32>], vector<16xf32>,
        %swap3A_269 = arith.index_cast %scan3A_178 : i32 to index
        %swap3A_270 = arith.constant 80 : index
        %swap3A_271 = tpu.vector_load %arg8[%swap3A_269, %swap3A_270] {strides = array<i32>} : memref<16x128xf32, #tpu.memory_space<vmem>>, vector<16xf32>,
        tpu.vector_store %arg8[%swap3A_269, %swap3A_270], %gather3A_268 {strides = array<i32>} : memref<16x128xf32, #tpu.memory_space<vmem>>, vector<16xf32>,
        %mul3A_272 = arith.constant 128 : i32
        %mul3A_273 = arith.muli %scan3A_178, %mul3A_272 : i32
        %add3A_274 = arith.constant 96 : i32
        %add3A_275 = arith.addi %mul3A_273, %add3A_274 : i32
        %get3A_276 = arith.index_cast %add3A_275 : i32 to index
        %get3A_277 = tpu.vector_load %arg7[%get3A_276] {strides = array<i32>} : memref<2048xi32, #tpu.memory_space<vmem>>, vector<16xi32>,
        %max3A_278 = arith.constant 0 : i32
        %max3A_279 = vector.broadcast %max3A_278 : i32 to vector<16xi32>
        %max3A_280 = arith.maxsi %get3A_277, %max3A_279 : vector<16xi32>
        %min3A_281 = arith.constant 99999 : i32
        %min3A_282 = vector.broadcast %min3A_281 : i32 to vector<16xi32>
        %min3A_283 = arith.minsi %max3A_280, %min3A_282 : vector<16xi32>
        %gather3A_284 = tpu.vector_load_idx %arg6[%min3A_283] : memref<100000xf32, #tpu.memory_space<vmem>>[vector<16xi32>], vector<16xf32>,
        %swap3A_285 = arith.index_cast %scan3A_178 : i32 to index
        %swap3A_286 = arith.constant 96 : index
        %swap3A_287 = tpu.vector_load %arg8[%swap3A_285, %swap3A_286] {strides = array<i32>} : memref<16x128xf32, #tpu.memory_space<vmem>>, vector<16xf32>,
        tpu.vector_store %arg8[%swap3A_285, %swap3A_286], %gather3A_284 {strides = array<i32>} : memref<16x128xf32, #tpu.memory_space<vmem>>, vector<16xf32>,
        %mul3A_288 = arith.constant 128 : i32
        %mul3A_289 = arith.muli %scan3A_178, %mul3A_288 : i32
        %add3A_290 = arith.constant 112 : i32
        %add3A_291 = arith.addi %mul3A_289, %add3A_290 : i32
        %get3A_292 = arith.index_cast %add3A_291 : i32 to index
        %get3A_293 = tpu.vector_load %arg7[%get3A_292] {strides = array<i32>} : memref<2048xi32, #tpu.memory_space<vmem>>, vector<16xi32>,
        %max3A_294 = arith.constant 0 : i32
        %max3A_295 = vector.broadcast %max3A_294 : i32 to vector<16xi32>
        %max3A_296 = arith.maxsi %get3A_293, %max3A_295 : vector<16xi32>
        %min3A_297 = arith.constant 99999 : i32
        %min3A_298 = vector.broadcast %min3A_297 : i32 to vector<16xi32>
        %min3A_299 = arith.minsi %max3A_296, %min3A_298 : vector<16xi32>
        %gather3A_300 = tpu.vector_load_idx %arg6[%min3A_299] : memref<100000xf32, #tpu.memory_space<vmem>>[vector<16xi32>], vector<16xf32>,
        %swap3A_301 = arith.index_cast %scan3A_178 : i32 to index
        %swap3A_302 = arith.constant 112 : index
        %swap3A_303 = tpu.vector_load %arg8[%swap3A_301, %swap3A_302] {strides = array<i32>} : memref<16x128xf32, #tpu.memory_space<vmem>>, vector<16xf32>,
        tpu.vector_store %arg8[%swap3A_301, %swap3A_302], %gather3A_300 {strides = array<i32>} : memref<16x128xf32, #tpu.memory_space<vmem>>, vector<16xf32>,
        %scan3A_304 = arith.constant 0 : i32
        scf.yield %scan3A_304 : i32
      }
      %scan3A_144 = arith.constant 16 : i32
      %run_scoped3A_145 = arith.constant 1 : i32
      "tpu.region"() ({
        %run_scoped3A_178 = tpu.sem_alloc : memref<!tpu.dma_semaphore, #tpu.memory_space<semaphore_mem>>
        %dma_start3A_179 = arith.constant 0 : i32
        %dma_start3A_180 = tpu.memref_slice %arg9[%run_scoped3A_145, %dma_start3A_179] : memref<4x16xi32, #tpu.memory_space<vmem>> -> memref<1x16xi32, #tpu.memory_space<vmem>>
        %dma_start3A_181 = tpu.memref_squeeze %dma_start3A_180 : memref<1x16xi32, #tpu.memory_space<vmem>> -> memref<16xi32, #tpu.memory_space<vmem>>
        %dma_start3A_182 = arith.constant 0 : i32
        %dma_start3A_183 = arith.constant 0 : i32
        %dma_start3A_184 = tpu.memref_slice %arg10[%dma_start3A_182, %dma_start3A_183] : memref<64x128xf32, #tpu.memory_space<vmem_shared>> -> memref<64x128xf32, #tpu.memory_space<vmem_shared>>
        tpu.enqueue_indirect_dma source(%arg8 : memref<16x128xf32, #tpu.memory_space<vmem>>) target(%dma_start3A_184 : memref<64x128xf32, #tpu.memory_space<vmem_shared>>) offsets(%dma_start3A_181 : memref<16xi32, #tpu.memory_space<vmem>>) semaphore(%run_scoped3A_178 : memref<!tpu.dma_semaphore, #tpu.memory_space<semaphore_mem>>) {add = true}
        %dma_wait3A_185 = arith.constant 0 : i32
        %dma_wait3A_186 = tpu.memref_slice %arg9[%run_scoped3A_145, %dma_wait3A_185] : memref<4x16xi32, #tpu.memory_space<vmem>> -> memref<1x16xi32, #tpu.memory_space<vmem>>
        %dma_wait3A_187 = tpu.memref_squeeze %dma_wait3A_186 : memref<1x16xi32, #tpu.memory_space<vmem>> -> memref<16xi32, #tpu.memory_space<vmem>>
        %dma_wait3A_188 = arith.constant 0 : i32
        %dma_wait3A_189 = arith.constant 0 : i32
        %dma_wait3A_190 = tpu.memref_slice %arg10[%dma_wait3A_188, %dma_wait3A_189] : memref<64x128xf32, #tpu.memory_space<vmem_shared>> -> memref<64x128xf32, #tpu.memory_space<vmem_shared>>
        tpu.wait_indirect_dma semaphore(%run_scoped3A_178 : memref<!tpu.dma_semaphore, #tpu.memory_space<semaphore_mem>>) src(%arg8 : memref<16x128xf32, #tpu.memory_space<vmem>>) dst(%dma_wait3A_190 : memref<64x128xf32, #tpu.memory_space<vmem_shared>>)
        tpu.yield
      }) : () -> ()
      %mul3A_146 = arith.constant 16384 : i32
      %mul3A_147 = arith.muli %add3A_110, %mul3A_146 : i32
      %mul3A_148 = arith.constant 8192 : i32
      %mul3A_149 = arith.muli %arg0, %mul3A_148 : i32
      %add3A_150 = arith.addi %mul3A_147, %mul3A_149 : i32
      %add3A_151 = arith.constant 4096 : i32
      %add3A_152 = arith.addi %add3A_150, %add3A_151 : i32
      %multiple_of3A_153 = tpu.assume_multiple %add3A_152, 8 : i32
      "tpu.region"() ({
        %run_scoped3A_178 = tpu.sem_alloc : memref<!tpu.dma_semaphore, #tpu.memory_space<semaphore_mem>>
        %dma_start3A_179 = tpu.memref_slice %arg2[%multiple_of3A_153] : memref<425984xi32, #tpu.memory_space<hbm>> -> memref<2048xi32, #tpu.memory_space<hbm>>
        %dma_start3A_180 = tpu.memref_slice %arg2[%multiple_of3A_153] : memref<425984xi32, #tpu.memory_space<hbm>> -> memref<2048xi32, #tpu.memory_space<hbm>>
        tpu.enqueue_dma source(%dma_start3A_180 : memref<2048xi32, #tpu.memory_space<hbm>>) target(%arg7 : memref<2048xi32, #tpu.memory_space<vmem>>) target_semaphore(%run_scoped3A_178 : memref<!tpu.dma_semaphore, #tpu.memory_space<semaphore_mem>>)
        %dma_wait3A_181 = tpu.memref_slice %arg2[%multiple_of3A_153] : memref<425984xi32, #tpu.memory_space<hbm>> -> memref<2048xi32, #tpu.memory_space<hbm>>
        %dma_wait3A_182 = tpu.memref_slice %arg2[%multiple_of3A_153] : memref<425984xi32, #tpu.memory_space<hbm>> -> memref<2048xi32, #tpu.memory_space<hbm>>
        tpu.wait_dma2 semaphore(%run_scoped3A_178 : memref<!tpu.dma_semaphore, #tpu.memory_space<semaphore_mem>>) src(%dma_wait3A_182 : memref<2048xi32, #tpu.memory_space<hbm>>) dst(%arg7 : memref<2048xi32, #tpu.memory_space<vmem>>)
        tpu.yield
      }) : () -> ()
      %scan3A_154 = arith.constant 0 : i32
      %scan3A_155 = arith.constant 0 : i32
      %scan3A_156 = arith.constant 16 : i32
      %scan3A_157 = arith.addi %scan3A_155, %scan3A_156 : i32
      %scan3A_158 = arith.constant 1 : i32
      %scan3A_159 = scf.for %scan3A_178 = %scan3A_155 to %scan3A_157 step %scan3A_158 iter_args(%scan3A_179 = %scan3A_154) -> (i32)  : i32 {
        %mul3A_180 = arith.constant 128 : i32
        %mul3A_181 = arith.muli %scan3A_178, %mul3A_180 : i32
        %add3A_182 = arith.constant 0 : i32
        %add3A_183 = arith.addi %mul3A_181, %add3A_182 : i32
        %get3A = arith.index_cast %add3A_183 : i32 to index
        %get3A_184 = tpu.vector_load %arg7[%get3A] {strides = array<i32>} : memref<2048xi32, #tpu.memory_space<vmem>>, vector<16xi32>,
        %max3A = arith.constant 0 : i32
        %max3A_185 = vector.broadcast %max3A : i32 to vector<16xi32>
        %max3A_186 = arith.maxsi %get3A_184, %max3A_185 : vector<16xi32>
        %min3A = arith.constant 99999 : i32
        %min3A_187 = vector.broadcast %min3A : i32 to vector<16xi32>
        %min3A_188 = arith.minsi %max3A_186, %min3A_187 : vector<16xi32>
        %gather3A = tpu.vector_load_idx %arg6[%min3A_188] : memref<100000xf32, #tpu.memory_space<vmem>>[vector<16xi32>], vector<16xf32>,
        %swap3A_189 = arith.index_cast %scan3A_178 : i32 to index
        %swap3A_190 = arith.constant 0 : index
        %swap3A_191 = tpu.vector_load %arg8[%swap3A_189, %swap3A_190] {strides = array<i32>} : memref<16x128xf32, #tpu.memory_space<vmem>>, vector<16xf32>,
        tpu.vector_store %arg8[%swap3A_189, %swap3A_190], %gather3A {strides = array<i32>} : memref<16x128xf32, #tpu.memory_space<vmem>>, vector<16xf32>,
        %mul3A_192 = arith.constant 128 : i32
        %mul3A_193 = arith.muli %scan3A_178, %mul3A_192 : i32
        %add3A_194 = arith.constant 16 : i32
        %add3A_195 = arith.addi %mul3A_193, %add3A_194 : i32
        %get3A_196 = arith.index_cast %add3A_195 : i32 to index
        %get3A_197 = tpu.vector_load %arg7[%get3A_196] {strides = array<i32>} : memref<2048xi32, #tpu.memory_space<vmem>>, vector<16xi32>,
        %max3A_198 = arith.constant 0 : i32
        %max3A_199 = vector.broadcast %max3A_198 : i32 to vector<16xi32>
        %max3A_200 = arith.maxsi %get3A_197, %max3A_199 : vector<16xi32>
        %min3A_201 = arith.constant 99999 : i32
        %min3A_202 = vector.broadcast %min3A_201 : i32 to vector<16xi32>
        %min3A_203 = arith.minsi %max3A_200, %min3A_202 : vector<16xi32>
        %gather3A_204 = tpu.vector_load_idx %arg6[%min3A_203] : memref<100000xf32, #tpu.memory_space<vmem>>[vector<16xi32>], vector<16xf32>,
        %swap3A_205 = arith.index_cast %scan3A_178 : i32 to index
        %swap3A_206 = arith.constant 16 : index
        %swap3A_207 = tpu.vector_load %arg8[%swap3A_205, %swap3A_206] {strides = array<i32>} : memref<16x128xf32, #tpu.memory_space<vmem>>, vector<16xf32>,
        tpu.vector_store %arg8[%swap3A_205, %swap3A_206], %gather3A_204 {strides = array<i32>} : memref<16x128xf32, #tpu.memory_space<vmem>>, vector<16xf32>,
        %mul3A_208 = arith.constant 128 : i32
        %mul3A_209 = arith.muli %scan3A_178, %mul3A_208 : i32
        %add3A_210 = arith.constant 32 : i32
        %add3A_211 = arith.addi %mul3A_209, %add3A_210 : i32
        %get3A_212 = arith.index_cast %add3A_211 : i32 to index
        %get3A_213 = tpu.vector_load %arg7[%get3A_212] {strides = array<i32>} : memref<2048xi32, #tpu.memory_space<vmem>>, vector<16xi32>,
        %max3A_214 = arith.constant 0 : i32
        %max3A_215 = vector.broadcast %max3A_214 : i32 to vector<16xi32>
        %max3A_216 = arith.maxsi %get3A_213, %max3A_215 : vector<16xi32>
        %min3A_217 = arith.constant 99999 : i32
        %min3A_218 = vector.broadcast %min3A_217 : i32 to vector<16xi32>
        %min3A_219 = arith.minsi %max3A_216, %min3A_218 : vector<16xi32>
        %gather3A_220 = tpu.vector_load_idx %arg6[%min3A_219] : memref<100000xf32, #tpu.memory_space<vmem>>[vector<16xi32>], vector<16xf32>,
        %swap3A_221 = arith.index_cast %scan3A_178 : i32 to index
        %swap3A_222 = arith.constant 32 : index
        %swap3A_223 = tpu.vector_load %arg8[%swap3A_221, %swap3A_222] {strides = array<i32>} : memref<16x128xf32, #tpu.memory_space<vmem>>, vector<16xf32>,
        tpu.vector_store %arg8[%swap3A_221, %swap3A_222], %gather3A_220 {strides = array<i32>} : memref<16x128xf32, #tpu.memory_space<vmem>>, vector<16xf32>,
        %mul3A_224 = arith.constant 128 : i32
        %mul3A_225 = arith.muli %scan3A_178, %mul3A_224 : i32
        %add3A_226 = arith.constant 48 : i32
        %add3A_227 = arith.addi %mul3A_225, %add3A_226 : i32
        %get3A_228 = arith.index_cast %add3A_227 : i32 to index
        %get3A_229 = tpu.vector_load %arg7[%get3A_228] {strides = array<i32>} : memref<2048xi32, #tpu.memory_space<vmem>>, vector<16xi32>,
        %max3A_230 = arith.constant 0 : i32
        %max3A_231 = vector.broadcast %max3A_230 : i32 to vector<16xi32>
        %max3A_232 = arith.maxsi %get3A_229, %max3A_231 : vector<16xi32>
        %min3A_233 = arith.constant 99999 : i32
        %min3A_234 = vector.broadcast %min3A_233 : i32 to vector<16xi32>
        %min3A_235 = arith.minsi %max3A_232, %min3A_234 : vector<16xi32>
        %gather3A_236 = tpu.vector_load_idx %arg6[%min3A_235] : memref<100000xf32, #tpu.memory_space<vmem>>[vector<16xi32>], vector<16xf32>,
        %swap3A_237 = arith.index_cast %scan3A_178 : i32 to index
        %swap3A_238 = arith.constant 48 : index
        %swap3A_239 = tpu.vector_load %arg8[%swap3A_237, %swap3A_238] {strides = array<i32>} : memref<16x128xf32, #tpu.memory_space<vmem>>, vector<16xf32>,
        tpu.vector_store %arg8[%swap3A_237, %swap3A_238], %gather3A_236 {strides = array<i32>} : memref<16x128xf32, #tpu.memory_space<vmem>>, vector<16xf32>,
        %mul3A_240 = arith.constant 128 : i32
        %mul3A_241 = arith.muli %scan3A_178, %mul3A_240 : i32
        %add3A_242 = arith.constant 64 : i32
        %add3A_243 = arith.addi %mul3A_241, %add3A_242 : i32
        %get3A_244 = arith.index_cast %add3A_243 : i32 to index
        %get3A_245 = tpu.vector_load %arg7[%get3A_244] {strides = array<i32>} : memref<2048xi32, #tpu.memory_space<vmem>>, vector<16xi32>,
        %max3A_246 = arith.constant 0 : i32
        %max3A_247 = vector.broadcast %max3A_246 : i32 to vector<16xi32>
        %max3A_248 = arith.maxsi %get3A_245, %max3A_247 : vector<16xi32>
        %min3A_249 = arith.constant 99999 : i32
        %min3A_250 = vector.broadcast %min3A_249 : i32 to vector<16xi32>
        %min3A_251 = arith.minsi %max3A_248, %min3A_250 : vector<16xi32>
        %gather3A_252 = tpu.vector_load_idx %arg6[%min3A_251] : memref<100000xf32, #tpu.memory_space<vmem>>[vector<16xi32>], vector<16xf32>,
        %swap3A_253 = arith.index_cast %scan3A_178 : i32 to index
        %swap3A_254 = arith.constant 64 : index
        %swap3A_255 = tpu.vector_load %arg8[%swap3A_253, %swap3A_254] {strides = array<i32>} : memref<16x128xf32, #tpu.memory_space<vmem>>, vector<16xf32>,
        tpu.vector_store %arg8[%swap3A_253, %swap3A_254], %gather3A_252 {strides = array<i32>} : memref<16x128xf32, #tpu.memory_space<vmem>>, vector<16xf32>,
        %mul3A_256 = arith.constant 128 : i32
        %mul3A_257 = arith.muli %scan3A_178, %mul3A_256 : i32
        %add3A_258 = arith.constant 80 : i32
        %add3A_259 = arith.addi %mul3A_257, %add3A_258 : i32
        %get3A_260 = arith.index_cast %add3A_259 : i32 to index
        %get3A_261 = tpu.vector_load %arg7[%get3A_260] {strides = array<i32>} : memref<2048xi32, #tpu.memory_space<vmem>>, vector<16xi32>,
        %max3A_262 = arith.constant 0 : i32
        %max3A_263 = vector.broadcast %max3A_262 : i32 to vector<16xi32>
        %max3A_264 = arith.maxsi %get3A_261, %max3A_263 : vector<16xi32>
        %min3A_265 = arith.constant 99999 : i32
        %min3A_266 = vector.broadcast %min3A_265 : i32 to vector<16xi32>
        %min3A_267 = arith.minsi %max3A_264, %min3A_266 : vector<16xi32>
        %gather3A_268 = tpu.vector_load_idx %arg6[%min3A_267] : memref<100000xf32, #tpu.memory_space<vmem>>[vector<16xi32>], vector<16xf32>,
        %swap3A_269 = arith.index_cast %scan3A_178 : i32 to index
        %swap3A_270 = arith.constant 80 : index
        %swap3A_271 = tpu.vector_load %arg8[%swap3A_269, %swap3A_270] {strides = array<i32>} : memref<16x128xf32, #tpu.memory_space<vmem>>, vector<16xf32>,
        tpu.vector_store %arg8[%swap3A_269, %swap3A_270], %gather3A_268 {strides = array<i32>} : memref<16x128xf32, #tpu.memory_space<vmem>>, vector<16xf32>,
        %mul3A_272 = arith.constant 128 : i32
        %mul3A_273 = arith.muli %scan3A_178, %mul3A_272 : i32
        %add3A_274 = arith.constant 96 : i32
        %add3A_275 = arith.addi %mul3A_273, %add3A_274 : i32
        %get3A_276 = arith.index_cast %add3A_275 : i32 to index
        %get3A_277 = tpu.vector_load %arg7[%get3A_276] {strides = array<i32>} : memref<2048xi32, #tpu.memory_space<vmem>>, vector<16xi32>,
        %max3A_278 = arith.constant 0 : i32
        %max3A_279 = vector.broadcast %max3A_278 : i32 to vector<16xi32>
        %max3A_280 = arith.maxsi %get3A_277, %max3A_279 : vector<16xi32>
        %min3A_281 = arith.constant 99999 : i32
        %min3A_282 = vector.broadcast %min3A_281 : i32 to vector<16xi32>
        %min3A_283 = arith.minsi %max3A_280, %min3A_282 : vector<16xi32>
        %gather3A_284 = tpu.vector_load_idx %arg6[%min3A_283] : memref<100000xf32, #tpu.memory_space<vmem>>[vector<16xi32>], vector<16xf32>,
        %swap3A_285 = arith.index_cast %scan3A_178 : i32 to index
        %swap3A_286 = arith.constant 96 : index
        %swap3A_287 = tpu.vector_load %arg8[%swap3A_285, %swap3A_286] {strides = array<i32>} : memref<16x128xf32, #tpu.memory_space<vmem>>, vector<16xf32>,
        tpu.vector_store %arg8[%swap3A_285, %swap3A_286], %gather3A_284 {strides = array<i32>} : memref<16x128xf32, #tpu.memory_space<vmem>>, vector<16xf32>,
        %mul3A_288 = arith.constant 128 : i32
        %mul3A_289 = arith.muli %scan3A_178, %mul3A_288 : i32
        %add3A_290 = arith.constant 112 : i32
        %add3A_291 = arith.addi %mul3A_289, %add3A_290 : i32
        %get3A_292 = arith.index_cast %add3A_291 : i32 to index
        %get3A_293 = tpu.vector_load %arg7[%get3A_292] {strides = array<i32>} : memref<2048xi32, #tpu.memory_space<vmem>>, vector<16xi32>,
        %max3A_294 = arith.constant 0 : i32
        %max3A_295 = vector.broadcast %max3A_294 : i32 to vector<16xi32>
        %max3A_296 = arith.maxsi %get3A_293, %max3A_295 : vector<16xi32>
        %min3A_297 = arith.constant 99999 : i32
        %min3A_298 = vector.broadcast %min3A_297 : i32 to vector<16xi32>
        %min3A_299 = arith.minsi %max3A_296, %min3A_298 : vector<16xi32>
        %gather3A_300 = tpu.vector_load_idx %arg6[%min3A_299] : memref<100000xf32, #tpu.memory_space<vmem>>[vector<16xi32>], vector<16xf32>,
        %swap3A_301 = arith.index_cast %scan3A_178 : i32 to index
        %swap3A_302 = arith.constant 112 : index
        %swap3A_303 = tpu.vector_load %arg8[%swap3A_301, %swap3A_302] {strides = array<i32>} : memref<16x128xf32, #tpu.memory_space<vmem>>, vector<16xf32>,
        tpu.vector_store %arg8[%swap3A_301, %swap3A_302], %gather3A_300 {strides = array<i32>} : memref<16x128xf32, #tpu.memory_space<vmem>>, vector<16xf32>,
        %scan3A_304 = arith.constant 0 : i32
        scf.yield %scan3A_304 : i32
      }
      %scan3A_160 = arith.constant 16 : i32
      %run_scoped3A_161 = arith.constant 2 : i32
      "tpu.region"() ({
        %run_scoped3A_178 = tpu.sem_alloc : memref<!tpu.dma_semaphore, #tpu.memory_space<semaphore_mem>>
        %dma_start3A_179 = arith.constant 0 : i32
        %dma_start3A_180 = tpu.memref_slice %arg9[%run_scoped3A_161, %dma_start3A_179] : memref<4x16xi32, #tpu.memory_space<vmem>> -> memref<1x16xi32, #tpu.memory_space<vmem>>
        %dma_start3A_181 = tpu.memref_squeeze %dma_start3A_180 : memref<1x16xi32, #tpu.memory_space<vmem>> -> memref<16xi32, #tpu.memory_space<vmem>>
        %dma_start3A_182 = arith.constant 0 : i32
        %dma_start3A_183 = arith.constant 0 : i32
        %dma_start3A_184 = tpu.memref_slice %arg10[%dma_start3A_182, %dma_start3A_183] : memref<64x128xf32, #tpu.memory_space<vmem_shared>> -> memref<64x128xf32, #tpu.memory_space<vmem_shared>>
        tpu.enqueue_indirect_dma source(%arg8 : memref<16x128xf32, #tpu.memory_space<vmem>>) target(%dma_start3A_184 : memref<64x128xf32, #tpu.memory_space<vmem_shared>>) offsets(%dma_start3A_181 : memref<16xi32, #tpu.memory_space<vmem>>) semaphore(%run_scoped3A_178 : memref<!tpu.dma_semaphore, #tpu.memory_space<semaphore_mem>>) {add = true}
        %dma_wait3A_185 = arith.constant 0 : i32
        %dma_wait3A_186 = tpu.memref_slice %arg9[%run_scoped3A_161, %dma_wait3A_185] : memref<4x16xi32, #tpu.memory_space<vmem>> -> memref<1x16xi32, #tpu.memory_space<vmem>>
        %dma_wait3A_187 = tpu.memref_squeeze %dma_wait3A_186 : memref<1x16xi32, #tpu.memory_space<vmem>> -> memref<16xi32, #tpu.memory_space<vmem>>
        %dma_wait3A_188 = arith.constant 0 : i32
        %dma_wait3A_189 = arith.constant 0 : i32
        %dma_wait3A_190 = tpu.memref_slice %arg10[%dma_wait3A_188, %dma_wait3A_189] : memref<64x128xf32, #tpu.memory_space<vmem_shared>> -> memref<64x128xf32, #tpu.memory_space<vmem_shared>>
        tpu.wait_indirect_dma semaphore(%run_scoped3A_178 : memref<!tpu.dma_semaphore, #tpu.memory_space<semaphore_mem>>) src(%arg8 : memref<16x128xf32, #tpu.memory_space<vmem>>) dst(%dma_wait3A_190 : memref<64x128xf32, #tpu.memory_space<vmem_shared>>)
        tpu.yield
      }) : () -> ()
      %mul3A_162 = arith.constant 16384 : i32
      %mul3A_163 = arith.muli %add3A_110, %mul3A_162 : i32
      %mul3A_164 = arith.constant 8192 : i32
      %mul3A_165 = arith.muli %arg0, %mul3A_164 : i32
      %add3A_166 = arith.addi %mul3A_163, %mul3A_165 : i32
      %add3A_167 = arith.constant 6144 : i32
      %add3A_168 = arith.addi %add3A_166, %add3A_167 : i32
      %multiple_of3A_169 = tpu.assume_multiple %add3A_168, 8 : i32
      "tpu.region"() ({
        %run_scoped3A_178 = tpu.sem_alloc : memref<!tpu.dma_semaphore, #tpu.memory_space<semaphore_mem>>
        %dma_start3A_179 = tpu.memref_slice %arg2[%multiple_of3A_169] : memref<425984xi32, #tpu.memory_space<hbm>> -> memref<2048xi32, #tpu.memory_space<hbm>>
        %dma_start3A_180 = tpu.memref_slice %arg2[%multiple_of3A_169] : memref<425984xi32, #tpu.memory_space<hbm>> -> memref<2048xi32, #tpu.memory_space<hbm>>
        tpu.enqueue_dma source(%dma_start3A_180 : memref<2048xi32, #tpu.memory_space<hbm>>) target(%arg7 : memref<2048xi32, #tpu.memory_space<vmem>>) target_semaphore(%run_scoped3A_178 : memref<!tpu.dma_semaphore, #tpu.memory_space<semaphore_mem>>)
        %dma_wait3A_181 = tpu.memref_slice %arg2[%multiple_of3A_169] : memref<425984xi32, #tpu.memory_space<hbm>> -> memref<2048xi32, #tpu.memory_space<hbm>>
        %dma_wait3A_182 = tpu.memref_slice %arg2[%multiple_of3A_169] : memref<425984xi32, #tpu.memory_space<hbm>> -> memref<2048xi32, #tpu.memory_space<hbm>>
        tpu.wait_dma2 semaphore(%run_scoped3A_178 : memref<!tpu.dma_semaphore, #tpu.memory_space<semaphore_mem>>) src(%dma_wait3A_182 : memref<2048xi32, #tpu.memory_space<hbm>>) dst(%arg7 : memref<2048xi32, #tpu.memory_space<vmem>>)
        tpu.yield
      }) : () -> ()
      %scan3A_170 = arith.constant 0 : i32
      %scan3A_171 = arith.constant 0 : i32
      %scan3A_172 = arith.constant 16 : i32
      %scan3A_173 = arith.addi %scan3A_171, %scan3A_172 : i32
      %scan3A_174 = arith.constant 1 : i32
      %scan3A_175 = scf.for %scan3A_178 = %scan3A_171 to %scan3A_173 step %scan3A_174 iter_args(%scan3A_179 = %scan3A_170) -> (i32)  : i32 {
        %mul3A_180 = arith.constant 128 : i32
        %mul3A_181 = arith.muli %scan3A_178, %mul3A_180 : i32
        %add3A_182 = arith.constant 0 : i32
        %add3A_183 = arith.addi %mul3A_181, %add3A_182 : i32
        %get3A = arith.index_cast %add3A_183 : i32 to index
        %get3A_184 = tpu.vector_load %arg7[%get3A] {strides = array<i32>} : memref<2048xi32, #tpu.memory_space<vmem>>, vector<16xi32>,
        %max3A = arith.constant 0 : i32
        %max3A_185 = vector.broadcast %max3A : i32 to vector<16xi32>
        %max3A_186 = arith.maxsi %get3A_184, %max3A_185 : vector<16xi32>
        %min3A = arith.constant 99999 : i32
        %min3A_187 = vector.broadcast %min3A : i32 to vector<16xi32>
        %min3A_188 = arith.minsi %max3A_186, %min3A_187 : vector<16xi32>
        %gather3A = tpu.vector_load_idx %arg6[%min3A_188] : memref<100000xf32, #tpu.memory_space<vmem>>[vector<16xi32>], vector<16xf32>,
        %swap3A_189 = arith.index_cast %scan3A_178 : i32 to index
        %swap3A_190 = arith.constant 0 : index
        %swap3A_191 = tpu.vector_load %arg8[%swap3A_189, %swap3A_190] {strides = array<i32>} : memref<16x128xf32, #tpu.memory_space<vmem>>, vector<16xf32>,
        tpu.vector_store %arg8[%swap3A_189, %swap3A_190], %gather3A {strides = array<i32>} : memref<16x128xf32, #tpu.memory_space<vmem>>, vector<16xf32>,
        %mul3A_192 = arith.constant 128 : i32
        %mul3A_193 = arith.muli %scan3A_178, %mul3A_192 : i32
        %add3A_194 = arith.constant 16 : i32
        %add3A_195 = arith.addi %mul3A_193, %add3A_194 : i32
        %get3A_196 = arith.index_cast %add3A_195 : i32 to index
        %get3A_197 = tpu.vector_load %arg7[%get3A_196] {strides = array<i32>} : memref<2048xi32, #tpu.memory_space<vmem>>, vector<16xi32>,
        %max3A_198 = arith.constant 0 : i32
        %max3A_199 = vector.broadcast %max3A_198 : i32 to vector<16xi32>
        %max3A_200 = arith.maxsi %get3A_197, %max3A_199 : vector<16xi32>
        %min3A_201 = arith.constant 99999 : i32
        %min3A_202 = vector.broadcast %min3A_201 : i32 to vector<16xi32>
        %min3A_203 = arith.minsi %max3A_200, %min3A_202 : vector<16xi32>
        %gather3A_204 = tpu.vector_load_idx %arg6[%min3A_203] : memref<100000xf32, #tpu.memory_space<vmem>>[vector<16xi32>], vector<16xf32>,
        %swap3A_205 = arith.index_cast %scan3A_178 : i32 to index
        %swap3A_206 = arith.constant 16 : index
        %swap3A_207 = tpu.vector_load %arg8[%swap3A_205, %swap3A_206] {strides = array<i32>} : memref<16x128xf32, #tpu.memory_space<vmem>>, vector<16xf32>,
        tpu.vector_store %arg8[%swap3A_205, %swap3A_206], %gather3A_204 {strides = array<i32>} : memref<16x128xf32, #tpu.memory_space<vmem>>, vector<16xf32>,
        %mul3A_208 = arith.constant 128 : i32
        %mul3A_209 = arith.muli %scan3A_178, %mul3A_208 : i32
        %add3A_210 = arith.constant 32 : i32
        %add3A_211 = arith.addi %mul3A_209, %add3A_210 : i32
        %get3A_212 = arith.index_cast %add3A_211 : i32 to index
        %get3A_213 = tpu.vector_load %arg7[%get3A_212] {strides = array<i32>} : memref<2048xi32, #tpu.memory_space<vmem>>, vector<16xi32>,
        %max3A_214 = arith.constant 0 : i32
        %max3A_215 = vector.broadcast %max3A_214 : i32 to vector<16xi32>
        %max3A_216 = arith.maxsi %get3A_213, %max3A_215 : vector<16xi32>
        %min3A_217 = arith.constant 99999 : i32
        %min3A_218 = vector.broadcast %min3A_217 : i32 to vector<16xi32>
        %min3A_219 = arith.minsi %max3A_216, %min3A_218 : vector<16xi32>
        %gather3A_220 = tpu.vector_load_idx %arg6[%min3A_219] : memref<100000xf32, #tpu.memory_space<vmem>>[vector<16xi32>], vector<16xf32>,
        %swap3A_221 = arith.index_cast %scan3A_178 : i32 to index
        %swap3A_222 = arith.constant 32 : index
        %swap3A_223 = tpu.vector_load %arg8[%swap3A_221, %swap3A_222] {strides = array<i32>} : memref<16x128xf32, #tpu.memory_space<vmem>>, vector<16xf32>,
        tpu.vector_store %arg8[%swap3A_221, %swap3A_222], %gather3A_220 {strides = array<i32>} : memref<16x128xf32, #tpu.memory_space<vmem>>, vector<16xf32>,
        %mul3A_224 = arith.constant 128 : i32
        %mul3A_225 = arith.muli %scan3A_178, %mul3A_224 : i32
        %add3A_226 = arith.constant 48 : i32
        %add3A_227 = arith.addi %mul3A_225, %add3A_226 : i32
        %get3A_228 = arith.index_cast %add3A_227 : i32 to index
        %get3A_229 = tpu.vector_load %arg7[%get3A_228] {strides = array<i32>} : memref<2048xi32, #tpu.memory_space<vmem>>, vector<16xi32>,
        %max3A_230 = arith.constant 0 : i32
        %max3A_231 = vector.broadcast %max3A_230 : i32 to vector<16xi32>
        %max3A_232 = arith.maxsi %get3A_229, %max3A_231 : vector<16xi32>
        %min3A_233 = arith.constant 99999 : i32
        %min3A_234 = vector.broadcast %min3A_233 : i32 to vector<16xi32>
        %min3A_235 = arith.minsi %max3A_232, %min3A_234 : vector<16xi32>
        %gather3A_236 = tpu.vector_load_idx %arg6[%min3A_235] : memref<100000xf32, #tpu.memory_space<vmem>>[vector<16xi32>], vector<16xf32>,
        %swap3A_237 = arith.index_cast %scan3A_178 : i32 to index
        %swap3A_238 = arith.constant 48 : index
        %swap3A_239 = tpu.vector_load %arg8[%swap3A_237, %swap3A_238] {strides = array<i32>} : memref<16x128xf32, #tpu.memory_space<vmem>>, vector<16xf32>,
        tpu.vector_store %arg8[%swap3A_237, %swap3A_238], %gather3A_236 {strides = array<i32>} : memref<16x128xf32, #tpu.memory_space<vmem>>, vector<16xf32>,
        %mul3A_240 = arith.constant 128 : i32
        %mul3A_241 = arith.muli %scan3A_178, %mul3A_240 : i32
        %add3A_242 = arith.constant 64 : i32
        %add3A_243 = arith.addi %mul3A_241, %add3A_242 : i32
        %get3A_244 = arith.index_cast %add3A_243 : i32 to index
        %get3A_245 = tpu.vector_load %arg7[%get3A_244] {strides = array<i32>} : memref<2048xi32, #tpu.memory_space<vmem>>, vector<16xi32>,
        %max3A_246 = arith.constant 0 : i32
        %max3A_247 = vector.broadcast %max3A_246 : i32 to vector<16xi32>
        %max3A_248 = arith.maxsi %get3A_245, %max3A_247 : vector<16xi32>
        %min3A_249 = arith.constant 99999 : i32
        %min3A_250 = vector.broadcast %min3A_249 : i32 to vector<16xi32>
        %min3A_251 = arith.minsi %max3A_248, %min3A_250 : vector<16xi32>
        %gather3A_252 = tpu.vector_load_idx %arg6[%min3A_251] : memref<100000xf32, #tpu.memory_space<vmem>>[vector<16xi32>], vector<16xf32>,
        %swap3A_253 = arith.index_cast %scan3A_178 : i32 to index
        %swap3A_254 = arith.constant 64 : index
        %swap3A_255 = tpu.vector_load %arg8[%swap3A_253, %swap3A_254] {strides = array<i32>} : memref<16x128xf32, #tpu.memory_space<vmem>>, vector<16xf32>,
        tpu.vector_store %arg8[%swap3A_253, %swap3A_254], %gather3A_252 {strides = array<i32>} : memref<16x128xf32, #tpu.memory_space<vmem>>, vector<16xf32>,
        %mul3A_256 = arith.constant 128 : i32
        %mul3A_257 = arith.muli %scan3A_178, %mul3A_256 : i32
        %add3A_258 = arith.constant 80 : i32
        %add3A_259 = arith.addi %mul3A_257, %add3A_258 : i32
        %get3A_260 = arith.index_cast %add3A_259 : i32 to index
        %get3A_261 = tpu.vector_load %arg7[%get3A_260] {strides = array<i32>} : memref<2048xi32, #tpu.memory_space<vmem>>, vector<16xi32>,
        %max3A_262 = arith.constant 0 : i32
        %max3A_263 = vector.broadcast %max3A_262 : i32 to vector<16xi32>
        %max3A_264 = arith.maxsi %get3A_261, %max3A_263 : vector<16xi32>
        %min3A_265 = arith.constant 99999 : i32
        %min3A_266 = vector.broadcast %min3A_265 : i32 to vector<16xi32>
        %min3A_267 = arith.minsi %max3A_264, %min3A_266 : vector<16xi32>
        %gather3A_268 = tpu.vector_load_idx %arg6[%min3A_267] : memref<100000xf32, #tpu.memory_space<vmem>>[vector<16xi32>], vector<16xf32>,
        %swap3A_269 = arith.index_cast %scan3A_178 : i32 to index
        %swap3A_270 = arith.constant 80 : index
        %swap3A_271 = tpu.vector_load %arg8[%swap3A_269, %swap3A_270] {strides = array<i32>} : memref<16x128xf32, #tpu.memory_space<vmem>>, vector<16xf32>,
        tpu.vector_store %arg8[%swap3A_269, %swap3A_270], %gather3A_268 {strides = array<i32>} : memref<16x128xf32, #tpu.memory_space<vmem>>, vector<16xf32>,
        %mul3A_272 = arith.constant 128 : i32
        %mul3A_273 = arith.muli %scan3A_178, %mul3A_272 : i32
        %add3A_274 = arith.constant 96 : i32
        %add3A_275 = arith.addi %mul3A_273, %add3A_274 : i32
        %get3A_276 = arith.index_cast %add3A_275 : i32 to index
        %get3A_277 = tpu.vector_load %arg7[%get3A_276] {strides = array<i32>} : memref<2048xi32, #tpu.memory_space<vmem>>, vector<16xi32>,
        %max3A_278 = arith.constant 0 : i32
        %max3A_279 = vector.broadcast %max3A_278 : i32 to vector<16xi32>
        %max3A_280 = arith.maxsi %get3A_277, %max3A_279 : vector<16xi32>
        %min3A_281 = arith.constant 99999 : i32
        %min3A_282 = vector.broadcast %min3A_281 : i32 to vector<16xi32>
        %min3A_283 = arith.minsi %max3A_280, %min3A_282 : vector<16xi32>
        %gather3A_284 = tpu.vector_load_idx %arg6[%min3A_283] : memref<100000xf32, #tpu.memory_space<vmem>>[vector<16xi32>], vector<16xf32>,
        %swap3A_285 = arith.index_cast %scan3A_178 : i32 to index
        %swap3A_286 = arith.constant 96 : index
        %swap3A_287 = tpu.vector_load %arg8[%swap3A_285, %swap3A_286] {strides = array<i32>} : memref<16x128xf32, #tpu.memory_space<vmem>>, vector<16xf32>,
        tpu.vector_store %arg8[%swap3A_285, %swap3A_286], %gather3A_284 {strides = array<i32>} : memref<16x128xf32, #tpu.memory_space<vmem>>, vector<16xf32>,
        %mul3A_288 = arith.constant 128 : i32
        %mul3A_289 = arith.muli %scan3A_178, %mul3A_288 : i32
        %add3A_290 = arith.constant 112 : i32
        %add3A_291 = arith.addi %mul3A_289, %add3A_290 : i32
        %get3A_292 = arith.index_cast %add3A_291 : i32 to index
        %get3A_293 = tpu.vector_load %arg7[%get3A_292] {strides = array<i32>} : memref<2048xi32, #tpu.memory_space<vmem>>, vector<16xi32>,
        %max3A_294 = arith.constant 0 : i32
        %max3A_295 = vector.broadcast %max3A_294 : i32 to vector<16xi32>
        %max3A_296 = arith.maxsi %get3A_293, %max3A_295 : vector<16xi32>
        %min3A_297 = arith.constant 99999 : i32
        %min3A_298 = vector.broadcast %min3A_297 : i32 to vector<16xi32>
        %min3A_299 = arith.minsi %max3A_296, %min3A_298 : vector<16xi32>
        %gather3A_300 = tpu.vector_load_idx %arg6[%min3A_299] : memref<100000xf32, #tpu.memory_space<vmem>>[vector<16xi32>], vector<16xf32>,
        %swap3A_301 = arith.index_cast %scan3A_178 : i32 to index
        %swap3A_302 = arith.constant 112 : index
        %swap3A_303 = tpu.vector_load %arg8[%swap3A_301, %swap3A_302] {strides = array<i32>} : memref<16x128xf32, #tpu.memory_space<vmem>>, vector<16xf32>,
        tpu.vector_store %arg8[%swap3A_301, %swap3A_302], %gather3A_300 {strides = array<i32>} : memref<16x128xf32, #tpu.memory_space<vmem>>, vector<16xf32>,
        %scan3A_304 = arith.constant 0 : i32
        scf.yield %scan3A_304 : i32
      }
      %scan3A_176 = arith.constant 16 : i32
      %run_scoped3A_177 = arith.constant 3 : i32
      "tpu.region"() ({
        %run_scoped3A_178 = tpu.sem_alloc : memref<!tpu.dma_semaphore, #tpu.memory_space<semaphore_mem>>
        %dma_start3A_179 = arith.constant 0 : i32
        %dma_start3A_180 = tpu.memref_slice %arg9[%run_scoped3A_177, %dma_start3A_179] : memref<4x16xi32, #tpu.memory_space<vmem>> -> memref<1x16xi32, #tpu.memory_space<vmem>>
        %dma_start3A_181 = tpu.memref_squeeze %dma_start3A_180 : memref<1x16xi32, #tpu.memory_space<vmem>> -> memref<16xi32, #tpu.memory_space<vmem>>
        %dma_start3A_182 = arith.constant 0 : i32
        %dma_start3A_183 = arith.constant 0 : i32
        %dma_start3A_184 = tpu.memref_slice %arg10[%dma_start3A_182, %dma_start3A_183] : memref<64x128xf32, #tpu.memory_space<vmem_shared>> -> memref<64x128xf32, #tpu.memory_space<vmem_shared>>
        tpu.enqueue_indirect_dma source(%arg8 : memref<16x128xf32, #tpu.memory_space<vmem>>) target(%dma_start3A_184 : memref<64x128xf32, #tpu.memory_space<vmem_shared>>) offsets(%dma_start3A_181 : memref<16xi32, #tpu.memory_space<vmem>>) semaphore(%run_scoped3A_178 : memref<!tpu.dma_semaphore, #tpu.memory_space<semaphore_mem>>) {add = true}
        %dma_wait3A_185 = arith.constant 0 : i32
        %dma_wait3A_186 = tpu.memref_slice %arg9[%run_scoped3A_177, %dma_wait3A_185] : memref<4x16xi32, #tpu.memory_space<vmem>> -> memref<1x16xi32, #tpu.memory_space<vmem>>
        %dma_wait3A_187 = tpu.memref_squeeze %dma_wait3A_186 : memref<1x16xi32, #tpu.memory_space<vmem>> -> memref<16xi32, #tpu.memory_space<vmem>>
        %dma_wait3A_188 = arith.constant 0 : i32
        %dma_wait3A_189 = arith.constant 0 : i32
        %dma_wait3A_190 = tpu.memref_slice %arg10[%dma_wait3A_188, %dma_wait3A_189] : memref<64x128xf32, #tpu.memory_space<vmem_shared>> -> memref<64x128xf32, #tpu.memory_space<vmem_shared>>
        tpu.wait_indirect_dma semaphore(%run_scoped3A_178 : memref<!tpu.dma_semaphore, #tpu.memory_space<semaphore_mem>>) src(%arg8 : memref<16x128xf32, #tpu.memory_space<vmem>>) dst(%dma_wait3A_190 : memref<64x128xf32, #tpu.memory_space<vmem_shared>>)
        tpu.yield
      }) : () -> ()
    } else {
    }
    %barrier3A_103 = arith.constant 0 : index
    tpu.barrier barrier_id(%barrier3A_103)
    %lt3A_104 = arith.constant 8 : i32
    %lt3A_105 = arith.cmpi slt, %arg1, %lt3A_104 : i32
    %convert_element_type3A_106 = arith.extui %lt3A_105 : i1 to i32
    %cond3A_107 = arith.constant 0 : i32
    %cond3A_108 = arith.cmpi ne, %convert_element_type3A_106, %cond3A_107 : i32
    scf.if %cond3A_108 {
      %mul3A_109 = arith.constant 64 : i32
      %mul3A_110 = arith.muli %arg0, %mul3A_109 : i32
      %mul3A_111 = arith.constant 8 : i32
      %mul3A_112 = arith.muli %arg1, %mul3A_111 : i32
      %add3A_113 = arith.addi %mul3A_110, %mul3A_112 : i32
      %multiple_of3A_114 = tpu.assume_multiple %add3A_113, 8 : i32
      %mul3A_115 = arith.constant 8 : i32
      %mul3A_116 = arith.muli %arg1, %mul3A_115 : i32
      %multiple_of3A_117 = tpu.assume_multiple %mul3A_116, 8 : i32
      "tpu.region"() ({
        %run_scoped3A_118 = tpu.sem_alloc : memref<!tpu.dma_semaphore, #tpu.memory_space<semaphore_mem>>
        %dma_start3A_119 = arith.constant 0 : i32
        %dma_start3A_120 = tpu.memref_slice %arg5[%multiple_of3A_114, %dma_start3A_119] : memref<128x128xf32, #tpu.memory_space<hbm>> -> memref<8x128xf32, #tpu.memory_space<hbm>>
        %dma_start3A_121 = arith.constant 0 : i32
        %dma_start3A_122 = tpu.memref_slice %arg10[%multiple_of3A_117, %dma_start3A_121] : memref<64x128xf32, #tpu.memory_space<vmem_shared>> -> memref<8x128xf32, #tpu.memory_space<vmem_shared>>
        tpu.enqueue_dma source(%dma_start3A_122 : memref<8x128xf32, #tpu.memory_space<vmem_shared>>) target(%dma_start3A_120 : memref<8x128xf32, #tpu.memory_space<hbm>>) target_semaphore(%run_scoped3A_118 : memref<!tpu.dma_semaphore, #tpu.memory_space<semaphore_mem>>)
        %dma_wait3A_123 = arith.constant 0 : i32
        %dma_wait3A_124 = tpu.memref_slice %arg5[%multiple_of3A_114, %dma_wait3A_123] : memref<128x128xf32, #tpu.memory_space<hbm>> -> memref<8x128xf32, #tpu.memory_space<hbm>>
        %dma_wait3A_125 = arith.constant 0 : i32
        %dma_wait3A_126 = tpu.memref_slice %arg10[%multiple_of3A_117, %dma_wait3A_125] : memref<64x128xf32, #tpu.memory_space<vmem_shared>> -> memref<8x128xf32, #tpu.memory_space<vmem_shared>>
        tpu.wait_dma2 semaphore(%run_scoped3A_118 : memref<!tpu.dma_semaphore, #tpu.memory_space<semaphore_mem>>) src(%dma_wait3A_126 : memref<8x128xf32, #tpu.memory_space<vmem_shared>>) dst(%dma_wait3A_124 : memref<8x128xf32, #tpu.memory_space<hbm>>)
        tpu.yield
      }) : () -> ()
    } else {
    }
    return
  }
}

</mosaic_0001>

<sc_bundles>
// kernel: _run.3.cloned.1.call-start
scs
__scs_entry_jumppad:
0x0: {  	(pc) =	sbr.rel $0x88, $3  }
0x1: {  	(tag) =	ssettag $0x0;
	lr =	simm.s32 $0x1  }
0x2: {  	[smem:$0x3F9E] =	sst lr;
	_ =	strace $0xD0000000  }
0x3: {  	_ = 	snop  }
0x4: {  	_ = 	snop  }
0x5: {  	_ = 	snop  }
0x6: {  	_ = 	snop  }
0x7: {  	_ = 	snop  }
__scs_overlays_trampoline_lowered:
0x8: {  	[smem:$0x3FAD] =	sst s0  }
0x9: {  	[smem:$0x3FAE] =	sst s1  }
0xa: {  	[smem:$0x3FAF] =	sst s2  }
0xb: {  	[smem:$0x3FB0] =	sst s3  }
0xc: {  	[smem:$0x3FB1] =	sst s4  }
0xd: {  	[smem:$0x3FB2] =	sst s5  }
0xe: {  	[smem:$0x3FB3] =	sst s6  }
0xf: {  	[smem:$0x3FB4] =	sst s7  }
0x10: {  	[smem:$0x3FB5] =	sst s8  }
0x11: {  	[smem:$0x3FB6] =	sst s9;
	s0 =	simm.s32 @!p0 $0x0  }
0x12: {  	s1 =	sld [smem:$0x3F9C];
	s0 =	simm.s32 @p0 $0x1  }
0x13: {  	[smem:$0x3FB7] =	sst s0;
	s0 =	simm.s32 @!p1 $0x0  }
0x14: {  	s2 =	sld [smem:$0x3F9B];
	s0 =	simm.s32 @p1 $0x1  }
0x15: {  	[smem:$0x3FB8] =	sst s0;
	s0 =	simm.s32 @!p2 $0x0  }
0x16: {  	s3 =	sld [smem:$0x3FDB];
	s0 =	simm.s32 @p2 $0x1  }
0x17: {  	s4 =	simm.s32 $0x1BF5;
	[smem:$0x3FBA] =	sst s0  }
0x18: {  	s0 =	sld [smem:$0x3F9D];
	_ =	swait.ge [sflag:s4], $0x0  }
0x19: {  	s7 =	sld [smem:$0x3F9E]  }
0x1a: {  	s8 =	sadd.s32 $0xFFFFE003, lr  }
0x1b: {  	s9 =	sadd.s32 $0xFFFFFEF7, lr;
	s5 =	simm.s32 $0xFFFFFFFF;
	p2 =	slt.u32 s8, $0xFFFFF086  }
0x1c: {  	p1 =	slt.u32 s9, $0xF7A;
	s5 =	simm.s32 @!p2 $0x0  }
0x1d: {  	s5 =	simm.s32 @p1 $0x1;
	p0 =	seq.s32 s7, s2  }
0x1e: {  	s7 =	smul.u32 @!p0 $0xF7A, s2;
	p2 =	seq.s32 @!p0 s5, $0x0  }
0x1f: {  	s9 =	smul.u32 $0xF7A, s1;
	s8 =	simm.s32 @!p0 $0x1BF5;
	p2 =	por !p2, p0  }
0x20: {  	[sflag:s8] =	ssyncset.s32 @!p0 $0xFFFFF086;
	s6 =	sadd.s32 @!p0 s3, s7;
	s7 =	simm.s32 @!p0 $0x108  }
0x21: {  	s3 =	sadd.s32 s3, s9;
	s6 =	sadd.s32 @!p0 $0x88, s6;
	s7 =	simm.s32 @p2 $0x1082  }
0x22: {  	[simem:s7], [sflag:s8] =	dma.local @!p0 [hbm:s6], $0xF7A  }
0x23: {  	s9 =	sor.u32 $0xD0000000, s2;
	s6 =	simm.s32 $0x108;
	_ =	swait.ge @!p0 [sflag:s8], $0x0  }
0x24: {  	s3 =	sadd.s32 $0x88, s3;
	s6 =	simm.s32 @!p1 $0x1082;
	[sflag:s4] =	ssyncset.s32 $0xFFFFF086  }
0x25: {  	[simem:s6], [sflag:s4] =	dma.local [hbm:s3], $0xF7A  }
0x26: {  	[smem:$0x3F9E] =	sst s1;
	(tag) =	ssettag s2;
	_ =	strace s9  }
0x27: {  	s1 =	sld [smem:$0x3FAE]  }
0x28: {  	s2 =	sld [smem:$0x3FAF]  }
0x29: {  	s4 =	sld [smem:$0x3FB1]  }
0x2a: {  	p0 =	seq.s32 s5, $0x0;
	s5 =	sld [smem:$0x3FB2]  }
0x2b: {  	s6 =	sld [smem:$0x3FB3]  }
0x2c: {  	s7 =	sld [smem:$0x3FB4]  }
0x2d: {  	s3 =	simm.s32 $0x108;
	s8 =	sld [smem:$0x3FB5]  }
0x2e: {  	s3 =	simm.s32 @!p0 $0x1082;
	s9 =	sld [smem:$0x3FB6]  }
0x2f: {  	lr =	sadd.s32 s0, s3;
	s0 =	sld [smem:$0x3FAD]  }
0x30: {  	s3 =	sld [smem:$0x3FB0]  }
0x31: {  	[smem:$0x3FB9] =	sst s10  }
0x32: {  	s10 =	sld [smem:$0x3FB7];
	_ =	sdelay $0x3  }
0x33: {  	p0 =	seq.s32 s10, $0x1;
	s10 =	sld [smem:$0x3FB9];
	_ =	sdelay $0x3  }
0x34: {  	[smem:$0x3FB9] =	sst s10  }
0x35: {  	s10 =	sld [smem:$0x3FB8];
	_ =	sdelay $0x3  }
0x36: {  	p1 =	seq.s32 s10, $0x1;
	s10 =	sld [smem:$0x3FB9];
	_ =	sdelay $0x3  }
0x37: {  	[smem:$0x3FB9] =	sst s10  }
0x38: {  	s10 =	sld [smem:$0x3FBA]  }
0x39: {  	_ = 	snop;
	(pc) =	sbr.ind lr, $3  }
0x3a: {  	_ = 	snop  }
0x3b: {  	_ = 	snop  }
0x3c: {  	p2 =	seq.s32 s10, $0x1;
	s10 =	sld [smem:$0x3FB9]  }
0x3d: {  	_ =	shalt  }
0x3e: {  	_ =	shalt  }
0x3f: {  	_ =	shalt  }
0x40: {  	_ =	shalt  }
0x41: {  	_ =	shalt  }
0x42: {  	_ =	shalt  }
0x43: {  	_ =	shalt  }
0x44: {  	_ =	shalt  }
0x45: {  	_ =	shalt  }
0x46: {  	_ =	shalt  }
0x47: {  	_ =	shalt  }
0x48: {  	_ =	shalt  }
0x49: {  	_ =	shalt  }
0x4a: {  	_ =	shalt  }
0x4b: {  	_ =	shalt  }
0x4c: {  	_ =	shalt  }
0x4d: {  	_ =	shalt  }
0x4e: {  	_ =	shalt  }
0x4f: {  	_ =	shalt  }
0x50: {  	_ =	shalt  }
0x51: {  	_ =	shalt  }
0x52: {  	_ =	shalt  }
0x53: {  	_ =	shalt  }
0x54: {  	_ =	shalt  }
0x55: {  	_ =	shalt  }
0x56: {  	_ =	shalt  }
0x57: {  	_ =	shalt  }
0x58: {  	_ =	shalt  }
0x59: {  	_ =	shalt  }
0x5a: {  	_ =	shalt  }
0x5b: {  	_ =	shalt  }
0x5c: {  	_ =	shalt  }
0x5d: {  	_ =	shalt  }
0x5e: {  	_ =	shalt  }
0x5f: {  	_ =	shalt  }
0x60: {  	_ =	shalt  }
0x61: {  	_ =	shalt  }
0x62: {  	_ =	shalt  }
0x63: {  	_ =	shalt  }
0x64: {  	_ =	shalt  }
0x65: {  	_ =	shalt  }
0x66: {  	_ =	shalt  }
0x67: {  	_ =	shalt  }
0x68: {  	_ =	shalt  }
0x69: {  	_ =	shalt  }
0x6a: {  	_ =	shalt  }
0x6b: {  	_ =	shalt  }
0x6c: {  	_ =	shalt  }
0x6d: {  	_ =	shalt  }
0x6e: {  	_ =	shalt  }
0x6f: {  	_ =	shalt  }
0x70: {  	_ =	shalt  }
0x71: {  	_ =	shalt  }
0x72: {  	_ =	shalt  }
0x73: {  	_ =	shalt  }
0x74: {  	_ =	shalt  }
0x75: {  	_ =	shalt  }
0x76: {  	_ =	shalt  }
0x77: {  	_ =	shalt  }
0x78: {  	_ =	shalt  }
0x79: {  	_ =	shalt  }
0x7a: {  	_ =	shalt  }
0x7b: {  	_ =	shalt  }
0x7c: {  	_ =	shalt  }
0x7d: {  	_ =	shalt  }
0x7e: {  	_ =	shalt  }
0x7f: {  	_ =	shalt  }
0x80: {  	_ =	shalt  }
0x81: {  	_ =	shalt  }
0x82: {  	_ =	shalt  }
0x83: {  	_ =	shalt  }
0x84: {  	_ =	shalt  }
0x85: {  	_ =	shalt  }
0x86: {  	_ =	shalt  }
0x87: {  	_ =	shalt  }
.Lfunc_end0:
.L_simem_size_0:
called_computation_lowered:
.L_overlay_start_0:
0x88: {  	s2 =	sld [smem:$0x3FD9]  }
0x89: {  	s3 =	sld [smem:$0x3FFE];
	_ =	sdelay $0x1  }
0x8a: {  	s1 =	srdreg.scid  }
0x8b: {  	s0 =	sand.u32 $0x1, s1  }
0x8c: {  	s18 =	sshll.u32 s0, $0xA;
	s2 =	sadd.s32 s3, s2  }
0x8d: {  	s2 =	sadd.s32 s2, s18  }
0x8e: {  	[smem:$0x3FC5] =	sst s2  }
0x8f: {  	_ = 	snop  }
0x90: {  	s2 =	sld [smem:$0x3FC9]  }
0x91: {  	s19 =	sld [smem:$0x3FC8]  }
0x92: {  	s4 =	sld [smem:$0x3FC7]  }
0x93: {  	s5 =	sld [smem:$0x3FD0];
	(tm) =	ssettm $0x1  }
0x94: {  	s6 =	sld [smem:$0x3FFB];
	_ =	sdelay $0x3  }
0x95: {  	_ =	strace s6  }
0x96: {  	s6 =	sld [smem:$0x3FFC];
	_ =	sdelay $0x3  }
0x97: {  	_ =	strace s6  }
0x98: {  	s6 =	sld [smem:$0x3FFD];
	_ =	sdelay $0x3  }
0x99: {  	_ =	strace s6  }
0x9a: {  	_ =	strace $0x8FFFFFFF  }
0x9b: {  	s20 =	sld [smem:$0x3FDB];
	_ =	sdelay $0x1  }
0x9c: {  	s7 =	simm.s32 $_scs_section_size  }
0x9d: {  	s8 =	simm.s32 $_size__tile_overlayer_lowered;
	s9 =	simm.s32 $_tile_overlayer_lowered  }
0x9e: {  	s23 =	simm.s32 $0x1BFF;
	s22 =	sshll.u32 s9, $0x1;
	s6 =	sadd.s32 s7, s20  }
0x9f: {  	s10 =	simm.s32 $0x0;
	s21 =	sshll.u32 s8, $0x1;
	s8 =	sadd.s32 s22, s6  }
0xa0: {  	[timem:s10], [sflag:s23] =	dma.local [hbm:s8], s21  }
0xa1: {  	_ =	swait.ge [sflag:s23], s21  }
0xa2: {  	s7 =	ssub.s32 $0x0, s21;
	[sflag:s23] =	ssyncset.done $0x0  }
0xa3: {  	[sflag:s23] =	ssyncadd.s32 s7;
	_ =	sdelay $0x1  }
0xa4: {  	s24 =	simm.s32 $0x1B8B  }
0xa5: {  	_ =	swait.ge [sflag:s24], $0x1  }
0xa6: {  	[sflag:s24] =	ssyncset.done $0x0  }
0xa7: {  	s25 =	simm.s32 $0x1B8E;
	[sflag:s24] =	ssyncadd.s32 $0xFFFFFFFF  }
0xa8: {  	s26 =	simm.s32 $execute0_lowered;
	[smem:$0x3FD2] =	sst s25  }
0xa9: {  	s7 =	sshll.u32 s26, $0x1;
	_ =	strace $0x80000046;
	[dreg:$0x1] =	wrdreg $0xFFFFFFFF  }
0xaa: {  	s28 =	simm.s32 $_size_execute0_lowered;
	s6 =	sadd.s32 s6, s7;
	[dreg:$0x0] =	wrdreg $0x0  }
0xab: {  	s7 =	sshll.u32 s28, $0x1;
	[dreg:$0x2] =	wrdreg s6  }
0xac: {  	[dreg:$0x3] =	wrdreg s7  }
0xad: {  	[dreg:$0x4] =	wrdreg $0xC0  }
0xae: {  	_ =	task [dreg:s10], $0x5FFFF  }
0xaf: {  	[dreg:$0x1] =	wrdreg $0xFFFFFFFF  }
0xb0: {  	[dreg:$0x0] =	wrdreg $0x60  }
0xb1: {  	[dreg:$0x2] =	wrdreg s2  }
0xb2: {  	[dreg:$0x3] =	wrdreg s19  }
0xb3: {  	[dreg:$0x4] =	wrdreg s4  }
0xb4: {  	[dreg:$0x5] =	wrdreg s5  }
0xb5: {  	[dreg:$0x6] =	wrdreg $0x199000  }
0xb6: {  	[dreg:$0x7] =	wrdreg $0x9  }
0xb7: {  	_ =	task.clear_ibuf [dreg:s10], $0x8FFFF;
	_ =	strace $0x90000046  }
0xb8: {  	s29 =	simm.s32 $0x9;
	_ =	strace $0x80000048  }
0xb9: {  	_ =	swait.ge [sflag:s29], $0x1  }
0xba: {  	[sflag:s29] =	ssyncadd.s32 $0xFFFFFFFF  }
0xbb: {  	_ =	strace $0x90000048  }
0xbc: {  	_ =	sfence  }
0xbd: {  	s30 =	sld [smem:$0x0];
	_ =	sdelay $0x2  }
0xbe: {  	s31 =	sshll.u32 s1, $0xD;
	s1 =	sshrl.u32 s1, $0x2  }
0xbf: {  	s3 =	sand.u32 $0x4000, s31;
	s1 =	sadd.s32 s1, s30  }
0xc0: {  	s0 =	sor.u32 s3, s0;
	s1 =	sshll.u32 s1, $0x11  }
0xc1: {  	s0 =	sor.u32 s1, s0  }
0xc2: {  	s0 =	sadd.s32 $0x8F2B, s0  }
0xc3: {  	[sflag:s0] =	ssyncadd.remote.s32 $0x1  }
0xc4: {  	_ =	sfence.sel $0xFFFF  }
0xc5: {  	[dreg:$0x0] =	wrdreg $0xFFFFFFFF;
	(pc) =	sbr.abs _section_cstart, $3  }
0xc6: {  	[dreg:$0x1] =	wrdreg $0xFFFFFFFF  }
0xc7: {  	_ =	task.clear_ibuf [dreg:s10], $0x2FFFF;
	_ =	strace $0x9FFFFFFF  }
0xc8: {  	(tm) =	ssettm $0x7FFFFFFF  }
0xc9: {  	_ =	shalt  }
tec
execute0_lowered:
.L_overlay_start_1:
0x0: {  	(tag) =	ssettag $0x1  }
0x1: {  	s0 =	rddreg [dreg:$0x0]  }
0x2: {  	s10 =	rddreg [dreg:$0x1]  }
0x3: {  	s4 =	rddreg [dreg:$0x2]  }
0x4: {  	s15 =	rddreg [dreg:$0x3]  }
0x5: {  	s2 =	rddreg [dreg:$0x4];
	s3 =	srdreg.scid  }
0x6: {  	s1 =	stileid.u32;
	s21 =	simm.s32 $0x10;
	s22 =	simm.s32 $0x19700  }
0x7: {  	s28 =	simm.s32 $0x19880;
	s29 =	simm.s32 $0x0;
	s5 =	sand.u32 $0x1, s3  }
0x8: {  	s3 =	simm.s32 $0x0;
	s7 =	sshll.u32 s1, $0x3;
	s24 =	sshll.u32 s1, $0xE  }
0x9: {  	s26 =	smul.u32 $0x30D4, s1;
	s12 =	sadd.s32 $0x100, s0;
	s14 =	sadd.s32 $0x200, s0  }
0xa: {  	s30 =	sor.u32 $0x10, s1;
	s18 =	sadd.s32 $0x300, s0;
	s20 =	sshll.u32 s1, $0xA  }
0xb: {  	p0 =	slt.u32 s1, $0x8;
	p1 =	sgt.u32 s1, $0x7;
	p2 =	slt.u32 s1, $0xA  }
0xc: {  	s6 =	ssub.s32 $0x2, s5;
	[smem:$0x7FF] =	sst s3;
	s7 =	sadd.s32 $0xFFFFFFC0, s7  }
0xd: {  	s13 =	sshll.u32 s5, $0xD;
	s11 =	smul.u32 $0x30D4, s30;
	s19 =	sshll.u32 s30, $0xE  }
0xe: {  	s8 =	sshrl.u32 s6, $0x1;
	_ =	strace $0x80000047;
	s23 =	sshll.u32 s7, $0x7  }
0xf: {  	s25 =	sshll.u32 s7, $0x4;
	s5 =	sadd.s32 s10, s26;
	s19 =	sor.u32 s13, s19  }
0x10: {  	s31 =	sadd.s32 s20, s13;
	s26 =	simm.s32 $0x19800;
	s16 =	ssub.s32 s6, s8  }
0x11: {  	s6 =	sand.u32 $0x3FFFFC00, s23;
	s8 =	sor.u32 s13, s24;
	s4 =	sadd.s32 s4, s25  }
0x12: {  	s10 =	sadd.s32 s10, s11;
	s19 =	sshrl.u32 s19, $0x3;
	s25 =	sadd.s32 s20, s2  }
0x13: {  	s20 =	simm.s32 $0x2;
	s23 =	simm.s32 $0x18F00;
	s24 =	simm.s32 $0x19780  }
0x14: {  	s17 =	sadd.s32 s6, s2;
	s9 =	sshrl.u32 s8, $0x3;
	s11 =	sadd.s32 s0, s19  }
.Ltmp0:
0x15: {  	s13 =	sadd.s32 s19, s14;
	s16 =	smax.u32 s16, $0x1;
	(pc) =	sbr.rel .LBB2_1-.Ltmp0, $4  }
0x16: {  	s25 =	sshrl.u32 @!p1 s25, $0x3;
	s6 =	sadd.s32 s0, s9;
	s7 =	sadd.s32 s9, s12  }
0x17: {  	s8 =	sadd.s32 s9, s14;
	s9 =	sadd.s32 s9, s18;
	s12 =	sadd.s32 s19, s12  }
0x18: {  	v0 =	vlaneseq.u32;
	s14 =	sadd.s32 s19, s18;
	s0 =	sshrl.u32 s31, $0x3;
	s17 =	sshrl.u32 @!p0 s17, $0x3  }
0x19: {  	v1 =	vor.u32 $0x10, v0;
	v2 =	vor.u32 $0x20, v0;
	v3 =	vor.u32 $0x30, v0;
	s18 =	simm.s32 $0x1;
	s19 =	simm.s32 $0x18700;
	s15 =	sadd.s32 s15, s0  }
.LBB2_10:
0x1a: {  	[bflag:$0x0] =	sbarrier.arrive $0xFFFF  }
.LBB2_20:
0x1b: {  	s29 =	sadd.s32 $0x1, s29  }
0x1c: {  	p3 =	sne.s32 s29, s16  }
.Ltmp1:
0x1d: {  	_ = 	snop;
	(pc) =	sbr.rel @!p3 .LBB2_21-.Ltmp1, $1  }
0x1e: {  	_ =	sdelay $0x3  }
.LBB2_1:
0x1f: {  	[tilespmem:$0x19700] =	vst v0  }
0x20: {  	[tilespmem:$0x19780] =	vst v1  }
0x21: {  	[tilespmem:$0x19800] =	vst v2;
	s0 =	sshll.u32 @!p0 s1, $0x6  }
0x22: {  	[tilespmem:$0x19880] =	vst v3;
	s0 =	sor.u32 @!p0 $0x1C02, s0  }
0x23: {  	[spmem:s17], [sflag:s0] =	dma.local @!p0 [hbm:s4], $0x80  }
0x24: {  	s0 =	simm.s32 @!p0 $0x2  }
0x25: {  	_ =	swait.ge @!p0 [sflag:s0], $0x80  }
0x26: {  	[sflag:s0] =	ssyncset.done @!p0 $0x0  }
0x27: {  	[sflag:s0] =	ssyncadd.s32 @!p0 $0xFFFFFF80  }
0x28: {  	[tilespmem:s3], [sflag:$0x1] =	stream.linear.gather [hbm4b:s5+s3], $0x186A0, $0x38;
	[tilespmem:$0x19B00] =	vst v63  }
0x29: {  	[bflag:$0x0] =	sbarrier.arrive $0xFFFF  }
0x2a: {  	_ =	swait.ge [sflag:s18], $0x186A0  }
0x2b: {  	[sflag:s18] =	ssyncset.done $0x0  }
0x2c: {  	[sflag:s18] =	ssyncadd.s32 $0xFFFE7960  }
0x2d: {  	[tilespmem:s19], [sflag:$0x2] =	stream.linear.gather [hbm4b:s6+s3], $0x800, $0x38;
	[tilespmem:$0x19B00] =	vst v63  }
0x2e: {  	_ =	swait.ge [sflag:s20], $0x800  }
0x2f: {  	[sflag:s20] =	ssyncset.done $0x0  }
0x30: {  	s30 =	simm.s32 $0x0;
	[sflag:s20] =	ssyncadd.s32 $0xFFFFF800  }
0x31: {  	v4 =	vld [tilespmem:s30+$0x18700];
	_ =	sdelay $0x4  }
0x32: {  	vm0 =	vgt.s32 v4, $0x0  }
0x33: {  	v5 =	vld [tilespmem:s30+$0x18710];
	v4 =	vnsel vm0, $0x0, v4  }
0x34: {  	v4 =	vmin.u32 v4, $0x1869F;
	_ =	sdelay $0x3  }
0x35: {  	vm9 =	vgt.s32 v5, $0x0  }
0x36: {  	v5 =	vnsel vm9, $0x0, v5;
	v4 =	vld.idx.msk [tilespmem:v4+s3+$0x0], $0xffff  }
0x37: {  	v6 =	vld [tilespmem:s30+$0x18720];
	v5 =	vmin.u32 v5, $0x1869F;
	_ =	sdelay $0x3  }
0x38: {  	[tilespmem:s30+$0x18F00] =	vst v4  }
0x39: {  	vm10 =	vgt.s32 v6, $0x0;
	v4 =	vld.idx.msk [tilespmem:v5+s3+$0x0], $0xffff  }
0x3a: {  	v5 =	vnsel vm10, $0x0, v6;
	v6 =	vld [tilespmem:s30+$0x18730]  }
0x3b: {  	v5 =	vmin.u32 v5, $0x1869F;
	_ =	sdelay $0x3  }
0x3c: {  	[tilespmem:s30+$0x18F10] =	vst v4;
	vm11 =	vgt.s32 v6, $0x0  }
0x3d: {  	v4 =	vld.idx.msk [tilespmem:v5+s3+$0x0], $0xffff;
	v5 =	vnsel vm11, $0x0, v6  }
0x3e: {  	v6 =	vld [tilespmem:s30+$0x18740];
	v5 =	vmin.u32 v5, $0x1869F;
	_ =	sdelay $0x3  }
0x3f: {  	[tilespmem:s30+$0x18F20] =	vst v4  }
0x40: {  	vm12 =	vgt.s32 v6, $0x0;
	v4 =	vld.idx.msk [tilespmem:v5+s3+$0x0], $0xffff  }
0x41: {  	v5 =	vnsel vm12, $0x0, v6;
	v6 =	vld [tilespmem:s30+$0x18750]  }
0x42: {  	v5 =	vmin.u32 v5, $0x1869F;
	_ =	sdelay $0x3  }
0x43: {  	[tilespmem:s30+$0x18F30] =	vst v4;
	vm13 =	vgt.s32 v6, $0x0  }
0x44: {  	v4 =	vld.idx.msk [tilespmem:v5+s3+$0x0], $0xffff;
	v5 =	vnsel vm13, $0x0, v6  }
0x45: {  	v6 =	vld [tilespmem:s30+$0x18760];
	v5 =	vmin.u32 v5, $0x1869F;
	_ =	sdelay $0x3  }
0x46: {  	[tilespmem:s30+$0x18F40] =	vst v4  }
0x47: {  	vm14 =	vgt.s32 v6, $0x0;
	v4 =	vld.idx.msk [tilespmem:v5+s3+$0x0], $0xffff  }
0x48: {  	v5 =	vnsel vm14, $0x0, v6;
	v6 =	vld [tilespmem:s30+$0x18770]  }
0x49: {  	v5 =	vmin.u32 v5, $0x1869F;
	_ =	sdelay $0x3  }
0x4a: {  	[tilespmem:s30+$0x18F50] =	vst v4;
	vm15 =	vgt.s32 v6, $0x0  }
0x4b: {  	s31 =	simm.s32 $0x400;
	s0 =	simm.s32 $0x80;
	v4 =	vld.idx.msk [tilespmem:v5+s3+$0x0], $0xffff;
	v5 =	vnsel vm15, $0x0, v6  }
.LBB2_2:
0x4c: {  	p3 =	sne.s32 s31, $0x1E00;
	v6 =	vld [tilespmem:s0+$0x18700];
	v5 =	vmin.u32 v5, $0x1869F;
	_ =	sdelay $0x3  }
0x4d: {  	[tilespmem:s30+$0x18F60] =	vst v4  }
0x4e: {  	vm0 =	vgt.s32 v6, $0x0;
	v4 =	vld.idx.msk [tilespmem:v5+s3+$0x0], $0xffff  }
0x4f: {  	v5 =	vnsel vm0, $0x0, v6  }
0x50: {  	v5 =	vmin.u32 v5, $0x1869F;
	v6 =	vld [tilespmem:s0+$0x18710];
	_ =	sdelay $0x3  }
0x51: {  	[tilespmem:s30+$0x18F70] =	vst v4;
	s30 =	smov.u32 s0  }
0x52: {  	v4 =	vld.idx.msk [tilespmem:v5+s3+$0x0], $0xffff;
	vm0 =	vgt.s32 v6, $0x0  }
0x53: {  	v5 =	vnsel vm0, $0x0, v6  }
0x54: {  	v5 =	vmin.u32 v5, $0x1869F;
	v6 =	vld [tilespmem:s30+$0x18720];
	_ =	sdelay $0x3  }
0x55: {  	[tilespmem:s30+$0x18F00] =	vst v4  }
0x56: {  	v4 =	vld.idx.msk [tilespmem:v5+s3+$0x0], $0xffff;
	vm0 =	vgt.s32 v6, $0x0  }
0x57: {  	v5 =	vnsel vm0, $0x0, v6  }
0x58: {  	v5 =	vmin.u32 v5, $0x1869F;
	v6 =	vld [tilespmem:s30+$0x18730];
	_ =	sdelay $0x3  }
0x59: {  	[tilespmem:s30+$0x18F10] =	vst v4  }
0x5a: {  	v4 =	vld.idx.msk [tilespmem:v5+s3+$0x0], $0xffff;
	vm0 =	vgt.s32 v6, $0x0  }
0x5b: {  	v5 =	vnsel vm0, $0x0, v6  }
0x5c: {  	v5 =	vmin.u32 v5, $0x1869F;
	v6 =	vld [tilespmem:s30+$0x18740];
	_ =	sdelay $0x3  }
0x5d: {  	[tilespmem:s30+$0x18F20] =	vst v4  }
0x5e: {  	v4 =	vld.idx.msk [tilespmem:v5+s3+$0x0], $0xffff;
	vm0 =	vgt.s32 v6, $0x0  }
0x5f: {  	v5 =	vnsel vm0, $0x0, v6  }
0x60: {  	v5 =	vmin.u32 v5, $0x1869F;
	v6 =	vld [tilespmem:s30+$0x18750];
	_ =	sdelay $0x3  }
0x61: {  	[tilespmem:s30+$0x18F30] =	vst v4  }
0x62: {  	v4 =	vld.idx.msk [tilespmem:v5+s3+$0x0], $0xffff;
	vm0 =	vgt.s32 v6, $0x0  }
0x63: {  	v5 =	vnsel vm0, $0x0, v6  }
0x64: {  	v5 =	vmin.u32 v5, $0x1869F;
	v6 =	vld [tilespmem:s30+$0x18760];
	_ =	sdelay $0x3  }
0x65: {  	[tilespmem:s30+$0x18F40] =	vst v4  }
0x66: {  	v4 =	vld.idx.msk [tilespmem:v5+s3+$0x0], $0xffff;
	vm0 =	vgt.s32 v6, $0x0  }
0x67: {  	v5 =	vnsel vm0, $0x0, v6  }
0x68: {  	v5 =	vmin.u32 v5, $0x1869F;
	v6 =	vld [tilespmem:s30+$0x18770];
	_ =	sdelay $0x1  }
.Ltmp2:
0x69: {  	(pc) =	sbr.rel @p3 .LBB2_2-.Ltmp2, $4  }
0x6a: {  	_ = 	snop  }
0x6b: {  	[tilespmem:s30+$0x18F50] =	vst v4  }
0x6c: {  	v4 =	vld.idx.msk [tilespmem:v5+s3+$0x0], $0xffff;
	vm0 =	vgt.s32 v6, $0x0  }
0x6d: {  	s0 =	sshra.s32 s31, $0x2;
	s31 =	sadd.s32 $0x200, s31;
	v5 =	vnsel vm0, $0x0, v6  }
0x6e: {  	v6 =	vld [tilespmem:s0+$0x18700];
	v5 =	vmin.u32 v5, $0x1869F;
	_ =	sdelay $0x3  }
0x6f: {  	[tilespmem:s30+$0x18F60] =	vst v4  }
0x70: {  	vm0 =	vgt.s32 v6, $0x0;
	v4 =	vld.idx.msk [tilespmem:v5+s3+$0x0], $0xffff  }
0x71: {  	v5 =	vnsel vm0, $0x0, v6;
	v6 =	vld [tilespmem:s0+$0x18710]  }
0x72: {  	v5 =	vmin.u32 v5, $0x1869F;
	_ =	sdelay $0x3  }
0x73: {  	[tilespmem:s30+$0x18F70] =	vst v4;
	vm13 =	vgt.s32 v6, $0x0  }
0x74: {  	v4 =	vld.idx.msk [tilespmem:v5+s3+$0x0], $0xffff;
	v5 =	vnsel vm13, $0x0, v6  }
0x75: {  	v6 =	vld [tilespmem:s0+$0x18720];
	v5 =	vmin.u32 v5, $0x1869F;
	_ =	sdelay $0x3  }
0x76: {  	[tilespmem:s0+$0x18F00] =	vst v4  }
0x77: {  	vm14 =	vgt.s32 v6, $0x0;
	v4 =	vld.idx.msk [tilespmem:v5+s3+$0x0], $0xffff  }
0x78: {  	v5 =	vnsel vm14, $0x0, v6;
	v6 =	vld [tilespmem:s0+$0x18730]  }
0x79: {  	v5 =	vmin.u32 v5, $0x1869F;
	_ =	sdelay $0x3  }
0x7a: {  	[tilespmem:s0+$0x18F10] =	vst v4;
	vm15 =	vgt.s32 v6, $0x0  }
0x7b: {  	v4 =	vld.idx.msk [tilespmem:v5+s3+$0x0], $0xffff;
	v5 =	vnsel vm15, $0x0, v6  }
0x7c: {  	v6 =	vld [tilespmem:s0+$0x18740];
	v5 =	vmin.u32 v5, $0x1869F;
	_ =	sdelay $0x3  }
0x7d: {  	[tilespmem:s0+$0x18F20] =	vst v4  }
0x7e: {  	vm4 =	vgt.s32 v6, $0x0;
	v4 =	vld.idx.msk [tilespmem:v5+s3+$0x0], $0xffff  }
0x7f: {  	v5 =	vnsel vm4, $0x0, v6;
	v6 =	vld [tilespmem:s0+$0x18750]  }
0x80: {  	v5 =	vmin.u32 v5, $0x1869F;
	_ =	sdelay $0x3  }
0x81: {  	[tilespmem:s0+$0x18F30] =	vst v4;
	vm5 =	vgt.s32 v6, $0x0  }
0x82: {  	v4 =	vld.idx.msk [tilespmem:v5+s3+$0x0], $0xffff;
	v5 =	vnsel vm5, $0x0, v6  }
0x83: {  	v6 =	vld [tilespmem:s0+$0x18760];
	v5 =	vmin.u32 v5, $0x1869F;
	_ =	sdelay $0x3  }
0x84: {  	[tilespmem:s0+$0x18F40] =	vst v4  }
0x85: {  	vm6 =	vgt.s32 v6, $0x0;
	v4 =	vld.idx.msk [tilespmem:v5+s3+$0x0], $0xffff  }
0x86: {  	v5 =	vnsel vm6, $0x0, v6;
	v6 =	vld [tilespmem:s0+$0x18770]  }
0x87: {  	v5 =	vmin.u32 v5, $0x1869F;
	_ =	sdelay $0x3  }
0x88: {  	[tilespmem:s0+$0x18F50] =	vst v4;
	vm7 =	vgt.s32 v6, $0x0  }
0x89: {  	v4 =	vld.idx.msk [tilespmem:v5+s3+$0x0], $0xffff;
	v5 =	vnsel vm7, $0x0, v6  }
0x8a: {  	v5 =	vmin.u32 v5, $0x1869F;
	_ =	sdelay $0x3  }
0x8b: {  	[tilespmem:s0+$0x18F60] =	vst v4  }
0x8c: {  	v4 =	vld.idx.msk [tilespmem:v5+s3+$0x0], $0xffff;
	_ =	sdelay $0x4  }
0x8d: {  	[tilespmem:s0+$0x18F70] =	vst v4  }
0x8e: {  	[spmem:s2] =	stream.indirect.scatter.add.f32 [tilespmem:s23], [sflag:$0x2], $0x80, s22, s21, $0xb8;
	[tilespmem:$0x19B00] =	vst v63  }
0x8f: {  	_ =	swait.ge [sflag:s20], $0x800  }
0x90: {  	[sflag:s20] =	ssyncset.done $0x0  }
0x91: {  	s0 =	simm.s32 $0x0;
	[sflag:s20] =	ssyncadd.s32 $0xFFFFF800  }
0x92: {  	[tilespmem:s19], [sflag:$0x2] =	stream.linear.gather [hbm4b:s7+s0], $0x800, $0x38;
	[tilespmem:$0x19B00] =	vst v63  }
0x93: {  	_ =	swait.ge [sflag:s20], $0x800  }
0x94: {  	[sflag:s20] =	ssyncset.done $0x0  }
0x95: {  	s30 =	simm.s32 $0x0;
	[sflag:s20] =	ssyncadd.s32 $0xFFFFF800  }
0x96: {  	v4 =	vld [tilespmem:s30+$0x18700];
	_ =	sdelay $0x4  }
0x97: {  	vm8 =	vgt.s32 v4, $0x0  }
0x98: {  	v5 =	vld [tilespmem:s30+$0x18710];
	v4 =	vnsel vm8, $0x0, v4  }
0x99: {  	v4 =	vmin.u32 v4, $0x1869F;
	_ =	sdelay $0x3  }
0x9a: {  	vm9 =	vgt.s32 v5, $0x0  }
0x9b: {  	v5 =	vnsel vm9, $0x0, v5;
	v4 =	vld.idx.msk [tilespmem:v4+s3+$0x0], $0xffff  }
0x9c: {  	v6 =	vld [tilespmem:s30+$0x18720];
	v5 =	vmin.u32 v5, $0x1869F;
	_ =	sdelay $0x3  }
0x9d: {  	[tilespmem:s30+$0x18F00] =	vst v4  }
0x9e: {  	vm10 =	vgt.s32 v6, $0x0;
	v4 =	vld.idx.msk [tilespmem:v5+s3+$0x0], $0xffff  }
0x9f: {  	v5 =	vnsel vm10, $0x0, v6;
	v6 =	vld [tilespmem:s30+$0x18730]  }
0xa0: {  	v5 =	vmin.u32 v5, $0x1869F;
	_ =	sdelay $0x3  }
0xa1: {  	[tilespmem:s30+$0x18F10] =	vst v4;
	vm11 =	vgt.s32 v6, $0x0  }
0xa2: {  	v4 =	vld.idx.msk [tilespmem:v5+s3+$0x0], $0xffff;
	v5 =	vnsel vm11, $0x0, v6  }
0xa3: {  	v6 =	vld [tilespmem:s30+$0x18740];
	v5 =	vmin.u32 v5, $0x1869F;
	_ =	sdelay $0x3  }
0xa4: {  	[tilespmem:s30+$0x18F20] =	vst v4  }
0xa5: {  	vm12 =	vgt.s32 v6, $0x0;
	v4 =	vld.idx.msk [tilespmem:v5+s3+$0x0], $0xffff  }
0xa6: {  	v5 =	vnsel vm12, $0x0, v6;
	v6 =	vld [tilespmem:s30+$0x18750]  }
0xa7: {  	v5 =	vmin.u32 v5, $0x1869F;
	_ =	sdelay $0x3  }
0xa8: {  	[tilespmem:s30+$0x18F30] =	vst v4;
	vm13 =	vgt.s32 v6, $0x0  }
0xa9: {  	v4 =	vld.idx.msk [tilespmem:v5+s3+$0x0], $0xffff;
	v5 =	vnsel vm13, $0x0, v6  }
0xaa: {  	v6 =	vld [tilespmem:s30+$0x18760];
	v5 =	vmin.u32 v5, $0x1869F;
	_ =	sdelay $0x3  }
0xab: {  	[tilespmem:s30+$0x18F40] =	vst v4  }
0xac: {  	vm14 =	vgt.s32 v6, $0x0;
	v4 =	vld.idx.msk [tilespmem:v5+s3+$0x0], $0xffff  }
0xad: {  	v5 =	vnsel vm14, $0x0, v6;
	v6 =	vld [tilespmem:s30+$0x18770]  }
0xae: {  	v5 =	vmin.u32 v5, $0x1869F;
	_ =	sdelay $0x3  }
0xaf: {  	[tilespmem:s30+$0x18F50] =	vst v4;
	vm15 =	vgt.s32 v6, $0x0  }
0xb0: {  	s31 =	simm.s32 $0x400;
	s0 =	simm.s32 $0x80;
	v4 =	vld.idx.msk [tilespmem:v5+s3+$0x0], $0xffff;
	v5 =	vnsel vm15, $0x0, v6  }
.LBB2_4:
0xb1: {  	p3 =	sne.s32 s31, $0x1E00;
	v6 =	vld [tilespmem:s0+$0x18700];
	v5 =	vmin.u32 v5, $0x1869F;
	_ =	sdelay $0x3  }
0xb2: {  	[tilespmem:s30+$0x18F60] =	vst v4  }
0xb3: {  	vm0 =	vgt.s32 v6, $0x0;
	v4 =	vld.idx.msk [tilespmem:v5+s3+$0x0], $0xffff  }
0xb4: {  	v5 =	vnsel vm0, $0x0, v6  }
0xb5: {  	v5 =	vmin.u32 v5, $0x1869F;
	v6 =	vld [tilespmem:s0+$0x18710];
	_ =	sdelay $0x3  }
0xb6: {  	[tilespmem:s30+$0x18F70] =	vst v4;
	s30 =	smov.u32 s0  }
0xb7: {  	v4 =	vld.idx.msk [tilespmem:v5+s3+$0x0], $0xffff;
	vm0 =	vgt.s32 v6, $0x0  }
0xb8: {  	v5 =	vnsel vm0, $0x0, v6  }
0xb9: {  	v5 =	vmin.u32 v5, $0x1869F;
	v6 =	vld [tilespmem:s30+$0x18720];
	_ =	sdelay $0x3  }
0xba: {  	[tilespmem:s30+$0x18F00] =	vst v4  }
0xbb: {  	v4 =	vld.idx.msk [tilespmem:v5+s3+$0x0], $0xffff;
	vm0 =	vgt.s32 v6, $0x0  }
0xbc: {  	v5 =	vnsel vm0, $0x0, v6  }
0xbd: {  	v5 =	vmin.u32 v5, $0x1869F;
	v6 =	vld [tilespmem:s30+$0x18730];
	_ =	sdelay $0x3  }
0xbe: {  	[tilespmem:s30+$0x18F10] =	vst v4  }
0xbf: {  	v4 =	vld.idx.msk [tilespmem:v5+s3+$0x0], $0xffff;
	vm0 =	vgt.s32 v6, $0x0  }
0xc0: {  	v5 =	vnsel vm0, $0x0, v6  }
0xc1: {  	v5 =	vmin.u32 v5, $0x1869F;
	v6 =	vld [tilespmem:s30+$0x18740];
	_ =	sdelay $0x3  }
0xc2: {  	[tilespmem:s30+$0x18F20] =	vst v4  }
0xc3: {  	v4 =	vld.idx.msk [tilespmem:v5+s3+$0x0], $0xffff;
	vm0 =	vgt.s32 v6, $0x0  }
0xc4: {  	v5 =	vnsel vm0, $0x0, v6  }
0xc5: {  	v5 =	vmin.u32 v5, $0x1869F;
	v6 =	vld [tilespmem:s30+$0x18750];
	_ =	sdelay $0x3  }
0xc6: {  	[tilespmem:s30+$0x18F30] =	vst v4  }
0xc7: {  	v4 =	vld.idx.msk [tilespmem:v5+s3+$0x0], $0xffff;
	vm0 =	vgt.s32 v6, $0x0  }
0xc8: {  	v5 =	vnsel vm0, $0x0, v6  }
0xc9: {  	v5 =	vmin.u32 v5, $0x1869F;
	v6 =	vld [tilespmem:s30+$0x18760];
	_ =	sdelay $0x3  }
0xca: {  	[tilespmem:s30+$0x18F40] =	vst v4  }
0xcb: {  	v4 =	vld.idx.msk [tilespmem:v5+s3+$0x0], $0xffff;
	vm0 =	vgt.s32 v6, $0x0  }
0xcc: {  	v5 =	vnsel vm0, $0x0, v6  }
0xcd: {  	v5 =	vmin.u32 v5, $0x1869F;
	v6 =	vld [tilespmem:s30+$0x18770];
	_ =	sdelay $0x1  }
.Ltmp3:
0xce: {  	(pc) =	sbr.rel @p3 .LBB2_4-.Ltmp3, $4  }
0xcf: {  	_ = 	snop  }
0xd0: {  	[tilespmem:s30+$0x18F50] =	vst v4  }
0xd1: {  	v4 =	vld.idx.msk [tilespmem:v5+s3+$0x0], $0xffff;
	vm0 =	vgt.s32 v6, $0x0  }
0xd2: {  	s0 =	sshra.s32 s31, $0x2;
	s31 =	sadd.s32 $0x200, s31;
	v5 =	vnsel vm0, $0x0, v6  }
0xd3: {  	v6 =	vld [tilespmem:s0+$0x18700];
	v5 =	vmin.u32 v5, $0x1869F;
	_ =	sdelay $0x3  }
0xd4: {  	[tilespmem:s30+$0x18F60] =	vst v4  }
0xd5: {  	vm0 =	vgt.s32 v6, $0x0;
	v4 =	vld.idx.msk [tilespmem:v5+s3+$0x0], $0xffff  }
0xd6: {  	v5 =	vnsel vm0, $0x0, v6;
	v6 =	vld [tilespmem:s0+$0x18710]  }
0xd7: {  	v5 =	vmin.u32 v5, $0x1869F;
	_ =	sdelay $0x3  }
0xd8: {  	[tilespmem:s30+$0x18F70] =	vst v4;
	vm13 =	vgt.s32 v6, $0x0  }
0xd9: {  	v4 =	vld.idx.msk [tilespmem:v5+s3+$0x0], $0xffff;
	v5 =	vnsel vm13, $0x0, v6  }
0xda: {  	v6 =	vld [tilespmem:s0+$0x18720];
	v5 =	vmin.u32 v5, $0x1869F;
	_ =	sdelay $0x3  }
0xdb: {  	[tilespmem:s0+$0x18F00] =	vst v4  }
0xdc: {  	vm14 =	vgt.s32 v6, $0x0;
	v4 =	vld.idx.msk [tilespmem:v5+s3+$0x0], $0xffff  }
0xdd: {  	v5 =	vnsel vm14, $0x0, v6;
	v6 =	vld [tilespmem:s0+$0x18730]  }
0xde: {  	v5 =	vmin.u32 v5, $0x1869F;
	_ =	sdelay $0x3  }
0xdf: {  	[tilespmem:s0+$0x18F10] =	vst v4;
	vm15 =	vgt.s32 v6, $0x0  }
0xe0: {  	v4 =	vld.idx.msk [tilespmem:v5+s3+$0x0], $0xffff;
	v5 =	vnsel vm15, $0x0, v6  }
0xe1: {  	v6 =	vld [tilespmem:s0+$0x18740];
	v5 =	vmin.u32 v5, $0x1869F;
	_ =	sdelay $0x3  }
0xe2: {  	[tilespmem:s0+$0x18F20] =	vst v4  }
0xe3: {  	vm4 =	vgt.s32 v6, $0x0;
	v4 =	vld.idx.msk [tilespmem:v5+s3+$0x0], $0xffff  }
0xe4: {  	v5 =	vnsel vm4, $0x0, v6;
	v6 =	vld [tilespmem:s0+$0x18750]  }
0xe5: {  	v5 =	vmin.u32 v5, $0x1869F;
	_ =	sdelay $0x3  }
0xe6: {  	[tilespmem:s0+$0x18F30] =	vst v4;
	vm5 =	vgt.s32 v6, $0x0  }
0xe7: {  	v4 =	vld.idx.msk [tilespmem:v5+s3+$0x0], $0xffff;
	v5 =	vnsel vm5, $0x0, v6  }
0xe8: {  	v6 =	vld [tilespmem:s0+$0x18760];
	v5 =	vmin.u32 v5, $0x1869F;
	_ =	sdelay $0x3  }
0xe9: {  	[tilespmem:s0+$0x18F40] =	vst v4  }
0xea: {  	vm6 =	vgt.s32 v6, $0x0;
	v4 =	vld.idx.msk [tilespmem:v5+s3+$0x0], $0xffff  }
0xeb: {  	v5 =	vnsel vm6, $0x0, v6;
	v6 =	vld [tilespmem:s0+$0x18770]  }
0xec: {  	v5 =	vmin.u32 v5, $0x1869F;
	_ =	sdelay $0x3  }
0xed: {  	[tilespmem:s0+$0x18F50] =	vst v4;
	vm7 =	vgt.s32 v6, $0x0  }
0xee: {  	v4 =	vld.idx.msk [tilespmem:v5+s3+$0x0], $0xffff;
	v5 =	vnsel vm7, $0x0, v6  }
0xef: {  	v5 =	vmin.u32 v5, $0x1869F;
	_ =	sdelay $0x3  }
0xf0: {  	[tilespmem:s0+$0x18F60] =	vst v4  }
0xf1: {  	v4 =	vld.idx.msk [tilespmem:v5+s3+$0x0], $0xffff;
	_ =	sdelay $0x4  }
0xf2: {  	[tilespmem:s0+$0x18F70] =	vst v4  }
0xf3: {  	[spmem:s2] =	stream.indirect.scatter.add.f32 [tilespmem:s23], [sflag:$0x2], $0x80, s24, s21, $0xb8;
	[tilespmem:$0x19B00] =	vst v63  }
0xf4: {  	_ =	swait.ge [sflag:s20], $0x800  }
0xf5: {  	[sflag:s20] =	ssyncset.done $0x0  }
0xf6: {  	s0 =	simm.s32 $0x0;
	[sflag:s20] =	ssyncadd.s32 $0xFFFFF800  }
0xf7: {  	[tilespmem:s19], [sflag:$0x2] =	stream.linear.gather [hbm4b:s8+s0], $0x800, $0x38;
	[tilespmem:$0x19B00] =	vst v63  }
0xf8: {  	_ =	swait.ge [sflag:s20], $0x800  }
0xf9: {  	[sflag:s20] =	ssyncset.done $0x0  }
0xfa: {  	s30 =	simm.s32 $0x0;
	[sflag:s20] =	ssyncadd.s32 $0xFFFFF800  }
0xfb: {  	v4 =	vld [tilespmem:s30+$0x18700];
	_ =	sdelay $0x4  }
0xfc: {  	vm8 =	vgt.s32 v4, $0x0  }
0xfd: {  	v5 =	vld [tilespmem:s30+$0x18710];
	v4 =	vnsel vm8, $0x0, v4  }
0xfe: {  	v4 =	vmin.u32 v4, $0x1869F;
	_ =	sdelay $0x3  }
0xff: {  	vm9 =	vgt.s32 v5, $0x0  }
0x100: {  	v5 =	vnsel vm9, $0x0, v5;
	v4 =	vld.idx.msk [tilespmem:v4+s3+$0x0], $0xffff  }
0x101: {  	v6 =	vld [tilespmem:s30+$0x18720];
	v5 =	vmin.u32 v5, $0x1869F;
	_ =	sdelay $0x3  }
0x102: {  	[tilespmem:s30+$0x18F00] =	vst v4  }
0x103: {  	vm10 =	vgt.s32 v6, $0x0;
	v4 =	vld.idx.msk [tilespmem:v5+s3+$0x0], $0xffff  }
0x104: {  	v5 =	vnsel vm10, $0x0, v6;
	v6 =	vld [tilespmem:s30+$0x18730]  }
0x105: {  	v5 =	vmin.u32 v5, $0x1869F;
	_ =	sdelay $0x3  }
0x106: {  	[tilespmem:s30+$0x18F10] =	vst v4;
	vm11 =	vgt.s32 v6, $0x0  }
0x107: {  	v4 =	vld.idx.msk [tilespmem:v5+s3+$0x0], $0xffff;
	v5 =	vnsel vm11, $0x0, v6  }
0x108: {  	v6 =	vld [tilespmem:s30+$0x18740];
	v5 =	vmin.u32 v5, $0x1869F;
	_ =	sdelay $0x3  }
0x109: {  	[tilespmem:s30+$0x18F20] =	vst v4  }
0x10a: {  	vm12 =	vgt.s32 v6, $0x0;
	v4 =	vld.idx.msk [tilespmem:v5+s3+$0x0], $0xffff  }
0x10b: {  	v5 =	vnsel vm12, $0x0, v6;
	v6 =	vld [tilespmem:s30+$0x18750]  }
0x10c: {  	v5 =	vmin.u32 v5, $0x1869F;
	_ =	sdelay $0x3  }
0x10d: {  	[tilespmem:s30+$0x18F30] =	vst v4;
	vm13 =	vgt.s32 v6, $0x0  }
0x10e: {  	v4 =	vld.idx.msk [tilespmem:v5+s3+$0x0], $0xffff;
	v5 =	vnsel vm13, $0x0, v6  }
0x10f: {  	v6 =	vld [tilespmem:s30+$0x18760];
	v5 =	vmin.u32 v5, $0x1869F;
	_ =	sdelay $0x3  }
0x110: {  	[tilespmem:s30+$0x18F40] =	vst v4  }
0x111: {  	vm14 =	vgt.s32 v6, $0x0;
	v4 =	vld.idx.msk [tilespmem:v5+s3+$0x0], $0xffff  }
0x112: {  	v5 =	vnsel vm14, $0x0, v6;
	v6 =	vld [tilespmem:s30+$0x18770]  }
0x113: {  	v5 =	vmin.u32 v5, $0x1869F;
	_ =	sdelay $0x3  }
0x114: {  	[tilespmem:s30+$0x18F50] =	vst v4;
	vm15 =	vgt.s32 v6, $0x0  }
0x115: {  	s31 =	simm.s32 $0x400;
	s0 =	simm.s32 $0x80;
	v4 =	vld.idx.msk [tilespmem:v5+s3+$0x0], $0xffff;
	v5 =	vnsel vm15, $0x0, v6  }
.LBB2_6:
0x116: {  	p3 =	sne.s32 s31, $0x1E00;
	v6 =	vld [tilespmem:s0+$0x18700];
	v5 =	vmin.u32 v5, $0x1869F;
	_ =	sdelay $0x3  }
0x117: {  	[tilespmem:s30+$0x18F60] =	vst v4  }
0x118: {  	vm0 =	vgt.s32 v6, $0x0;
	v4 =	vld.idx.msk [tilespmem:v5+s3+$0x0], $0xffff  }
0x119: {  	v5 =	vnsel vm0, $0x0, v6  }
0x11a: {  	v5 =	vmin.u32 v5, $0x1869F;
	v6 =	vld [tilespmem:s0+$0x18710];
	_ =	sdelay $0x3  }
0x11b: {  	[tilespmem:s30+$0x18F70] =	vst v4;
	s30 =	smov.u32 s0  }
0x11c: {  	v4 =	vld.idx.msk [tilespmem:v5+s3+$0x0], $0xffff;
	vm0 =	vgt.s32 v6, $0x0  }
0x11d: {  	v5 =	vnsel vm0, $0x0, v6  }
0x11e: {  	v5 =	vmin.u32 v5, $0x1869F;
	v6 =	vld [tilespmem:s30+$0x18720];
	_ =	sdelay $0x3  }
0x11f: {  	[tilespmem:s30+$0x18F00] =	vst v4  }
0x120: {  	v4 =	vld.idx.msk [tilespmem:v5+s3+$0x0], $0xffff;
	vm0 =	vgt.s32 v6, $0x0  }
0x121: {  	v5 =	vnsel vm0, $0x0, v6  }
0x122: {  	v5 =	vmin.u32 v5, $0x1869F;
	v6 =	vld [tilespmem:s30+$0x18730];
	_ =	sdelay $0x3  }
0x123: {  	[tilespmem:s30+$0x18F10] =	vst v4  }
0x124: {  	v4 =	vld.idx.msk [tilespmem:v5+s3+$0x0], $0xffff;
	vm0 =	vgt.s32 v6, $0x0  }
0x125: {  	v5 =	vnsel vm0, $0x0, v6  }
0x126: {  	v5 =	vmin.u32 v5, $0x1869F;
	v6 =	vld [tilespmem:s30+$0x18740];
	_ =	sdelay $0x3  }
0x127: {  	[tilespmem:s30+$0x18F20] =	vst v4  }
0x128: {  	v4 =	vld.idx.msk [tilespmem:v5+s3+$0x0], $0xffff;
	vm0 =	vgt.s32 v6, $0x0  }
0x129: {  	v5 =	vnsel vm0, $0x0, v6  }
0x12a: {  	v5 =	vmin.u32 v5, $0x1869F;
	v6 =	vld [tilespmem:s30+$0x18750];
	_ =	sdelay $0x3  }
0x12b: {  	[tilespmem:s30+$0x18F30] =	vst v4  }
0x12c: {  	v4 =	vld.idx.msk [tilespmem:v5+s3+$0x0], $0xffff;
	vm0 =	vgt.s32 v6, $0x0  }
0x12d: {  	v5 =	vnsel vm0, $0x0, v6  }
0x12e: {  	v5 =	vmin.u32 v5, $0x1869F;
	v6 =	vld [tilespmem:s30+$0x18760];
	_ =	sdelay $0x3  }
0x12f: {  	[tilespmem:s30+$0x18F40] =	vst v4  }
0x130: {  	v4 =	vld.idx.msk [tilespmem:v5+s3+$0x0], $0xffff;
	vm0 =	vgt.s32 v6, $0x0  }
0x131: {  	v5 =	vnsel vm0, $0x0, v6  }
0x132: {  	v5 =	vmin.u32 v5, $0x1869F;
	v6 =	vld [tilespmem:s30+$0x18770];
	_ =	sdelay $0x1  }
.Ltmp4:
0x133: {  	(pc) =	sbr.rel @p3 .LBB2_6-.Ltmp4, $4  }
0x134: {  	_ = 	snop  }
0x135: {  	[tilespmem:s30+$0x18F50] =	vst v4  }
0x136: {  	v4 =	vld.idx.msk [tilespmem:v5+s3+$0x0], $0xffff;
	vm0 =	vgt.s32 v6, $0x0  }
0x137: {  	s0 =	sshra.s32 s31, $0x2;
	s31 =	sadd.s32 $0x200, s31;
	v5 =	vnsel vm0, $0x0, v6  }
0x138: {  	v6 =	vld [tilespmem:s0+$0x18700];
	v5 =	vmin.u32 v5, $0x1869F;
	_ =	sdelay $0x3  }
0x139: {  	[tilespmem:s30+$0x18F60] =	vst v4  }
0x13a: {  	vm0 =	vgt.s32 v6, $0x0;
	v4 =	vld.idx.msk [tilespmem:v5+s3+$0x0], $0xffff  }
0x13b: {  	v5 =	vnsel vm0, $0x0, v6;
	v6 =	vld [tilespmem:s0+$0x18710]  }
0x13c: {  	v5 =	vmin.u32 v5, $0x1869F;
	_ =	sdelay $0x3  }
0x13d: {  	[tilespmem:s30+$0x18F70] =	vst v4;
	vm13 =	vgt.s32 v6, $0x0  }
0x13e: {  	v4 =	vld.idx.msk [tilespmem:v5+s3+$0x0], $0xffff;
	v5 =	vnsel vm13, $0x0, v6  }
0x13f: {  	v6 =	vld [tilespmem:s0+$0x18720];
	v5 =	vmin.u32 v5, $0x1869F;
	_ =	sdelay $0x3  }
0x140: {  	[tilespmem:s0+$0x18F00] =	vst v4  }
0x141: {  	vm14 =	vgt.s32 v6, $0x0;
	v4 =	vld.idx.msk [tilespmem:v5+s3+$0x0], $0xffff  }
0x142: {  	v5 =	vnsel vm14, $0x0, v6;
	v6 =	vld [tilespmem:s0+$0x18730]  }
0x143: {  	v5 =	vmin.u32 v5, $0x1869F;
	_ =	sdelay $0x3  }
0x144: {  	[tilespmem:s0+$0x18F10] =	vst v4;
	vm15 =	vgt.s32 v6, $0x0  }
0x145: {  	v4 =	vld.idx.msk [tilespmem:v5+s3+$0x0], $0xffff;
	v5 =	vnsel vm15, $0x0, v6  }
0x146: {  	v6 =	vld [tilespmem:s0+$0x18740];
	v5 =	vmin.u32 v5, $0x1869F;
	_ =	sdelay $0x3  }
0x147: {  	[tilespmem:s0+$0x18F20] =	vst v4  }
0x148: {  	vm4 =	vgt.s32 v6, $0x0;
	v4 =	vld.idx.msk [tilespmem:v5+s3+$0x0], $0xffff  }
0x149: {  	v5 =	vnsel vm4, $0x0, v6;
	v6 =	vld [tilespmem:s0+$0x18750]  }
0x14a: {  	v5 =	vmin.u32 v5, $0x1869F;
	_ =	sdelay $0x3  }
0x14b: {  	[tilespmem:s0+$0x18F30] =	vst v4;
	vm5 =	vgt.s32 v6, $0x0  }
0x14c: {  	v4 =	vld.idx.msk [tilespmem:v5+s3+$0x0], $0xffff;
	v5 =	vnsel vm5, $0x0, v6  }
0x14d: {  	v6 =	vld [tilespmem:s0+$0x18760];
	v5 =	vmin.u32 v5, $0x1869F;
	_ =	sdelay $0x3  }
0x14e: {  	[tilespmem:s0+$0x18F40] =	vst v4  }
0x14f: {  	vm6 =	vgt.s32 v6, $0x0;
	v4 =	vld.idx.msk [tilespmem:v5+s3+$0x0], $0xffff  }
0x150: {  	v5 =	vnsel vm6, $0x0, v6;
	v6 =	vld [tilespmem:s0+$0x18770]  }
0x151: {  	v5 =	vmin.u32 v5, $0x1869F;
	_ =	sdelay $0x3  }
0x152: {  	[tilespmem:s0+$0x18F50] =	vst v4;
	vm7 =	vgt.s32 v6, $0x0  }
0x153: {  	v4 =	vld.idx.msk [tilespmem:v5+s3+$0x0], $0xffff;
	v5 =	vnsel vm7, $0x0, v6  }
0x154: {  	v5 =	vmin.u32 v5, $0x1869F;
	_ =	sdelay $0x3  }
0x155: {  	[tilespmem:s0+$0x18F60] =	vst v4  }
0x156: {  	v4 =	vld.idx.msk [tilespmem:v5+s3+$0x0], $0xffff;
	_ =	sdelay $0x4  }
0x157: {  	[tilespmem:s0+$0x18F70] =	vst v4  }
0x158: {  	[spmem:s2] =	stream.indirect.scatter.add.f32 [tilespmem:s23], [sflag:$0x2], $0x80, s26, s21, $0xb8;
	[tilespmem:$0x19B00] =	vst v63  }
0x159: {  	_ =	swait.ge [sflag:s20], $0x800  }
0x15a: {  	[sflag:s20] =	ssyncset.done $0x0  }
0x15b: {  	s0 =	simm.s32 $0x0;
	[sflag:s20] =	ssyncadd.s32 $0xFFFFF800  }
0x15c: {  	[tilespmem:s19], [sflag:$0x2] =	stream.linear.gather [hbm4b:s9+s0], $0x800, $0x38;
	[tilespmem:$0x19B00] =	vst v63  }
0x15d: {  	_ =	swait.ge [sflag:s20], $0x800  }
0x15e: {  	[sflag:s20] =	ssyncset.done $0x0  }
0x15f: {  	s30 =	simm.s32 $0x0;
	[sflag:s20] =	ssyncadd.s32 $0xFFFFF800  }
0x160: {  	v4 =	vld [tilespmem:s30+$0x18700];
	_ =	sdelay $0x4  }
0x161: {  	vm8 =	vgt.s32 v4, $0x0  }
0x162: {  	v5 =	vld [tilespmem:s30+$0x18710];
	v4 =	vnsel vm8, $0x0, v4  }
0x163: {  	v4 =	vmin.u32 v4, $0x1869F;
	_ =	sdelay $0x3  }
0x164: {  	vm9 =	vgt.s32 v5, $0x0  }
0x165: {  	v5 =	vnsel vm9, $0x0, v5;
	v4 =	vld.idx.msk [tilespmem:v4+s3+$0x0], $0xffff  }
0x166: {  	v6 =	vld [tilespmem:s30+$0x18720];
	v5 =	vmin.u32 v5, $0x1869F;
	_ =	sdelay $0x3  }
0x167: {  	[tilespmem:s30+$0x18F00] =	vst v4  }
0x168: {  	vm10 =	vgt.s32 v6, $0x0;
	v4 =	vld.idx.msk [tilespmem:v5+s3+$0x0], $0xffff  }
0x169: {  	v5 =	vnsel vm10, $0x0, v6;
	v6 =	vld [tilespmem:s30+$0x18730]  }
0x16a: {  	v5 =	vmin.u32 v5, $0x1869F;
	_ =	sdelay $0x3  }
0x16b: {  	[tilespmem:s30+$0x18F10] =	vst v4;
	vm11 =	vgt.s32 v6, $0x0  }
0x16c: {  	v4 =	vld.idx.msk [tilespmem:v5+s3+$0x0], $0xffff;
	v5 =	vnsel vm11, $0x0, v6  }
0x16d: {  	v6 =	vld [tilespmem:s30+$0x18740];
	v5 =	vmin.u32 v5, $0x1869F;
	_ =	sdelay $0x3  }
0x16e: {  	[tilespmem:s30+$0x18F20] =	vst v4  }
0x16f: {  	vm12 =	vgt.s32 v6, $0x0;
	v4 =	vld.idx.msk [tilespmem:v5+s3+$0x0], $0xffff  }
0x170: {  	v5 =	vnsel vm12, $0x0, v6;
	v6 =	vld [tilespmem:s30+$0x18750]  }
0x171: {  	v5 =	vmin.u32 v5, $0x1869F;
	_ =	sdelay $0x3  }
0x172: {  	[tilespmem:s30+$0x18F30] =	vst v4;
	vm13 =	vgt.s32 v6, $0x0  }
0x173: {  	v4 =	vld.idx.msk [tilespmem:v5+s3+$0x0], $0xffff;
	v5 =	vnsel vm13, $0x0, v6  }
0x174: {  	v6 =	vld [tilespmem:s30+$0x18760];
	v5 =	vmin.u32 v5, $0x1869F;
	_ =	sdelay $0x3  }
0x175: {  	[tilespmem:s30+$0x18F40] =	vst v4  }
0x176: {  	vm14 =	vgt.s32 v6, $0x0;
	v4 =	vld.idx.msk [tilespmem:v5+s3+$0x0], $0xffff  }
0x177: {  	v5 =	vnsel vm14, $0x0, v6;
	v6 =	vld [tilespmem:s30+$0x18770]  }
0x178: {  	v5 =	vmin.u32 v5, $0x1869F;
	_ =	sdelay $0x3  }
0x179: {  	[tilespmem:s30+$0x18F50] =	vst v4;
	vm15 =	vgt.s32 v6, $0x0  }
0x17a: {  	s31 =	simm.s32 $0x400;
	s0 =	simm.s32 $0x80;
	v4 =	vld.idx.msk [tilespmem:v5+s3+$0x0], $0xffff;
	v5 =	vnsel vm15, $0x0, v6  }
.LBB2_8:
0x17b: {  	p3 =	sne.s32 s31, $0x1E00;
	v6 =	vld [tilespmem:s0+$0x18700];
	v5 =	vmin.u32 v5, $0x1869F;
	_ =	sdelay $0x3  }
0x17c: {  	[tilespmem:s30+$0x18F60] =	vst v4  }
0x17d: {  	vm0 =	vgt.s32 v6, $0x0;
	v4 =	vld.idx.msk [tilespmem:v5+s3+$0x0], $0xffff  }
0x17e: {  	v5 =	vnsel vm0, $0x0, v6  }
0x17f: {  	v5 =	vmin.u32 v5, $0x1869F;
	v6 =	vld [tilespmem:s0+$0x18710];
	_ =	sdelay $0x3  }
0x180: {  	[tilespmem:s30+$0x18F70] =	vst v4;
	s30 =	smov.u32 s0  }
0x181: {  	v4 =	vld.idx.msk [tilespmem:v5+s3+$0x0], $0xffff;
	vm0 =	vgt.s32 v6, $0x0  }
0x182: {  	v5 =	vnsel vm0, $0x0, v6  }
0x183: {  	v5 =	vmin.u32 v5, $0x1869F;
	v6 =	vld [tilespmem:s30+$0x18720];
	_ =	sdelay $0x3  }
0x184: {  	[tilespmem:s30+$0x18F00] =	vst v4  }
0x185: {  	v4 =	vld.idx.msk [tilespmem:v5+s3+$0x0], $0xffff;
	vm0 =	vgt.s32 v6, $0x0  }
0x186: {  	v5 =	vnsel vm0, $0x0, v6  }
0x187: {  	v5 =	vmin.u32 v5, $0x1869F;
	v6 =	vld [tilespmem:s30+$0x18730];
	_ =	sdelay $0x3  }
0x188: {  	[tilespmem:s30+$0x18F10] =	vst v4  }
0x189: {  	v4 =	vld.idx.msk [tilespmem:v5+s3+$0x0], $0xffff;
	vm0 =	vgt.s32 v6, $0x0  }
0x18a: {  	v5 =	vnsel vm0, $0x0, v6  }
0x18b: {  	v5 =	vmin.u32 v5, $0x1869F;
	v6 =	vld [tilespmem:s30+$0x18740];
	_ =	sdelay $0x3  }
0x18c: {  	[tilespmem:s30+$0x18F20] =	vst v4  }
0x18d: {  	v4 =	vld.idx.msk [tilespmem:v5+s3+$0x0], $0xffff;
	vm0 =	vgt.s32 v6, $0x0  }
0x18e: {  	v5 =	vnsel vm0, $0x0, v6  }
0x18f: {  	v5 =	vmin.u32 v5, $0x1869F;
	v6 =	vld [tilespmem:s30+$0x18750];
	_ =	sdelay $0x3  }
0x190: {  	[tilespmem:s30+$0x18F30] =	vst v4  }
0x191: {  	v4 =	vld.idx.msk [tilespmem:v5+s3+$0x0], $0xffff;
	vm0 =	vgt.s32 v6, $0x0  }
0x192: {  	v5 =	vnsel vm0, $0x0, v6  }
0x193: {  	v5 =	vmin.u32 v5, $0x1869F;
	v6 =	vld [tilespmem:s30+$0x18760];
	_ =	sdelay $0x3  }
0x194: {  	[tilespmem:s30+$0x18F40] =	vst v4  }
0x195: {  	v4 =	vld.idx.msk [tilespmem:v5+s3+$0x0], $0xffff;
	vm0 =	vgt.s32 v6, $0x0  }
0x196: {  	v5 =	vnsel vm0, $0x0, v6  }
0x197: {  	v5 =	vmin.u32 v5, $0x1869F;
	v6 =	vld [tilespmem:s30+$0x18770];
	_ =	sdelay $0x1  }
.Ltmp5:
0x198: {  	(pc) =	sbr.rel @p3 .LBB2_8-.Ltmp5, $4  }
0x199: {  	_ = 	snop  }
0x19a: {  	[tilespmem:s30+$0x18F50] =	vst v4  }
0x19b: {  	v4 =	vld.idx.msk [tilespmem:v5+s3+$0x0], $0xffff;
	vm0 =	vgt.s32 v6, $0x0  }
0x19c: {  	s0 =	sshra.s32 s31, $0x2;
	s31 =	sadd.s32 $0x200, s31;
	v5 =	vnsel vm0, $0x0, v6  }
0x19d: {  	v6 =	vld [tilespmem:s0+$0x18700];
	v5 =	vmin.u32 v5, $0x1869F;
	_ =	sdelay $0x3  }
0x19e: {  	[tilespmem:s30+$0x18F60] =	vst v4  }
0x19f: {  	vm0 =	vgt.s32 v6, $0x0;
	v4 =	vld.idx.msk [tilespmem:v5+s3+$0x0], $0xffff  }
0x1a0: {  	v57 =	vld [tilespmem:s0+$0x18710];
	v5 =	vnsel vm0, $0x0, v6  }
0x1a1: {  	v5 =	vmin.u32 v5, $0x1869F;
	_ =	sdelay $0x2  }
0x1a2: {  	[tilespmem:s30+$0x18F70] =	vst v4  }
0x1a3: {  	vm9 =	vgt.s32 v57, $0x0;
	v58 =	vld [tilespmem:s0+$0x18720]  }
0x1a4: {  	v4 =	vld.idx.msk [tilespmem:v5+s3+$0x0], $0xffff;
	v5 =	vnsel vm9, $0x0, v57  }
0x1a5: {  	v5 =	vmin.u32 v5, $0x1869F;
	_ =	sdelay $0x3  }
0x1a6: {  	v59 =	vld [tilespmem:s0+$0x18730];
	vm10 =	vgt.s32 v58, $0x0;
	[tilespmem:s0+$0x18F00] =	vst v4  }
0x1a7: {  	v4 =	vld.idx.msk [tilespmem:v5+s3+$0x0], $0xffff;
	v5 =	vnsel vm10, $0x0, v58  }
0x1a8: {  	v5 =	vmin.u32 v5, $0x1869F;
	_ =	sdelay $0x3  }
0x1a9: {  	v60 =	vld [tilespmem:s0+$0x18740];
	vm11 =	vgt.s32 v59, $0x0;
	[tilespmem:s0+$0x18F10] =	vst v4  }
0x1aa: {  	v4 =	vld.idx.msk [tilespmem:v5+s3+$0x0], $0xffff;
	v5 =	vnsel vm11, $0x0, v59  }
0x1ab: {  	v5 =	vmin.u32 v5, $0x1869F;
	_ =	sdelay $0x3  }
0x1ac: {  	v61 =	vld [tilespmem:s0+$0x18750];
	vm12 =	vgt.s32 v60, $0x0;
	[tilespmem:s0+$0x18F20] =	vst v4  }
0x1ad: {  	v4 =	vld.idx.msk [tilespmem:v5+s3+$0x0], $0xffff;
	v5 =	vnsel vm12, $0x0, v60  }
0x1ae: {  	v5 =	vmin.u32 v5, $0x1869F;
	_ =	sdelay $0x3  }
0x1af: {  	v62 =	vld [tilespmem:s0+$0x18760];
	vm13 =	vgt.s32 v61, $0x0;
	[tilespmem:s0+$0x18F30] =	vst v4  }
0x1b0: {  	v4 =	vld.idx.msk [tilespmem:v5+s3+$0x0], $0xffff;
	v5 =	vnsel vm13, $0x0, v61  }
0x1b1: {  	v5 =	vmin.u32 v5, $0x1869F;
	_ =	sdelay $0x3  }
0x1b2: {  	v63 =	vld [tilespmem:s0+$0x18770];
	vm14 =	vgt.s32 v62, $0x0;
	[tilespmem:s0+$0x18F40] =	vst v4  }
0x1b3: {  	v4 =	vld.idx.msk [tilespmem:v5+s3+$0x0], $0xffff;
	v5 =	vnsel vm14, $0x0, v62  }
0x1b4: {  	v5 =	vmin.u32 v5, $0x1869F;
	_ =	sdelay $0x3  }
0x1b5: {  	vm15 =	vgt.s32 v63, $0x0;
	[tilespmem:s0+$0x18F50] =	vst v4  }
0x1b6: {  	v4 =	vld.idx.msk [tilespmem:v5+s3+$0x0], $0xffff;
	v5 =	vnsel vm15, $0x0, v63  }
0x1b7: {  	v5 =	vmin.u32 v5, $0x1869F;
	_ =	sdelay $0x3  }
0x1b8: {  	[tilespmem:s0+$0x18F60] =	vst v4  }
0x1b9: {  	v4 =	vld.idx.msk [tilespmem:v5+s3+$0x0], $0xffff;
	_ =	sdelay $0x4  }
.Ltmp6:
0x1ba: {  	[tilespmem:s0+$0x18F70] =	vst v4;
	(pc) =	sbr.rel @!p2 .LBB2_10-.Ltmp6, $4  }
0x1bb: {  	[spmem:s2] =	stream.indirect.scatter.add.f32 [tilespmem:s23], [sflag:$0x2], $0x80, s28, s21, $0xb8;
	[tilespmem:$0x19B00] =	vst v63  }
0x1bc: {  	_ =	swait.ge [sflag:s20], $0x800  }
0x1bd: {  	[sflag:s20] =	ssyncset.done $0x0  }
0x1be: {  	[sflag:s20] =	ssyncadd.s32 $0xFFFFF800  }
0x1bf: {  	s0 =	simm.s32 $0x0  }
0x1c0: {  	[tilespmem:s0], [sflag:$0x2] =	stream.linear.gather [hbm4b:s10+s0], $0x186A0, $0x38;
	[tilespmem:$0x19B00] =	vst v63  }
0x1c1: {  	_ =	swait.ge [sflag:s20], $0x186A0  }
0x1c2: {  	[sflag:s20] =	ssyncset.done $0x0  }
0x1c3: {  	[sflag:s20] =	ssyncadd.s32 $0xFFFE7960  }
0x1c4: {  	[tilespmem:s19], [sflag:$0x2] =	stream.linear.gather [hbm4b:s11+s0], $0x800, $0x38;
	[tilespmem:$0x19B00] =	vst v63  }
0x1c5: {  	_ =	swait.ge [sflag:s20], $0x800  }
0x1c6: {  	[sflag:s20] =	ssyncset.done $0x0  }
0x1c7: {  	s30 =	simm.s32 $0x0;
	[sflag:s20] =	ssyncadd.s32 $0xFFFFF800  }
0x1c8: {  	v4 =	vld [tilespmem:s30+$0x18700];
	_ =	sdelay $0x4  }
0x1c9: {  	vm0 =	vgt.s32 v4, $0x0  }
0x1ca: {  	v5 =	vld [tilespmem:s30+$0x18710];
	v4 =	vnsel vm0, $0x0, v4  }
0x1cb: {  	v4 =	vmin.u32 v4, $0x1869F;
	_ =	sdelay $0x3  }
0x1cc: {  	vm9 =	vgt.s32 v5, $0x0  }
0x1cd: {  	v5 =	vnsel vm9, $0x0, v5;
	v4 =	vld.idx.msk [tilespmem:v4+s3+$0x0], $0xffff  }
0x1ce: {  	v6 =	vld [tilespmem:s30+$0x18720];
	v5 =	vmin.u32 v5, $0x1869F;
	_ =	sdelay $0x3  }
0x1cf: {  	[tilespmem:s30+$0x18F00] =	vst v4  }
0x1d0: {  	vm10 =	vgt.s32 v6, $0x0;
	v4 =	vld.idx.msk [tilespmem:v5+s3+$0x0], $0xffff  }
0x1d1: {  	v5 =	vnsel vm10, $0x0, v6;
	v6 =	vld [tilespmem:s30+$0x18730]  }
0x1d2: {  	v5 =	vmin.u32 v5, $0x1869F;
	_ =	sdelay $0x3  }
0x1d3: {  	[tilespmem:s30+$0x18F10] =	vst v4;
	vm11 =	vgt.s32 v6, $0x0  }
0x1d4: {  	v4 =	vld.idx.msk [tilespmem:v5+s3+$0x0], $0xffff;
	v5 =	vnsel vm11, $0x0, v6  }
0x1d5: {  	v6 =	vld [tilespmem:s30+$0x18740];
	v5 =	vmin.u32 v5, $0x1869F;
	_ =	sdelay $0x3  }
0x1d6: {  	[tilespmem:s30+$0x18F20] =	vst v4  }
0x1d7: {  	vm12 =	vgt.s32 v6, $0x0;
	v4 =	vld.idx.msk [tilespmem:v5+s3+$0x0], $0xffff  }
0x1d8: {  	v5 =	vnsel vm12, $0x0, v6;
	v6 =	vld [tilespmem:s30+$0x18750]  }
0x1d9: {  	v5 =	vmin.u32 v5, $0x1869F;
	_ =	sdelay $0x3  }
0x1da: {  	[tilespmem:s30+$0x18F30] =	vst v4;
	vm13 =	vgt.s32 v6, $0x0  }
0x1db: {  	v4 =	vld.idx.msk [tilespmem:v5+s3+$0x0], $0xffff;
	v5 =	vnsel vm13, $0x0, v6  }
0x1dc: {  	v6 =	vld [tilespmem:s30+$0x18760];
	v5 =	vmin.u32 v5, $0x1869F;
	_ =	sdelay $0x3  }
0x1dd: {  	[tilespmem:s30+$0x18F40] =	vst v4  }
0x1de: {  	vm14 =	vgt.s32 v6, $0x0;
	v4 =	vld.idx.msk [tilespmem:v5+s3+$0x0], $0xffff  }
0x1df: {  	v5 =	vnsel vm14, $0x0, v6;
	v6 =	vld [tilespmem:s30+$0x18770]  }
0x1e0: {  	v5 =	vmin.u32 v5, $0x1869F;
	_ =	sdelay $0x3  }
0x1e1: {  	[tilespmem:s30+$0x18F50] =	vst v4;
	vm15 =	vgt.s32 v6, $0x0  }
0x1e2: {  	s31 =	simm.s32 $0x400;
	s0 =	simm.s32 $0x80;
	v4 =	vld.idx.msk [tilespmem:v5+s3+$0x0], $0xffff;
	v5 =	vnsel vm15, $0x0, v6  }
.LBB2_12:
0x1e3: {  	p3 =	sne.s32 s31, $0x1E00;
	v6 =	vld [tilespmem:s0+$0x18700];
	v5 =	vmin.u32 v5, $0x1869F;
	_ =	sdelay $0x3  }
0x1e4: {  	[tilespmem:s30+$0x18F60] =	vst v4  }
0x1e5: {  	vm0 =	vgt.s32 v6, $0x0;
	v4 =	vld.idx.msk [tilespmem:v5+s3+$0x0], $0xffff  }
0x1e6: {  	v5 =	vnsel vm0, $0x0, v6  }
0x1e7: {  	v5 =	vmin.u32 v5, $0x1869F;
	v6 =	vld [tilespmem:s0+$0x18710];
	_ =	sdelay $0x3  }
0x1e8: {  	[tilespmem:s30+$0x18F70] =	vst v4;
	s30 =	smov.u32 s0  }
0x1e9: {  	v4 =	vld.idx.msk [tilespmem:v5+s3+$0x0], $0xffff;
	vm0 =	vgt.s32 v6, $0x0  }
0x1ea: {  	v5 =	vnsel vm0, $0x0, v6  }
0x1eb: {  	v5 =	vmin.u32 v5, $0x1869F;
	v6 =	vld [tilespmem:s30+$0x18720];
	_ =	sdelay $0x3  }
0x1ec: {  	[tilespmem:s30+$0x18F00] =	vst v4  }
0x1ed: {  	v4 =	vld.idx.msk [tilespmem:v5+s3+$0x0], $0xffff;
	vm0 =	vgt.s32 v6, $0x0  }
0x1ee: {  	v5 =	vnsel vm0, $0x0, v6  }
0x1ef: {  	v5 =	vmin.u32 v5, $0x1869F;
	v6 =	vld [tilespmem:s30+$0x18730];
	_ =	sdelay $0x3  }
0x1f0: {  	[tilespmem:s30+$0x18F10] =	vst v4  }
0x1f1: {  	v4 =	vld.idx.msk [tilespmem:v5+s3+$0x0], $0xffff;
	vm0 =	vgt.s32 v6, $0x0  }
0x1f2: {  	v5 =	vnsel vm0, $0x0, v6  }
0x1f3: {  	v5 =	vmin.u32 v5, $0x1869F;
	v6 =	vld [tilespmem:s30+$0x18740];
	_ =	sdelay $0x3  }
0x1f4: {  	[tilespmem:s30+$0x18F20] =	vst v4  }
0x1f5: {  	v4 =	vld.idx.msk [tilespmem:v5+s3+$0x0], $0xffff;
	vm0 =	vgt.s32 v6, $0x0  }
0x1f6: {  	v5 =	vnsel vm0, $0x0, v6  }
0x1f7: {  	v5 =	vmin.u32 v5, $0x1869F;
	v6 =	vld [tilespmem:s30+$0x18750];
	_ =	sdelay $0x3  }
0x1f8: {  	[tilespmem:s30+$0x18F30] =	vst v4  }
0x1f9: {  	v4 =	vld.idx.msk [tilespmem:v5+s3+$0x0], $0xffff;
	vm0 =	vgt.s32 v6, $0x0  }
0x1fa: {  	v5 =	vnsel vm0, $0x0, v6  }
0x1fb: {  	v5 =	vmin.u32 v5, $0x1869F;
	v6 =	vld [tilespmem:s30+$0x18760];
	_ =	sdelay $0x3  }
0x1fc: {  	[tilespmem:s30+$0x18F40] =	vst v4  }
0x1fd: {  	v4 =	vld.idx.msk [tilespmem:v5+s3+$0x0], $0xffff;
	vm0 =	vgt.s32 v6, $0x0  }
0x1fe: {  	v5 =	vnsel vm0, $0x0, v6  }
0x1ff: {  	v5 =	vmin.u32 v5, $0x1869F;
	v6 =	vld [tilespmem:s30+$0x18770];
	_ =	sdelay $0x1  }
.Ltmp7:
0x200: {  	(pc) =	sbr.rel @p3 .LBB2_12-.Ltmp7, $4  }
0x201: {  	_ = 	snop  }
0x202: {  	[tilespmem:s30+$0x18F50] =	vst v4  }
0x203: {  	v4 =	vld.idx.msk [tilespmem:v5+s3+$0x0], $0xffff;
	vm0 =	vgt.s32 v6, $0x0  }
0x204: {  	s0 =	sshra.s32 s31, $0x2;
	s31 =	sadd.s32 $0x200, s31;
	v5 =	vnsel vm0, $0x0, v6  }
0x205: {  	v6 =	vld [tilespmem:s0+$0x18700];
	v5 =	vmin.u32 v5, $0x1869F;
	_ =	sdelay $0x3  }
0x206: {  	[tilespmem:s30+$0x18F60] =	vst v4  }
0x207: {  	vm0 =	vgt.s32 v6, $0x0;
	v4 =	vld.idx.msk [tilespmem:v5+s3+$0x0], $0xffff  }
0x208: {  	v5 =	vnsel vm0, $0x0, v6;
	v6 =	vld [tilespmem:s0+$0x18710]  }
0x209: {  	v5 =	vmin.u32 v5, $0x1869F;
	_ =	sdelay $0x3  }
0x20a: {  	[tilespmem:s30+$0x18F70] =	vst v4;
	vm13 =	vgt.s32 v6, $0x0  }
0x20b: {  	v4 =	vld.idx.msk [tilespmem:v5+s3+$0x0], $0xffff;
	v5 =	vnsel vm13, $0x0, v6  }
0x20c: {  	v6 =	vld [tilespmem:s0+$0x18720];
	v5 =	vmin.u32 v5, $0x1869F;
	_ =	sdelay $0x3  }
0x20d: {  	[tilespmem:s0+$0x18F00] =	vst v4  }
0x20e: {  	vm14 =	vgt.s32 v6, $0x0;
	v4 =	vld.idx.msk [tilespmem:v5+s3+$0x0], $0xffff  }
0x20f: {  	v5 =	vnsel vm14, $0x0, v6;
	v6 =	vld [tilespmem:s0+$0x18730]  }
0x210: {  	v5 =	vmin.u32 v5, $0x1869F;
	_ =	sdelay $0x3  }
0x211: {  	[tilespmem:s0+$0x18F10] =	vst v4;
	vm15 =	vgt.s32 v6, $0x0  }
0x212: {  	v4 =	vld.idx.msk [tilespmem:v5+s3+$0x0], $0xffff;
	v5 =	vnsel vm15, $0x0, v6  }
0x213: {  	v6 =	vld [tilespmem:s0+$0x18740];
	v5 =	vmin.u32 v5, $0x1869F;
	_ =	sdelay $0x3  }
0x214: {  	[tilespmem:s0+$0x18F20] =	vst v4  }
0x215: {  	vm4 =	vgt.s32 v6, $0x0;
	v4 =	vld.idx.msk [tilespmem:v5+s3+$0x0], $0xffff  }
0x216: {  	v5 =	vnsel vm4, $0x0, v6;
	v6 =	vld [tilespmem:s0+$0x18750]  }
0x217: {  	v5 =	vmin.u32 v5, $0x1869F;
	_ =	sdelay $0x3  }
0x218: {  	[tilespmem:s0+$0x18F30] =	vst v4;
	vm5 =	vgt.s32 v6, $0x0  }
0x219: {  	v4 =	vld.idx.msk [tilespmem:v5+s3+$0x0], $0xffff;
	v5 =	vnsel vm5, $0x0, v6  }
0x21a: {  	v6 =	vld [tilespmem:s0+$0x18760];
	v5 =	vmin.u32 v5, $0x1869F;
	_ =	sdelay $0x3  }
0x21b: {  	[tilespmem:s0+$0x18F40] =	vst v4  }
0x21c: {  	vm6 =	vgt.s32 v6, $0x0;
	v4 =	vld.idx.msk [tilespmem:v5+s3+$0x0], $0xffff  }
0x21d: {  	v5 =	vnsel vm6, $0x0, v6;
	v6 =	vld [tilespmem:s0+$0x18770]  }
0x21e: {  	v5 =	vmin.u32 v5, $0x1869F;
	_ =	sdelay $0x3  }
0x21f: {  	[tilespmem:s0+$0x18F50] =	vst v4;
	vm7 =	vgt.s32 v6, $0x0  }
0x220: {  	v4 =	vld.idx.msk [tilespmem:v5+s3+$0x0], $0xffff;
	v5 =	vnsel vm7, $0x0, v6  }
0x221: {  	v5 =	vmin.u32 v5, $0x1869F;
	_ =	sdelay $0x3  }
0x222: {  	[tilespmem:s0+$0x18F60] =	vst v4  }
0x223: {  	v4 =	vld.idx.msk [tilespmem:v5+s3+$0x0], $0xffff;
	_ =	sdelay $0x4  }
0x224: {  	[tilespmem:s0+$0x18F70] =	vst v4  }
0x225: {  	[spmem:s2] =	stream.indirect.scatter.add.f32 [tilespmem:s23], [sflag:$0x2], $0x80, s22, s21, $0xb8;
	[tilespmem:$0x19B00] =	vst v63  }
0x226: {  	_ =	swait.ge [sflag:s20], $0x800  }
0x227: {  	[sflag:s20] =	ssyncset.done $0x0  }
0x228: {  	s0 =	simm.s32 $0x0;
	[sflag:s20] =	ssyncadd.s32 $0xFFFFF800  }
0x229: {  	[tilespmem:s19], [sflag:$0x2] =	stream.linear.gather [hbm4b:s12+s0], $0x800, $0x38;
	[tilespmem:$0x19B00] =	vst v63  }
0x22a: {  	_ =	swait.ge [sflag:s20], $0x800  }
0x22b: {  	[sflag:s20] =	ssyncset.done $0x0  }
0x22c: {  	s30 =	simm.s32 $0x0;
	[sflag:s20] =	ssyncadd.s32 $0xFFFFF800  }
0x22d: {  	v4 =	vld [tilespmem:s30+$0x18700];
	_ =	sdelay $0x4  }
0x22e: {  	vm8 =	vgt.s32 v4, $0x0  }
0x22f: {  	v5 =	vld [tilespmem:s30+$0x18710];
	v4 =	vnsel vm8, $0x0, v4  }
0x230: {  	v4 =	vmin.u32 v4, $0x1869F;
	_ =	sdelay $0x3  }
0x231: {  	vm9 =	vgt.s32 v5, $0x0  }
0x232: {  	v5 =	vnsel vm9, $0x0, v5;
	v4 =	vld.idx.msk [tilespmem:v4+s3+$0x0], $0xffff  }
0x233: {  	v6 =	vld [tilespmem:s30+$0x18720];
	v5 =	vmin.u32 v5, $0x1869F;
	_ =	sdelay $0x3  }
0x234: {  	[tilespmem:s30+$0x18F00] =	vst v4  }
0x235: {  	vm10 =	vgt.s32 v6, $0x0;
	v4 =	vld.idx.msk [tilespmem:v5+s3+$0x0], $0xffff  }
0x236: {  	v5 =	vnsel vm10, $0x0, v6;
	v6 =	vld [tilespmem:s30+$0x18730]  }
0x237: {  	v5 =	vmin.u32 v5, $0x1869F;
	_ =	sdelay $0x3  }
0x238: {  	[tilespmem:s30+$0x18F10] =	vst v4;
	vm11 =	vgt.s32 v6, $0x0  }
0x239: {  	v4 =	vld.idx.msk [tilespmem:v5+s3+$0x0], $0xffff;
	v5 =	vnsel vm11, $0x0, v6  }
0x23a: {  	v6 =	vld [tilespmem:s30+$0x18740];
	v5 =	vmin.u32 v5, $0x1869F;
	_ =	sdelay $0x3  }
0x23b: {  	[tilespmem:s30+$0x18F20] =	vst v4  }
0x23c: {  	vm12 =	vgt.s32 v6, $0x0;
	v4 =	vld.idx.msk [tilespmem:v5+s3+$0x0], $0xffff  }
0x23d: {  	v5 =	vnsel vm12, $0x0, v6;
	v6 =	vld [tilespmem:s30+$0x18750]  }
0x23e: {  	v5 =	vmin.u32 v5, $0x1869F;
	_ =	sdelay $0x3  }
0x23f: {  	[tilespmem:s30+$0x18F30] =	vst v4;
	vm13 =	vgt.s32 v6, $0x0  }
0x240: {  	v4 =	vld.idx.msk [tilespmem:v5+s3+$0x0], $0xffff;
	v5 =	vnsel vm13, $0x0, v6  }
0x241: {  	v6 =	vld [tilespmem:s30+$0x18760];
	v5 =	vmin.u32 v5, $0x1869F;
	_ =	sdelay $0x3  }
0x242: {  	[tilespmem:s30+$0x18F40] =	vst v4  }
0x243: {  	vm14 =	vgt.s32 v6, $0x0;
	v4 =	vld.idx.msk [tilespmem:v5+s3+$0x0], $0xffff  }
0x244: {  	v5 =	vnsel vm14, $0x0, v6;
	v6 =	vld [tilespmem:s30+$0x18770]  }
0x245: {  	v5 =	vmin.u32 v5, $0x1869F;
	_ =	sdelay $0x3  }
0x246: {  	[tilespmem:s30+$0x18F50] =	vst v4;
	vm15 =	vgt.s32 v6, $0x0  }
0x247: {  	s31 =	simm.s32 $0x400;
	s0 =	simm.s32 $0x80;
	v4 =	vld.idx.msk [tilespmem:v5+s3+$0x0], $0xffff;
	v5 =	vnsel vm15, $0x0, v6  }
.LBB2_14:
0x248: {  	p3 =	sne.s32 s31, $0x1E00;
	v6 =	vld [tilespmem:s0+$0x18700];
	v5 =	vmin.u32 v5, $0x1869F;
	_ =	sdelay $0x3  }
0x249: {  	[tilespmem:s30+$0x18F60] =	vst v4  }
0x24a: {  	vm0 =	vgt.s32 v6, $0x0;
	v4 =	vld.idx.msk [tilespmem:v5+s3+$0x0], $0xffff  }
0x24b: {  	v5 =	vnsel vm0, $0x0, v6  }
0x24c: {  	v5 =	vmin.u32 v5, $0x1869F;
	v6 =	vld [tilespmem:s0+$0x18710];
	_ =	sdelay $0x3  }
0x24d: {  	[tilespmem:s30+$0x18F70] =	vst v4;
	s30 =	smov.u32 s0  }
0x24e: {  	v4 =	vld.idx.msk [tilespmem:v5+s3+$0x0], $0xffff;
	vm0 =	vgt.s32 v6, $0x0  }
0x24f: {  	v5 =	vnsel vm0, $0x0, v6  }
0x250: {  	v5 =	vmin.u32 v5, $0x1869F;
	v6 =	vld [tilespmem:s30+$0x18720];
	_ =	sdelay $0x3  }
0x251: {  	[tilespmem:s30+$0x18F00] =	vst v4  }
0x252: {  	v4 =	vld.idx.msk [tilespmem:v5+s3+$0x0], $0xffff;
	vm0 =	vgt.s32 v6, $0x0  }
0x253: {  	v5 =	vnsel vm0, $0x0, v6  }
0x254: {  	v5 =	vmin.u32 v5, $0x1869F;
	v6 =	vld [tilespmem:s30+$0x18730];
	_ =	sdelay $0x3  }
0x255: {  	[tilespmem:s30+$0x18F10] =	vst v4  }
0x256: {  	v4 =	vld.idx.msk [tilespmem:v5+s3+$0x0], $0xffff;
	vm0 =	vgt.s32 v6, $0x0  }
0x257: {  	v5 =	vnsel vm0, $0x0, v6  }
0x258: {  	v5 =	vmin.u32 v5, $0x1869F;
	v6 =	vld [tilespmem:s30+$0x18740];
	_ =	sdelay $0x3  }
0x259: {  	[tilespmem:s30+$0x18F20] =	vst v4  }
0x25a: {  	v4 =	vld.idx.msk [tilespmem:v5+s3+$0x0], $0xffff;
	vm0 =	vgt.s32 v6, $0x0  }
0x25b: {  	v5 =	vnsel vm0, $0x0, v6  }
0x25c: {  	v5 =	vmin.u32 v5, $0x1869F;
	v6 =	vld [tilespmem:s30+$0x18750];
	_ =	sdelay $0x3  }
0x25d: {  	[tilespmem:s30+$0x18F30] =	vst v4  }
0x25e: {  	v4 =	vld.idx.msk [tilespmem:v5+s3+$0x0], $0xffff;
	vm0 =	vgt.s32 v6, $0x0  }
0x25f: {  	v5 =	vnsel vm0, $0x0, v6  }
0x260: {  	v5 =	vmin.u32 v5, $0x1869F;
	v6 =	vld [tilespmem:s30+$0x18760];
	_ =	sdelay $0x3  }
0x261: {  	[tilespmem:s30+$0x18F40] =	vst v4  }
0x262: {  	v4 =	vld.idx.msk [tilespmem:v5+s3+$0x0], $0xffff;
	vm0 =	vgt.s32 v6, $0x0  }
0x263: {  	v5 =	vnsel vm0, $0x0, v6  }
0x264: {  	v5 =	vmin.u32 v5, $0x1869F;
	v6 =	vld [tilespmem:s30+$0x18770];
	_ =	sdelay $0x1  }
.Ltmp8:
0x265: {  	(pc) =	sbr.rel @p3 .LBB2_14-.Ltmp8, $4  }
0x266: {  	_ = 	snop  }
0x267: {  	[tilespmem:s30+$0x18F50] =	vst v4  }
0x268: {  	v4 =	vld.idx.msk [tilespmem:v5+s3+$0x0], $0xffff;
	vm0 =	vgt.s32 v6, $0x0  }
0x269: {  	s0 =	sshra.s32 s31, $0x2;
	s31 =	sadd.s32 $0x200, s31;
	v5 =	vnsel vm0, $0x0, v6  }
0x26a: {  	v6 =	vld [tilespmem:s0+$0x18700];
	v5 =	vmin.u32 v5, $0x1869F;
	_ =	sdelay $0x3  }
0x26b: {  	[tilespmem:s30+$0x18F60] =	vst v4  }
0x26c: {  	vm0 =	vgt.s32 v6, $0x0;
	v4 =	vld.idx.msk [tilespmem:v5+s3+$0x0], $0xffff  }
0x26d: {  	v5 =	vnsel vm0, $0x0, v6;
	v6 =	vld [tilespmem:s0+$0x18710]  }
0x26e: {  	v5 =	vmin.u32 v5, $0x1869F;
	_ =	sdelay $0x3  }
0x26f: {  	[tilespmem:s30+$0x18F70] =	vst v4;
	vm13 =	vgt.s32 v6, $0x0  }
0x270: {  	v4 =	vld.idx.msk [tilespmem:v5+s3+$0x0], $0xffff;
	v5 =	vnsel vm13, $0x0, v6  }
0x271: {  	v6 =	vld [tilespmem:s0+$0x18720];
	v5 =	vmin.u32 v5, $0x1869F;
	_ =	sdelay $0x3  }
0x272: {  	[tilespmem:s0+$0x18F00] =	vst v4  }
0x273: {  	vm14 =	vgt.s32 v6, $0x0;
	v4 =	vld.idx.msk [tilespmem:v5+s3+$0x0], $0xffff  }
0x274: {  	v5 =	vnsel vm14, $0x0, v6;
	v6 =	vld [tilespmem:s0+$0x18730]  }
0x275: {  	v5 =	vmin.u32 v5, $0x1869F;
	_ =	sdelay $0x3  }
0x276: {  	[tilespmem:s0+$0x18F10] =	vst v4;
	vm15 =	vgt.s32 v6, $0x0  }
0x277: {  	v4 =	vld.idx.msk [tilespmem:v5+s3+$0x0], $0xffff;
	v5 =	vnsel vm15, $0x0, v6  }
0x278: {  	v6 =	vld [tilespmem:s0+$0x18740];
	v5 =	vmin.u32 v5, $0x1869F;
	_ =	sdelay $0x3  }
0x279: {  	[tilespmem:s0+$0x18F20] =	vst v4  }
0x27a: {  	vm4 =	vgt.s32 v6, $0x0;
	v4 =	vld.idx.msk [tilespmem:v5+s3+$0x0], $0xffff  }
0x27b: {  	v5 =	vnsel vm4, $0x0, v6;
	v6 =	vld [tilespmem:s0+$0x18750]  }
0x27c: {  	v5 =	vmin.u32 v5, $0x1869F;
	_ =	sdelay $0x3  }
0x27d: {  	[tilespmem:s0+$0x18F30] =	vst v4;
	vm5 =	vgt.s32 v6, $0x0  }
0x27e: {  	v4 =	vld.idx.msk [tilespmem:v5+s3+$0x0], $0xffff;
	v5 =	vnsel vm5, $0x0, v6  }
0x27f: {  	v6 =	vld [tilespmem:s0+$0x18760];
	v5 =	vmin.u32 v5, $0x1869F;
	_ =	sdelay $0x3  }
0x280: {  	[tilespmem:s0+$0x18F40] =	vst v4  }
0x281: {  	vm6 =	vgt.s32 v6, $0x0;
	v4 =	vld.idx.msk [tilespmem:v5+s3+$0x0], $0xffff  }
0x282: {  	v5 =	vnsel vm6, $0x0, v6;
	v6 =	vld [tilespmem:s0+$0x18770]  }
0x283: {  	v5 =	vmin.u32 v5, $0x1869F;
	_ =	sdelay $0x3  }
0x284: {  	[tilespmem:s0+$0x18F50] =	vst v4;
	vm7 =	vgt.s32 v6, $0x0  }
0x285: {  	v4 =	vld.idx.msk [tilespmem:v5+s3+$0x0], $0xffff;
	v5 =	vnsel vm7, $0x0, v6  }
0x286: {  	v5 =	vmin.u32 v5, $0x1869F;
	_ =	sdelay $0x3  }
0x287: {  	[tilespmem:s0+$0x18F60] =	vst v4  }
0x288: {  	v4 =	vld.idx.msk [tilespmem:v5+s3+$0x0], $0xffff;
	_ =	sdelay $0x4  }
0x289: {  	[tilespmem:s0+$0x18F70] =	vst v4  }
0x28a: {  	[spmem:s2] =	stream.indirect.scatter.add.f32 [tilespmem:s23], [sflag:$0x2], $0x80, s24, s21, $0xb8;
	[tilespmem:$0x19B00] =	vst v63  }
0x28b: {  	_ =	swait.ge [sflag:s20], $0x800  }
0x28c: {  	[sflag:s20] =	ssyncset.done $0x0  }
0x28d: {  	s0 =	simm.s32 $0x0;
	[sflag:s20] =	ssyncadd.s32 $0xFFFFF800  }
0x28e: {  	[tilespmem:s19], [sflag:$0x2] =	stream.linear.gather [hbm4b:s13+s0], $0x800, $0x38;
	[tilespmem:$0x19B00] =	vst v63  }
0x28f: {  	_ =	swait.ge [sflag:s20], $0x800  }
0x290: {  	[sflag:s20] =	ssyncset.done $0x0  }
0x291: {  	s30 =	simm.s32 $0x0;
	[sflag:s20] =	ssyncadd.s32 $0xFFFFF800  }
0x292: {  	v4 =	vld [tilespmem:s30+$0x18700];
	_ =	sdelay $0x4  }
0x293: {  	vm8 =	vgt.s32 v4, $0x0  }
0x294: {  	v5 =	vld [tilespmem:s30+$0x18710];
	v4 =	vnsel vm8, $0x0, v4  }
0x295: {  	v4 =	vmin.u32 v4, $0x1869F;
	_ =	sdelay $0x3  }
0x296: {  	vm9 =	vgt.s32 v5, $0x0  }
0x297: {  	v5 =	vnsel vm9, $0x0, v5;
	v4 =	vld.idx.msk [tilespmem:v4+s3+$0x0], $0xffff  }
0x298: {  	v6 =	vld [tilespmem:s30+$0x18720];
	v5 =	vmin.u32 v5, $0x1869F;
	_ =	sdelay $0x3  }
0x299: {  	[tilespmem:s30+$0x18F00] =	vst v4  }
0x29a: {  	vm10 =	vgt.s32 v6, $0x0;
	v4 =	vld.idx.msk [tilespmem:v5+s3+$0x0], $0xffff  }
0x29b: {  	v5 =	vnsel vm10, $0x0, v6;
	v6 =	vld [tilespmem:s30+$0x18730]  }
0x29c: {  	v5 =	vmin.u32 v5, $0x1869F;
	_ =	sdelay $0x3  }
0x29d: {  	[tilespmem:s30+$0x18F10] =	vst v4;
	vm11 =	vgt.s32 v6, $0x0  }
0x29e: {  	v4 =	vld.idx.msk [tilespmem:v5+s3+$0x0], $0xffff;
	v5 =	vnsel vm11, $0x0, v6  }
0x29f: {  	v6 =	vld [tilespmem:s30+$0x18740];
	v5 =	vmin.u32 v5, $0x1869F;
	_ =	sdelay $0x3  }
0x2a0: {  	[tilespmem:s30+$0x18F20] =	vst v4  }
0x2a1: {  	vm12 =	vgt.s32 v6, $0x0;
	v4 =	vld.idx.msk [tilespmem:v5+s3+$0x0], $0xffff  }
0x2a2: {  	v5 =	vnsel vm12, $0x0, v6;
	v6 =	vld [tilespmem:s30+$0x18750]  }
0x2a3: {  	v5 =	vmin.u32 v5, $0x1869F;
	_ =	sdelay $0x3  }
0x2a4: {  	[tilespmem:s30+$0x18F30] =	vst v4;
	vm13 =	vgt.s32 v6, $0x0  }
0x2a5: {  	v4 =	vld.idx.msk [tilespmem:v5+s3+$0x0], $0xffff;
	v5 =	vnsel vm13, $0x0, v6  }
0x2a6: {  	v6 =	vld [tilespmem:s30+$0x18760];
	v5 =	vmin.u32 v5, $0x1869F;
	_ =	sdelay $0x3  }
0x2a7: {  	[tilespmem:s30+$0x18F40] =	vst v4  }
0x2a8: {  	vm14 =	vgt.s32 v6, $0x0;
	v4 =	vld.idx.msk [tilespmem:v5+s3+$0x0], $0xffff  }
0x2a9: {  	v5 =	vnsel vm14, $0x0, v6;
	v6 =	vld [tilespmem:s30+$0x18770]  }
0x2aa: {  	v5 =	vmin.u32 v5, $0x1869F;
	_ =	sdelay $0x3  }
0x2ab: {  	[tilespmem:s30+$0x18F50] =	vst v4;
	vm15 =	vgt.s32 v6, $0x0  }
0x2ac: {  	s31 =	simm.s32 $0x400;
	s0 =	simm.s32 $0x80;
	v4 =	vld.idx.msk [tilespmem:v5+s3+$0x0], $0xffff;
	v5 =	vnsel vm15, $0x0, v6  }
.LBB2_16:
0x2ad: {  	p3 =	sne.s32 s31, $0x1E00;
	v6 =	vld [tilespmem:s0+$0x18700];
	v5 =	vmin.u32 v5, $0x1869F;
	_ =	sdelay $0x3  }
0x2ae: {  	[tilespmem:s30+$0x18F60] =	vst v4  }
0x2af: {  	vm0 =	vgt.s32 v6, $0x0;
	v4 =	vld.idx.msk [tilespmem:v5+s3+$0x0], $0xffff  }
0x2b0: {  	v5 =	vnsel vm0, $0x0, v6  }
0x2b1: {  	v5 =	vmin.u32 v5, $0x1869F;
	v6 =	vld [tilespmem:s0+$0x18710];
	_ =	sdelay $0x3  }
0x2b2: {  	[tilespmem:s30+$0x18F70] =	vst v4;
	s30 =	smov.u32 s0  }
0x2b3: {  	v4 =	vld.idx.msk [tilespmem:v5+s3+$0x0], $0xffff;
	vm0 =	vgt.s32 v6, $0x0  }
0x2b4: {  	v5 =	vnsel vm0, $0x0, v6  }
0x2b5: {  	v5 =	vmin.u32 v5, $0x1869F;
	v6 =	vld [tilespmem:s30+$0x18720];
	_ =	sdelay $0x3  }
0x2b6: {  	[tilespmem:s30+$0x18F00] =	vst v4  }
0x2b7: {  	v4 =	vld.idx.msk [tilespmem:v5+s3+$0x0], $0xffff;
	vm0 =	vgt.s32 v6, $0x0  }
0x2b8: {  	v5 =	vnsel vm0, $0x0, v6  }
0x2b9: {  	v5 =	vmin.u32 v5, $0x1869F;
	v6 =	vld [tilespmem:s30+$0x18730];
	_ =	sdelay $0x3  }
0x2ba: {  	[tilespmem:s30+$0x18F10] =	vst v4  }
0x2bb: {  	v4 =	vld.idx.msk [tilespmem:v5+s3+$0x0], $0xffff;
	vm0 =	vgt.s32 v6, $0x0  }
0x2bc: {  	v5 =	vnsel vm0, $0x0, v6  }
0x2bd: {  	v5 =	vmin.u32 v5, $0x1869F;
	v6 =	vld [tilespmem:s30+$0x18740];
	_ =	sdelay $0x3  }
0x2be: {  	[tilespmem:s30+$0x18F20] =	vst v4  }
0x2bf: {  	v4 =	vld.idx.msk [tilespmem:v5+s3+$0x0], $0xffff;
	vm0 =	vgt.s32 v6, $0x0  }
0x2c0: {  	v5 =	vnsel vm0, $0x0, v6  }
0x2c1: {  	v5 =	vmin.u32 v5, $0x1869F;
	v6 =	vld [tilespmem:s30+$0x18750];
	_ =	sdelay $0x3  }
0x2c2: {  	[tilespmem:s30+$0x18F30] =	vst v4  }
0x2c3: {  	v4 =	vld.idx.msk [tilespmem:v5+s3+$0x0], $0xffff;
	vm0 =	vgt.s32 v6, $0x0  }
0x2c4: {  	v5 =	vnsel vm0, $0x0, v6  }
0x2c5: {  	v5 =	vmin.u32 v5, $0x1869F;
	v6 =	vld [tilespmem:s30+$0x18760];
	_ =	sdelay $0x3  }
0x2c6: {  	[tilespmem:s30+$0x18F40] =	vst v4  }
0x2c7: {  	v4 =	vld.idx.msk [tilespmem:v5+s3+$0x0], $0xffff;
	vm0 =	vgt.s32 v6, $0x0  }
0x2c8: {  	v5 =	vnsel vm0, $0x0, v6  }
0x2c9: {  	v5 =	vmin.u32 v5, $0x1869F;
	v6 =	vld [tilespmem:s30+$0x18770];
	_ =	sdelay $0x1  }
.Ltmp9:
0x2ca: {  	(pc) =	sbr.rel @p3 .LBB2_16-.Ltmp9, $4  }
0x2cb: {  	_ = 	snop  }
0x2cc: {  	[tilespmem:s30+$0x18F50] =	vst v4  }
0x2cd: {  	v4 =	vld.idx.msk [tilespmem:v5+s3+$0x0], $0xffff;
	vm0 =	vgt.s32 v6, $0x0  }
0x2ce: {  	s0 =	sshra.s32 s31, $0x2;
	s31 =	sadd.s32 $0x200, s31;
	v5 =	vnsel vm0, $0x0, v6  }
0x2cf: {  	v6 =	vld [tilespmem:s0+$0x18700];
	v5 =	vmin.u32 v5, $0x1869F;
	_ =	sdelay $0x3  }
0x2d0: {  	[tilespmem:s30+$0x18F60] =	vst v4  }
0x2d1: {  	vm0 =	vgt.s32 v6, $0x0;
	v4 =	vld.idx.msk [tilespmem:v5+s3+$0x0], $0xffff  }
0x2d2: {  	v5 =	vnsel vm0, $0x0, v6;
	v6 =	vld [tilespmem:s0+$0x18710]  }
0x2d3: {  	v5 =	vmin.u32 v5, $0x1869F;
	_ =	sdelay $0x3  }
0x2d4: {  	[tilespmem:s30+$0x18F70] =	vst v4;
	vm13 =	vgt.s32 v6, $0x0  }
0x2d5: {  	v4 =	vld.idx.msk [tilespmem:v5+s3+$0x0], $0xffff;
	v5 =	vnsel vm13, $0x0, v6  }
0x2d6: {  	v6 =	vld [tilespmem:s0+$0x18720];
	v5 =	vmin.u32 v5, $0x1869F;
	_ =	sdelay $0x3  }
0x2d7: {  	[tilespmem:s0+$0x18F00] =	vst v4  }
0x2d8: {  	vm14 =	vgt.s32 v6, $0x0;
	v4 =	vld.idx.msk [tilespmem:v5+s3+$0x0], $0xffff  }
0x2d9: {  	v5 =	vnsel vm14, $0x0, v6;
	v6 =	vld [tilespmem:s0+$0x18730]  }
0x2da: {  	v5 =	vmin.u32 v5, $0x1869F;
	_ =	sdelay $0x3  }
0x2db: {  	[tilespmem:s0+$0x18F10] =	vst v4;
	vm15 =	vgt.s32 v6, $0x0  }
0x2dc: {  	v4 =	vld.idx.msk [tilespmem:v5+s3+$0x0], $0xffff;
	v5 =	vnsel vm15, $0x0, v6  }
0x2dd: {  	v6 =	vld [tilespmem:s0+$0x18740];
	v5 =	vmin.u32 v5, $0x1869F;
	_ =	sdelay $0x3  }
0x2de: {  	[tilespmem:s0+$0x18F20] =	vst v4  }
0x2df: {  	vm4 =	vgt.s32 v6, $0x0;
	v4 =	vld.idx.msk [tilespmem:v5+s3+$0x0], $0xffff  }
0x2e0: {  	v5 =	vnsel vm4, $0x0, v6;
	v6 =	vld [tilespmem:s0+$0x18750]  }
0x2e1: {  	v5 =	vmin.u32 v5, $0x1869F;
	_ =	sdelay $0x3  }
0x2e2: {  	[tilespmem:s0+$0x18F30] =	vst v4;
	vm5 =	vgt.s32 v6, $0x0  }
0x2e3: {  	v4 =	vld.idx.msk [tilespmem:v5+s3+$0x0], $0xffff;
	v5 =	vnsel vm5, $0x0, v6  }
0x2e4: {  	v6 =	vld [tilespmem:s0+$0x18760];
	v5 =	vmin.u32 v5, $0x1869F;
	_ =	sdelay $0x3  }
0x2e5: {  	[tilespmem:s0+$0x18F40] =	vst v4  }
0x2e6: {  	vm6 =	vgt.s32 v6, $0x0;
	v4 =	vld.idx.msk [tilespmem:v5+s3+$0x0], $0xffff  }
0x2e7: {  	v5 =	vnsel vm6, $0x0, v6;
	v6 =	vld [tilespmem:s0+$0x18770]  }
0x2e8: {  	v5 =	vmin.u32 v5, $0x1869F;
	_ =	sdelay $0x3  }
0x2e9: {  	[tilespmem:s0+$0x18F50] =	vst v4;
	vm7 =	vgt.s32 v6, $0x0  }
0x2ea: {  	v4 =	vld.idx.msk [tilespmem:v5+s3+$0x0], $0xffff;
	v5 =	vnsel vm7, $0x0, v6  }
0x2eb: {  	v5 =	vmin.u32 v5, $0x1869F;
	_ =	sdelay $0x3  }
0x2ec: {  	[tilespmem:s0+$0x18F60] =	vst v4  }
0x2ed: {  	v4 =	vld.idx.msk [tilespmem:v5+s3+$0x0], $0xffff;
	_ =	sdelay $0x4  }
0x2ee: {  	[tilespmem:s0+$0x18F70] =	vst v4  }
0x2ef: {  	[spmem:s2] =	stream.indirect.scatter.add.f32 [tilespmem:s23], [sflag:$0x2], $0x80, s26, s21, $0xb8;
	[tilespmem:$0x19B00] =	vst v63  }
0x2f0: {  	_ =	swait.ge [sflag:s20], $0x800  }
0x2f1: {  	[sflag:s20] =	ssyncset.done $0x0  }
0x2f2: {  	s0 =	simm.s32 $0x0;
	[sflag:s20] =	ssyncadd.s32 $0xFFFFF800  }
0x2f3: {  	[tilespmem:s19], [sflag:$0x2] =	stream.linear.gather [hbm4b:s14+s0], $0x800, $0x38;
	[tilespmem:$0x19B00] =	vst v63  }
0x2f4: {  	_ =	swait.ge [sflag:s20], $0x800  }
0x2f5: {  	[sflag:s20] =	ssyncset.done $0x0  }
0x2f6: {  	s30 =	simm.s32 $0x0;
	[sflag:s20] =	ssyncadd.s32 $0xFFFFF800  }
0x2f7: {  	v4 =	vld [tilespmem:s30+$0x18700];
	_ =	sdelay $0x4  }
0x2f8: {  	vm8 =	vgt.s32 v4, $0x0  }
0x2f9: {  	v5 =	vld [tilespmem:s30+$0x18710];
	v4 =	vnsel vm8, $0x0, v4  }
0x2fa: {  	v4 =	vmin.u32 v4, $0x1869F;
	_ =	sdelay $0x3  }
0x2fb: {  	vm9 =	vgt.s32 v5, $0x0  }
0x2fc: {  	v5 =	vnsel vm9, $0x0, v5;
	v4 =	vld.idx.msk [tilespmem:v4+s3+$0x0], $0xffff  }
0x2fd: {  	v6 =	vld [tilespmem:s30+$0x18720];
	v5 =	vmin.u32 v5, $0x1869F;
	_ =	sdelay $0x3  }
0x2fe: {  	[tilespmem:s30+$0x18F00] =	vst v4  }
0x2ff: {  	vm10 =	vgt.s32 v6, $0x0;
	v4 =	vld.idx.msk [tilespmem:v5+s3+$0x0], $0xffff  }
0x300: {  	v5 =	vnsel vm10, $0x0, v6;
	v6 =	vld [tilespmem:s30+$0x18730]  }
0x301: {  	v5 =	vmin.u32 v5, $0x1869F;
	_ =	sdelay $0x3  }
0x302: {  	[tilespmem:s30+$0x18F10] =	vst v4;
	vm11 =	vgt.s32 v6, $0x0  }
0x303: {  	v4 =	vld.idx.msk [tilespmem:v5+s3+$0x0], $0xffff;
	v5 =	vnsel vm11, $0x0, v6  }
0x304: {  	v6 =	vld [tilespmem:s30+$0x18740];
	v5 =	vmin.u32 v5, $0x1869F;
	_ =	sdelay $0x3  }
0x305: {  	[tilespmem:s30+$0x18F20] =	vst v4  }
0x306: {  	vm12 =	vgt.s32 v6, $0x0;
	v4 =	vld.idx.msk [tilespmem:v5+s3+$0x0], $0xffff  }
0x307: {  	v5 =	vnsel vm12, $0x0, v6;
	v6 =	vld [tilespmem:s30+$0x18750]  }
0x308: {  	v5 =	vmin.u32 v5, $0x1869F;
	_ =	sdelay $0x3  }
0x309: {  	[tilespmem:s30+$0x18F30] =	vst v4;
	vm13 =	vgt.s32 v6, $0x0  }
0x30a: {  	v4 =	vld.idx.msk [tilespmem:v5+s3+$0x0], $0xffff;
	v5 =	vnsel vm13, $0x0, v6  }
0x30b: {  	v6 =	vld [tilespmem:s30+$0x18760];
	v5 =	vmin.u32 v5, $0x1869F;
	_ =	sdelay $0x3  }
0x30c: {  	[tilespmem:s30+$0x18F40] =	vst v4  }
0x30d: {  	vm14 =	vgt.s32 v6, $0x0;
	v4 =	vld.idx.msk [tilespmem:v5+s3+$0x0], $0xffff  }
0x30e: {  	v5 =	vnsel vm14, $0x0, v6;
	v6 =	vld [tilespmem:s30+$0x18770]  }
0x30f: {  	v5 =	vmin.u32 v5, $0x1869F;
	_ =	sdelay $0x3  }
0x310: {  	[tilespmem:s30+$0x18F50] =	vst v4;
	vm15 =	vgt.s32 v6, $0x0  }
0x311: {  	s31 =	simm.s32 $0x400;
	s0 =	simm.s32 $0x80;
	v4 =	vld.idx.msk [tilespmem:v5+s3+$0x0], $0xffff;
	v5 =	vnsel vm15, $0x0, v6  }
.LBB2_18:
0x312: {  	p3 =	sne.s32 s31, $0x1E00;
	v6 =	vld [tilespmem:s0+$0x18700];
	v5 =	vmin.u32 v5, $0x1869F;
	_ =	sdelay $0x3  }
0x313: {  	[tilespmem:s30+$0x18F60] =	vst v4  }
0x314: {  	vm0 =	vgt.s32 v6, $0x0;
	v4 =	vld.idx.msk [tilespmem:v5+s3+$0x0], $0xffff  }
0x315: {  	v5 =	vnsel vm0, $0x0, v6  }
0x316: {  	v5 =	vmin.u32 v5, $0x1869F;
	v6 =	vld [tilespmem:s0+$0x18710];
	_ =	sdelay $0x3  }
0x317: {  	[tilespmem:s30+$0x18F70] =	vst v4;
	s30 =	smov.u32 s0  }
0x318: {  	v4 =	vld.idx.msk [tilespmem:v5+s3+$0x0], $0xffff;
	vm0 =	vgt.s32 v6, $0x0  }
0x319: {  	v5 =	vnsel vm0, $0x0, v6  }
0x31a: {  	v5 =	vmin.u32 v5, $0x1869F;
	v6 =	vld [tilespmem:s30+$0x18720];
	_ =	sdelay $0x3  }
0x31b: {  	[tilespmem:s30+$0x18F00] =	vst v4  }
0x31c: {  	v4 =	vld.idx.msk [tilespmem:v5+s3+$0x0], $0xffff;
	vm0 =	vgt.s32 v6, $0x0  }
0x31d: {  	v5 =	vnsel vm0, $0x0, v6  }
0x31e: {  	v5 =	vmin.u32 v5, $0x1869F;
	v6 =	vld [tilespmem:s30+$0x18730];
	_ =	sdelay $0x3  }
0x31f: {  	[tilespmem:s30+$0x18F10] =	vst v4  }
0x320: {  	v4 =	vld.idx.msk [tilespmem:v5+s3+$0x0], $0xffff;
	vm0 =	vgt.s32 v6, $0x0  }
0x321: {  	v5 =	vnsel vm0, $0x0, v6  }
0x322: {  	v5 =	vmin.u32 v5, $0x1869F;
	v6 =	vld [tilespmem:s30+$0x18740];
	_ =	sdelay $0x3  }
0x323: {  	[tilespmem:s30+$0x18F20] =	vst v4  }
0x324: {  	v4 =	vld.idx.msk [tilespmem:v5+s3+$0x0], $0xffff;
	vm0 =	vgt.s32 v6, $0x0  }
0x325: {  	v5 =	vnsel vm0, $0x0, v6  }
0x326: {  	v5 =	vmin.u32 v5, $0x1869F;
	v6 =	vld [tilespmem:s30+$0x18750];
	_ =	sdelay $0x3  }
0x327: {  	[tilespmem:s30+$0x18F30] =	vst v4  }
0x328: {  	v4 =	vld.idx.msk [tilespmem:v5+s3+$0x0], $0xffff;
	vm0 =	vgt.s32 v6, $0x0  }
0x329: {  	v5 =	vnsel vm0, $0x0, v6  }
0x32a: {  	v5 =	vmin.u32 v5, $0x1869F;
	v6 =	vld [tilespmem:s30+$0x18760];
	_ =	sdelay $0x3  }
0x32b: {  	[tilespmem:s30+$0x18F40] =	vst v4  }
0x32c: {  	v4 =	vld.idx.msk [tilespmem:v5+s3+$0x0], $0xffff;
	vm0 =	vgt.s32 v6, $0x0  }
0x32d: {  	v5 =	vnsel vm0, $0x0, v6  }
0x32e: {  	v5 =	vmin.u32 v5, $0x1869F;
	v6 =	vld [tilespmem:s30+$0x18770];
	_ =	sdelay $0x1  }
.Ltmp10:
0x32f: {  	(pc) =	sbr.rel @p3 .LBB2_18-.Ltmp10, $4  }
0x330: {  	_ = 	snop  }
0x331: {  	[tilespmem:s30+$0x18F50] =	vst v4  }
0x332: {  	v4 =	vld.idx.msk [tilespmem:v5+s3+$0x0], $0xffff;
	vm0 =	vgt.s32 v6, $0x0  }
0x333: {  	s0 =	sshra.s32 s31, $0x2;
	s31 =	sadd.s32 $0x200, s31;
	v5 =	vnsel vm0, $0x0, v6  }
0x334: {  	v6 =	vld [tilespmem:s0+$0x18700];
	v5 =	vmin.u32 v5, $0x1869F;
	_ =	sdelay $0x3  }
0x335: {  	[tilespmem:s30+$0x18F60] =	vst v4  }
0x336: {  	vm0 =	vgt.s32 v6, $0x0;
	v4 =	vld.idx.msk [tilespmem:v5+s3+$0x0], $0xffff  }
0x337: {  	v57 =	vld [tilespmem:s0+$0x18710];
	v5 =	vnsel vm0, $0x0, v6  }
0x338: {  	v5 =	vmin.u32 v5, $0x1869F;
	_ =	sdelay $0x2  }
0x339: {  	[tilespmem:s30+$0x18F70] =	vst v4  }
0x33a: {  	vm9 =	vgt.s32 v57, $0x0;
	v58 =	vld [tilespmem:s0+$0x18720]  }
0x33b: {  	v4 =	vld.idx.msk [tilespmem:v5+s3+$0x0], $0xffff;
	v5 =	vnsel vm9, $0x0, v57  }
0x33c: {  	v5 =	vmin.u32 v5, $0x1869F;
	_ =	sdelay $0x3  }
0x33d: {  	v59 =	vld [tilespmem:s0+$0x18730];
	vm10 =	vgt.s32 v58, $0x0;
	[tilespmem:s0+$0x18F00] =	vst v4  }
0x33e: {  	v4 =	vld.idx.msk [tilespmem:v5+s3+$0x0], $0xffff;
	v5 =	vnsel vm10, $0x0, v58  }
0x33f: {  	v5 =	vmin.u32 v5, $0x1869F;
	_ =	sdelay $0x3  }
0x340: {  	v60 =	vld [tilespmem:s0+$0x18740];
	vm11 =	vgt.s32 v59, $0x0;
	[tilespmem:s0+$0x18F10] =	vst v4  }
0x341: {  	v4 =	vld.idx.msk [tilespmem:v5+s3+$0x0], $0xffff;
	v5 =	vnsel vm11, $0x0, v59  }
0x342: {  	v5 =	vmin.u32 v5, $0x1869F;
	_ =	sdelay $0x3  }
0x343: {  	v61 =	vld [tilespmem:s0+$0x18750];
	vm12 =	vgt.s32 v60, $0x0;
	[tilespmem:s0+$0x18F20] =	vst v4  }
0x344: {  	v4 =	vld.idx.msk [tilespmem:v5+s3+$0x0], $0xffff;
	v5 =	vnsel vm12, $0x0, v60  }
0x345: {  	v5 =	vmin.u32 v5, $0x1869F;
	_ =	sdelay $0x3  }
0x346: {  	v62 =	vld [tilespmem:s0+$0x18760];
	vm13 =	vgt.s32 v61, $0x0;
	[tilespmem:s0+$0x18F30] =	vst v4  }
0x347: {  	v4 =	vld.idx.msk [tilespmem:v5+s3+$0x0], $0xffff;
	v5 =	vnsel vm13, $0x0, v61  }
0x348: {  	v5 =	vmin.u32 v5, $0x1869F;
	_ =	sdelay $0x3  }
0x349: {  	v63 =	vld [tilespmem:s0+$0x18770];
	vm14 =	vgt.s32 v62, $0x0;
	[tilespmem:s0+$0x18F40] =	vst v4  }
0x34a: {  	v4 =	vld.idx.msk [tilespmem:v5+s3+$0x0], $0xffff;
	v5 =	vnsel vm14, $0x0, v62  }
0x34b: {  	v5 =	vmin.u32 v5, $0x1869F;
	_ =	sdelay $0x3  }
0x34c: {  	vm15 =	vgt.s32 v63, $0x0;
	[tilespmem:s0+$0x18F50] =	vst v4  }
0x34d: {  	v4 =	vld.idx.msk [tilespmem:v5+s3+$0x0], $0xffff;
	v5 =	vnsel vm15, $0x0, v63  }
0x34e: {  	v5 =	vmin.u32 v5, $0x1869F;
	_ =	sdelay $0x3  }
0x34f: {  	[tilespmem:s0+$0x18F60] =	vst v4  }
0x350: {  	v4 =	vld.idx.msk [tilespmem:v5+s3+$0x0], $0xffff;
	_ =	sdelay $0x4  }
0x351: {  	[tilespmem:s0+$0x18F70] =	vst v4  }
0x352: {  	[spmem:s2] =	stream.indirect.scatter.add.f32 [tilespmem:s23], [sflag:$0x2], $0x80, s28, s21, $0xb8;
	[tilespmem:$0x19B00] =	vst v63  }
0x353: {  	_ =	swait.ge [sflag:s20], $0x800  }
0x354: {  	[sflag:s20] =	ssyncset.done $0x0  }
0x355: {  	s0 =	sshll.u32 @!p1 s1, $0x6;
	[sflag:s20] =	ssyncadd.s32 $0xFFFFF800  }
0x356: {  	s0 =	sor.u32 @!p1 $0x1C02, s0;
	[bflag:$0x0] =	sbarrier.arrive $0xFFFF  }
0x357: {  	[hbm:s15], [sflag:s0] =	dma.local @!p1 [spmem:s25], $0x80  }
.Ltmp11:
0x358: {  	_ = 	snop;
	(pc) =	sbr.rel .LBB2_20-.Ltmp11, $4  }
0x359: {  	s0 =	simm.s32 @!p1 $0x2  }
0x35a: {  	_ =	swait.ge @!p1 [sflag:s0], $0x80  }
0x35b: {  	[sflag:s0] =	ssyncset.done @!p1 $0x0  }
0x35c: {  	[sflag:s0] =	ssyncadd.s32 @!p1 $0xFFFFFF80  }
.LBB2_21:
0x35d: {  	_ =	sfence.sel $0x180000  }
0x35e: {  	[bflag:$0x0] =	sbarrier.arrive $0xFFFF  }
0x35f: {  	_ =	strace $0x90000047  }
0x360: {  	[bflag:$0x2] =	sbarrier.arrive $0xFFFF  }
0x361: {  	p0 =	sne.s32 s1, $0x0;
	s0 =	rddreg [dreg:$0x5]  }
0x362: {  	s0 =	sadd.s32 @!p0 $0x100000, s0  }
0x363: {  	[sflag:s0] =	ssyncadd.tile.s32 @!p0 $0x1;
	_ =	shalt  }
.Lfunc_end2:
_tile_overlayer_lowered:
.L_overlay_start_2:
0x364: {  	(tag) =	ssettag $0x2  }
0x365: {  	s0 =	rddreg [dreg:$0x0];
	s2 =	stileid.u32  }
0x366: {  	s1 =	rddreg [dreg:$0x1];
	p0 =	sne.s32 s2, $0x0  }
0x367: {  	s3 =	rddreg [dreg:$0x2];
	[bflag:$0x3] =	sbarrier.arrive $0xFFFF;
	s2 =	simm.s32 @!p0 $0x1C02  }
0x368: {  	[timem:s3], [sflag:s2] =	dma.local @!p0 [hbm:s0], s1  }
0x369: {  	s0 =	simm.s32 @!p0 $0x2  }
0x36a: {  	_ =	swait.ge @!p0 [sflag:s0], s1  }
0x36b: {  	s1 =	ssub.s32 @!p0 $0x0, s1;
	[sflag:s0] =	ssyncset.done @!p0 $0x0  }
0x36c: {  	[sflag:s0] =	ssyncadd.s32 @!p0 s1  }
0x36d: {  	[bflag:$0x3] =	sbarrier.arrive $0xFFFF  }
0x36e: {  	_ =	shalt  }

</sc_bundles>
